<compile_context>
chip_gen: v7x
topology: tpu7x:2x2x1
jax: 0.10.2.dev20260603
libtpu: 0.0.44.dev20260713+nightly
codegen_flags: <defaults>
</compile_context>

<pallas_src>
import functools

import jax
import jax.numpy as jnp
from jax import lax
from jax.experimental import pallas as pl
from jax.experimental.pallas import tpu as pltpu
from jax.experimental.pallas import tpu_sc as plsc

N = 10000
E = 320000
D = 128
G = 64

NC = 2
NS = 16
NW = NC * NS

CHUNK = 120
NCH = 84
PER_TILE = NCH * CHUNK
E_PAD = NW * PER_TILE
N_PAD = 10112
RPT = N_PAD // NS
NRB = 3
NIB = 6
UNROLL = 6

@functools.cache
def _make_sc_scatter_add():
    mesh = plsc.VectorSubcoreMesh(
        core_axis_name="c", subcore_axis_name="s", num_cores=NC, num_subcores=NS
    )

    @functools.partial(
        pl.kernel,
        out_type=jax.ShapeDtypeStruct((NC, N_PAD, D), jnp.float32),
        mesh=mesh,
        scratch_types=[
            [pltpu.VMEM((CHUNK, D), jnp.float32)] * NRB,
            [pltpu.VMEM((1, 1, CHUNK), jnp.int32)] * NIB,
            [pltpu.VMEM((1, 1, CHUNK), jnp.int32)] * NIB,
            pltpu.VMEM_SHARED((N_PAD, D), jnp.float32),
            [pltpu.SemaphoreType.DMA] * NRB,
            [pltpu.SemaphoreType.DMA] * NRB,
            [pltpu.SemaphoreType.DMA] * NIB,
        ],
    )
    def _sc_scatter_add(h_hbm, src_hbm, dst_hbm, out_hbm,
                        rows, sbuf, dbuf, acc, gsem, ssem, isem):
        c = lax.axis_index("c")
        s = lax.axis_index("s")
        wid = s * NC + c

        def idx_load(j, y):
            row = wid * NCH + j
            pltpu.async_copy(src_hbm.at[pl.ds(row, 1)], sbuf[y], isem[y])
            pltpu.async_copy(dst_hbm.at[pl.ds(row, 1)], dbuf[y], isem[y])

        def idx_wait(y):
            pltpu.make_async_copy(src_hbm.at[pl.ds(0, 1)], sbuf[y],
                                  isem[y]).wait()
            pltpu.make_async_copy(src_hbm.at[pl.ds(0, 1)], dbuf[y],
                                  isem[y]).wait()

        def gather_start(x, y):
            pltpu.async_copy(h_hbm.at[sbuf[y].at[0, 0]], rows[x], gsem[x])

        def gather_wait(x, y):
            pltpu.make_async_copy(h_hbm.at[sbuf[y].at[0, 0]], rows[x],
                                  gsem[x]).wait()

        def scatter_start(x, y):
            pltpu.async_copy(rows[x], acc.at[dbuf[y].at[0, 0]], ssem[x],
                             add=True)

        def scatter_wait(x, y):
            pltpu.make_async_copy(rows[x], acc.at[dbuf[y].at[0, 0]],
                                  ssem[x]).wait()

        zz = jnp.zeros((16,), jnp.float32)

        def zbody(i, carry):
            for k in range(D // 16):
                rows[0][i, pl.ds(k * 16, 16)] = zz
            return carry

        lax.fori_loop(0, CHUNK, zbody, 0)
        steps = []
        off = 0
        while off < RPT:
            step = min(CHUNK, RPT - off)
            steps.append((off, step))
            off += step
        for off, step in steps:
            pltpu.async_copy(rows[0].at[pl.ds(0, step)],
                             acc.at[pl.ds(s * RPT + off, step)], ssem[0])
        for dj in range(NRB):
            idx_load(dj, dj % NIB)
        for off, step in steps:
            pltpu.make_async_copy(rows[0].at[pl.ds(0, step)],
                                  acc.at[pl.ds(s * RPT + off, step)],
                                  ssem[0]).wait()
        plsc.subcore_barrier()

        nt = NCH // UNROLL

        def body(t, carry):
            j0 = t * UNROLL
            for dj in range(UNROLL):
                x = dj % NRB
                y = dj % NIB
                j = j0 + dj

                if dj >= NRB:
                    scatter_wait(x, (dj - NRB) % NIB)
                else:
                    @pl.when(t > 0)
                    def _():
                        scatter_wait(x, (dj - NRB) % NIB)
                yn = (dj + NRB) % NIB
                if dj + NRB < UNROLL:
                    idx_load(j + NRB, yn)
                else:
                    @pl.when(t < nt - 1)
                    def _():
                        idx_load(j + NRB, yn)

                idx_wait(y)
                gather_start(x, y)

                xp = (dj - 1) % NRB
                yp = (dj - 1) % NIB
                if dj == 0:
                    @pl.when(t > 0)
                    def _():
                        gather_wait(xp, yp)
                        scatter_start(xp, yp)
                else:
                    gather_wait(xp, yp)
                    scatter_start(xp, yp)
            return carry

        lax.fori_loop(0, nt, body, 0)
        xl = (NCH - 1) % NRB
        yl = (NCH - 1) % NIB
        gather_wait(xl, yl)
        scatter_start(xl, yl)
        for k in range(NRB):
            j = NCH - NRB + k
            scatter_wait(j % NRB, j % NIB)
        plsc.subcore_barrier()
        pltpu.sync_copy(acc.at[pl.ds(s * RPT, RPT)],
                        out_hbm.at[c, pl.ds(s * RPT, RPT)])

    return _sc_scatter_add


def _tc_in_body(x_ref, w_ref, b_ref, o_ref):
    o_ref[...] = jnp.maximum(
        jnp.dot(x_ref[...], w_ref[...], preferred_element_type=jnp.float32)
        + b_ref[...], 0.0)


def _tc_layer_body(p_ref, h_ref, w_ref, b_ref, g_ref, be_ref, o_ref):
    agg = p_ref[0] + p_ref[1] + h_ref[...]
    z = jnp.dot(agg, w_ref[...], preferred_element_type=jnp.float32) + b_ref[...]
    mu = jnp.mean(z, axis=-1, keepdims=True)
    var = jnp.mean((z - mu) ** 2, axis=-1, keepdims=True)
    zn = (z - mu) / jnp.sqrt(var + 1e-5) * g_ref[...] + be_ref[...]
    o_ref[...] = jnp.maximum(zn, 0.0)


def _tc_layer_pool_body(p_ref, h_ref, w_ref, b_ref, g_ref, be_ref,
                        batch_ref, wout_ref, bout_ref, o_ref,
                        pooled_ref, cnt_ref):
    i = pl.program_id(0)
    agg = p_ref[0] + p_ref[1] + h_ref[...]
    z = jnp.dot(agg, w_ref[...], preferred_element_type=jnp.float32) + b_ref[...]
    mu = jnp.mean(z, axis=-1, keepdims=True)
    var = jnp.mean((z - mu) ** 2, axis=-1, keepdims=True)
    zn = (z - mu) / jnp.sqrt(var + 1e-5) * g_ref[...] + be_ref[...]
    h2 = jnp.maximum(zn, 0.0)
    gids = lax.broadcasted_iota(jnp.int32, (G, BN), 0)
    onehot = (batch_ref[0] == gids).astype(jnp.float32)
    pooled = jnp.dot(onehot, h2, preferred_element_type=jnp.float32)
    counts = jnp.sum(onehot, axis=1, keepdims=True)

    @pl.when(i == 0)
    def _():
        pooled_ref[...] = pooled
        cnt_ref[...] = counts

    @pl.when(i > 0)
    def _():
        pooled_ref[...] += pooled
        cnt_ref[...] += counts

    @pl.when(i == pl.num_programs(0) - 1)
    def _():
        mean = pooled_ref[...] / jnp.maximum(cnt_ref[...], 1.0)
        o_ref[...] = (jnp.dot(mean, wout_ref[...],
                              preferred_element_type=jnp.float32)
                      + bout_ref[...])


BN = 2000


def _tc_in(x, w, b2):
    return pl.pallas_call(
        _tc_in_body,
        grid=(N // BN,),
        in_specs=[
            pl.BlockSpec((BN, D), lambda i: (i, 0)),
            pl.BlockSpec((D, D), lambda i: (0, 0)),
            pl.BlockSpec((1, D), lambda i: (0, 0)),
        ],
        out_specs=pl.BlockSpec((BN, D), lambda i: (i, 0)),
        out_shape=jax.ShapeDtypeStruct((N, D), jnp.float32),
    )(x, w, b2)


def _tc_layer(p, h, w, b2, g2, be2):
    return pl.pallas_call(
        _tc_layer_body,
        grid=(N // BN,),
        in_specs=[
            pl.BlockSpec((NC, BN, D), lambda i: (0, i, 0)),
            pl.BlockSpec((BN, D), lambda i: (i, 0)),
            pl.BlockSpec((D, D), lambda i: (0, 0)),
            pl.BlockSpec((1, D), lambda i: (0, 0)),
            pl.BlockSpec((1, D), lambda i: (0, 0)),
            pl.BlockSpec((1, D), lambda i: (0, 0)),
        ],
        out_specs=pl.BlockSpec((BN, D), lambda i: (i, 0)),
        out_shape=jax.ShapeDtypeStruct((N, D), jnp.float32),
    )(p, h, w, b2, g2, be2)


def kernel(node_features, edge_features, edge_index, batch,
           W_in, b_in, W1, b1, g1, be1, W2, b2, g2, be2, W_out, b_out):
    src = edge_index[0].astype(jnp.int32)
    dst = edge_index[1].astype(jnp.int32)
    pad = E_PAD - E
    ar = jnp.arange(pad, dtype=jnp.int32)
    src_p = jnp.concatenate([src, ar % N]).reshape(NW * NCH, 1, CHUNK)
    dst_p = jnp.concatenate([dst, N + (ar % (N_PAD - N))]).reshape(NW * NCH, 1, CHUNK)

    b_in2 = b_in.reshape(1, D)
    b1r, g1r, be1r = b1.reshape(1, D), g1.reshape(1, D), be1.reshape(1, D)
    b2r, g2r, be2r = b2.reshape(1, D), g2.reshape(1, D), be2.reshape(1, D)
    batch_blk = batch.reshape(N // BN, 1, BN).astype(jnp.int32)
    wout_col = W_out.reshape(D, 1)
    bout2 = b_out.reshape(1, 1)

    h0 = _tc_in(node_features, W_in, b_in2)

    sc_scatter_add = _make_sc_scatter_add()
    p1 = sc_scatter_add(h0, src_p, dst_p)

    h1 = _tc_layer(p1, h0, W1, b1r, g1r, be1r)

    p2 = sc_scatter_add(h1, src_p, dst_p)

    out = pl.pallas_call(
        _tc_layer_pool_body,
        grid=(N // BN,),
        in_specs=[
            pl.BlockSpec((NC, BN, D), lambda i: (0, i, 0)),
            pl.BlockSpec((BN, D), lambda i: (i, 0)),
            pl.BlockSpec((D, D), lambda i: (0, 0)),
            pl.BlockSpec((1, D), lambda i: (0, 0)),
            pl.BlockSpec((1, D), lambda i: (0, 0)),
            pl.BlockSpec((1, D), lambda i: (0, 0)),
            pl.BlockSpec((1, 1, BN), lambda i: (i, 0, 0)),
            pl.BlockSpec((D, 1), lambda i: (0, 0)),
            pl.BlockSpec((1, 1), lambda i: (0, 0)),
        ],
        out_specs=pl.BlockSpec((G, 1), lambda i: (0, 0)),
        out_shape=jax.ShapeDtypeStruct((G, 1), jnp.float32),
        scratch_shapes=[
            pltpu.VMEM((G, D), jnp.float32),
            pltpu.VMEM((G, 1), jnp.float32),
        ],
    )(p2, h1, W2, b2r, g2r, be2r, batch_blk, wout_col, bout2)

    return out

# --- scband reference (transcript-rebuilt; emitter-appended) ---
"""Pipeline reference for scband-gcnregressor-5514738008948 (READ-ONLY COPY).

The authoritative reference and input builder live on the scoring server;
editing this copy changes nothing except your own understanding.
"""

import jax, jax.numpy as jnp
import numpy as np

N = 10000
E = 320000
D = 128
H = 128
G = 64


def _layernorm(x, g, b, eps=1e-5):
    mu = jnp.mean(x, axis=-1, keepdims=True)
    var = jnp.mean((x - mu) ** 2, axis=-1, keepdims=True)
    return (x - mu) / jnp.sqrt(var + eps) * g + b


def setup_inputs(seed: int = 0) -> dict:
    key = jax.random.key(seed)
    ks = jax.random.split(key, 16)
    node_features = jax.random.normal(ks[0], (N, D), dtype=jnp.float32)
    edge_features = jax.random.normal(ks[1], (E, 4), dtype=jnp.float32)
    edge_index = jax.random.randint(ks[2], (2, E), 0, N, dtype=jnp.int64) if jax.config.jax_enable_x64 else jax.random.randint(ks[2], (2, E), 0, N, dtype=jnp.int32)
    batch = jnp.sort(jax.random.randint(ks[3], (N,), 0, G, dtype=jnp.int32))
    batch = batch.at[-1].set(G - 1)
    s_in = 1.0 / np.sqrt(D)
    s_h = 1.0 / np.sqrt(H)
    W_in = jax.random.normal(ks[4], (D, H), dtype=jnp.float32) * s_in
    b_in = jnp.zeros((H,), dtype=jnp.float32)
    W1 = jax.random.normal(ks[5], (H, H), dtype=jnp.float32) * s_h
    b1 = jnp.zeros((H,), dtype=jnp.float32)
    g1 = jnp.ones((H,), dtype=jnp.float32)
    be1 = jnp.zeros((H,), dtype=jnp.float32)
    W2 = jax.random.normal(ks[6], (H, H), dtype=jnp.float32) * s_h
    b2 = jnp.zeros((H,), dtype=jnp.float32)
    g2 = jnp.ones((H,), dtype=jnp.float32)
    be2 = jnp.zeros((H,), dtype=jnp.float32)
    W_out = jax.random.normal(ks[7], (H, 1), dtype=jnp.float32) * s_h
    b_out = jnp.zeros((1,), dtype=jnp.float32)
    return {
        "node_features": node_features,
        "edge_features": edge_features,
        "edge_index": edge_index,
        "batch": batch,
        "W_in": W_in, "b_in": b_in,
        "W1": W1, "b1": b1, "g1": g1, "be1": be1,
        "W2": W2, "b2": b2, "g2": g2, "be2": be2,
        "W_out": W_out, "b_out": b_out,
    }


def reference(node_features, edge_features, edge_index, batch,
              W_in, b_in, W1, b1, g1, be1, W2, b2, g2, be2, W_out, b_out):
    # input projection
    h = jax.nn.relu(node_features @ W_in + b_in)
    src = edge_index[0]
    dst = edge_index[1]
    # layer 1: scatter-add aggregation of h[src] into dst, residual, linear, LN, relu (dropout p=0)
    agg = jnp.zeros_like(h).at[dst].add(h[src])
    z = (agg + h) @ W1 + b1
    h = jax.nn.relu(_layernorm(z, g1, be1))
    # layer 2
    agg = jnp.zeros_like(h).at[dst].add(h[src])
    z = (agg + h) @ W2 + b2
    h = jax.nn.relu(_layernorm(z, g2, be2))
    # mean pool per graph
    pooled = jnp.zeros((G, h.shape[1]), dtype=h.dtype).at[batch].add(h)
    counts = jnp.clip(jnp.bincount(batch, length=G).astype(h.dtype), 1.0, None)[:, None]
    return (pooled / counts) @ W_out + b_out

if __name__ == "__main__":
    import jax
    _d = setup_inputs()
    print(jax.jit(kernel)(*tuple(_d.values())))

</pallas_src>

<mosaic_0001>
#map = affine_map<(d0, d1) -> (0, 0)>
#map1 = affine_map<(d0, d1) -> (0, 0, 0)>
module attributes {stable_mosaic.version = 14 : i64} {
  func.func @_sc_scatter_add(%arg0: i32, %arg1: i32, %arg2: memref<10000x128xf32, #tpu.memory_space<hbm>>, %arg3: memref<2688x1x120xi32, #tpu.memory_space<hbm>>, %arg4: memref<2688x1x120xi32, #tpu.memory_space<hbm>>, %arg5: memref<2x10112x128xf32, #tpu.memory_space<hbm>>, %arg6: memref<120x128xf32, #tpu.memory_space<vmem>>, %arg7: memref<120x128xf32, #tpu.memory_space<vmem>>, %arg8: memref<120x128xf32, #tpu.memory_space<vmem>>, %arg9: memref<1x1x120xi32, #tpu.memory_space<vmem>>, %arg10: memref<1x1x120xi32, #tpu.memory_space<vmem>>, %arg11: memref<1x1x120xi32, #tpu.memory_space<vmem>>, %arg12: memref<1x1x120xi32, #tpu.memory_space<vmem>>, %arg13: memref<1x1x120xi32, #tpu.memory_space<vmem>>, %arg14: memref<1x1x120xi32, #tpu.memory_space<vmem>>, %arg15: memref<1x1x120xi32, #tpu.memory_space<vmem>>, %arg16: memref<1x1x120xi32, #tpu.memory_space<vmem>>, %arg17: memref<1x1x120xi32, #tpu.memory_space<vmem>>, %arg18: memref<1x1x120xi32, #tpu.memory_space<vmem>>, %arg19: memref<1x1x120xi32, #tpu.memory_space<vmem>>, %arg20: memref<1x1x120xi32, #tpu.memory_space<vmem>>, %arg21: memref<10112x128xf32, #tpu.memory_space<vmem_shared>>, %arg22: memref<!tpu.dma_semaphore, #tpu.memory_space<semaphore_mem>>, %arg23: memref<!tpu.dma_semaphore, #tpu.memory_space<semaphore_mem>>, %arg24: memref<!tpu.dma_semaphore, #tpu.memory_space<semaphore_mem>>, %arg25: memref<!tpu.dma_semaphore, #tpu.memory_space<semaphore_mem>>, %arg26: memref<!tpu.dma_semaphore, #tpu.memory_space<semaphore_mem>>, %arg27: memref<!tpu.dma_semaphore, #tpu.memory_space<semaphore_mem>>, %arg28: memref<!tpu.dma_semaphore, #tpu.memory_space<semaphore_mem>>, %arg29: memref<!tpu.dma_semaphore, #tpu.memory_space<semaphore_mem>>, %arg30: memref<!tpu.dma_semaphore, #tpu.memory_space<semaphore_mem>>, %arg31: memref<!tpu.dma_semaphore, #tpu.memory_space<semaphore_mem>>, %arg32: memref<!tpu.dma_semaphore, #tpu.memory_space<semaphore_mem>>, %arg33: memref<!tpu.dma_semaphore, #tpu.memory_space<semaphore_mem>>) attributes {dimension_semantics = [#tpu.dimension_semantics<core_parallel>, #tpu.dimension_semantics<subcore_parallel>], iteration_bounds = array<i64: 2, 16>, scalar_prefetch = 0 : i64, scratch_operands = 28 : i64, tpu.core_type = #tpu.core_type<sc_vector_subcore>, window_params = [{transform_indices = #map}, {transform_indices = #map1}, {transform_indices = #map1}, {transform_indices = #map1}]} {
    %mul3A = arith.constant 2 : i32
    %mul3A_0 = arith.muli %arg1, %mul3A : i32
    %add3A = arith.addi %mul3A_0, %arg0 : i32
    %broadcast_in_dim3A = arith.constant 0.000000e+00 : f32
    %broadcast_in_dim3A_1 = vector.broadcast %broadcast_in_dim3A : f32 to vector<16xf32>
    %scan3A = arith.constant 0 : i32
    %scan3A_2 = arith.constant 0 : i32
    %scan3A_3 = arith.constant 120 : i32
    %scan3A_4 = arith.addi %scan3A_2, %scan3A_3 : i32
    %scan3A_5 = arith.constant 1 : i32
    scf.for %scan3A_272 = %scan3A_2 to %scan3A_4 step %scan3A_5  : i32 {
      %swap3A = arith.index_cast %scan3A_272 : i32 to index
      %swap3A_273 = arith.constant 0 : index
      %swap3A_274 = tpu.vector_load %arg6[%swap3A, %swap3A_273] {strides = array<i32>} : memref<120x128xf32, #tpu.memory_space<vmem>>, vector<1x16xf32>,
      %swap3A_275 = vector.shape_cast %swap3A_274 : vector<1x16xf32> to vector<16xf32>
      %swap3A_276 = vector.shape_cast %broadcast_in_dim3A_1 : vector<16xf32> to vector<1x16xf32>
      tpu.vector_store %arg6[%swap3A, %swap3A_273], %swap3A_276 {strides = array<i32>} : memref<120x128xf32, #tpu.memory_space<vmem>>, vector<1x16xf32>,
      %swap3A_277 = arith.index_cast %scan3A_272 : i32 to index
      %swap3A_278 = arith.constant 16 : index
      %swap3A_279 = tpu.vector_load %arg6[%swap3A_277, %swap3A_278] {strides = array<i32>} : memref<120x128xf32, #tpu.memory_space<vmem>>, vector<1x16xf32>,
      %swap3A_280 = vector.shape_cast %swap3A_279 : vector<1x16xf32> to vector<16xf32>
      %swap3A_281 = vector.shape_cast %broadcast_in_dim3A_1 : vector<16xf32> to vector<1x16xf32>
      tpu.vector_store %arg6[%swap3A_277, %swap3A_278], %swap3A_281 {strides = array<i32>} : memref<120x128xf32, #tpu.memory_space<vmem>>, vector<1x16xf32>,
      %swap3A_282 = arith.index_cast %scan3A_272 : i32 to index
      %swap3A_283 = arith.constant 32 : index
      %swap3A_284 = tpu.vector_load %arg6[%swap3A_282, %swap3A_283] {strides = array<i32>} : memref<120x128xf32, #tpu.memory_space<vmem>>, vector<1x16xf32>,
      %swap3A_285 = vector.shape_cast %swap3A_284 : vector<1x16xf32> to vector<16xf32>
      %swap3A_286 = vector.shape_cast %broadcast_in_dim3A_1 : vector<16xf32> to vector<1x16xf32>
      tpu.vector_store %arg6[%swap3A_282, %swap3A_283], %swap3A_286 {strides = array<i32>} : memref<120x128xf32, #tpu.memory_space<vmem>>, vector<1x16xf32>,
      %swap3A_287 = arith.index_cast %scan3A_272 : i32 to index
      %swap3A_288 = arith.constant 48 : index
      %swap3A_289 = tpu.vector_load %arg6[%swap3A_287, %swap3A_288] {strides = array<i32>} : memref<120x128xf32, #tpu.memory_space<vmem>>, vector<1x16xf32>,
      %swap3A_290 = vector.shape_cast %swap3A_289 : vector<1x16xf32> to vector<16xf32>
      %swap3A_291 = vector.shape_cast %broadcast_in_dim3A_1 : vector<16xf32> to vector<1x16xf32>
      tpu.vector_store %arg6[%swap3A_287, %swap3A_288], %swap3A_291 {strides = array<i32>} : memref<120x128xf32, #tpu.memory_space<vmem>>, vector<1x16xf32>,
      %swap3A_292 = arith.index_cast %scan3A_272 : i32 to index
      %swap3A_293 = arith.constant 64 : index
      %swap3A_294 = tpu.vector_load %arg6[%swap3A_292, %swap3A_293] {strides = array<i32>} : memref<120x128xf32, #tpu.memory_space<vmem>>, vector<1x16xf32>,
      %swap3A_295 = vector.shape_cast %swap3A_294 : vector<1x16xf32> to vector<16xf32>
      %swap3A_296 = vector.shape_cast %broadcast_in_dim3A_1 : vector<16xf32> to vector<1x16xf32>
      tpu.vector_store %arg6[%swap3A_292, %swap3A_293], %swap3A_296 {strides = array<i32>} : memref<120x128xf32, #tpu.memory_space<vmem>>, vector<1x16xf32>,
      %swap3A_297 = arith.index_cast %scan3A_272 : i32 to index
      %swap3A_298 = arith.constant 80 : index
      %swap3A_299 = tpu.vector_load %arg6[%swap3A_297, %swap3A_298] {strides = array<i32>} : memref<120x128xf32, #tpu.memory_space<vmem>>, vector<1x16xf32>,
      %swap3A_300 = vector.shape_cast %swap3A_299 : vector<1x16xf32> to vector<16xf32>
      %swap3A_301 = vector.shape_cast %broadcast_in_dim3A_1 : vector<16xf32> to vector<1x16xf32>
      tpu.vector_store %arg6[%swap3A_297, %swap3A_298], %swap3A_301 {strides = array<i32>} : memref<120x128xf32, #tpu.memory_space<vmem>>, vector<1x16xf32>,
      %swap3A_302 = arith.index_cast %scan3A_272 : i32 to index
      %swap3A_303 = arith.constant 96 : index
      %swap3A_304 = tpu.vector_load %arg6[%swap3A_302, %swap3A_303] {strides = array<i32>} : memref<120x128xf32, #tpu.memory_space<vmem>>, vector<1x16xf32>,
      %swap3A_305 = vector.shape_cast %swap3A_304 : vector<1x16xf32> to vector<16xf32>
      %swap3A_306 = vector.shape_cast %broadcast_in_dim3A_1 : vector<16xf32> to vector<1x16xf32>
      tpu.vector_store %arg6[%swap3A_302, %swap3A_303], %swap3A_306 {strides = array<i32>} : memref<120x128xf32, #tpu.memory_space<vmem>>, vector<1x16xf32>,
      %swap3A_307 = arith.index_cast %scan3A_272 : i32 to index
      %swap3A_308 = arith.constant 112 : index
      %swap3A_309 = tpu.vector_load %arg6[%swap3A_307, %swap3A_308] {strides = array<i32>} : memref<120x128xf32, #tpu.memory_space<vmem>>, vector<1x16xf32>,
      %swap3A_310 = vector.shape_cast %swap3A_309 : vector<1x16xf32> to vector<16xf32>
      %swap3A_311 = vector.shape_cast %broadcast_in_dim3A_1 : vector<16xf32> to vector<1x16xf32>
      tpu.vector_store %arg6[%swap3A_307, %swap3A_308], %swap3A_311 {strides = array<i32>} : memref<120x128xf32, #tpu.memory_space<vmem>>, vector<1x16xf32>,
    }
    %scan3A_6 = arith.constant 120 : i32
    %mul3A_7 = arith.constant 632 : i32
    %mul3A_8 = arith.muli %arg1, %mul3A_7 : i32
    %add3A_9 = arith.constant 0 : i32
    %add3A_10 = arith.addi %mul3A_8, %add3A_9 : i32
    %dma_start3A = arith.constant 0 : i32
    %dma_start3A_11 = arith.constant 0 : i32
    %dma_start3A_12 = tpu.memref_slice %arg6[%dma_start3A, %dma_start3A_11] : memref<120x128xf32, #tpu.memory_space<vmem>> -> memref<120x128xf32, #tpu.memory_space<vmem>>
    %dma_start3A_13 = arith.constant 0 : i32
    %dma_start3A_14 = tpu.memref_slice %arg21[%add3A_10, %dma_start3A_13] : memref<10112x128xf32, #tpu.memory_space<vmem_shared>> -> memref<120x128xf32, #tpu.memory_space<vmem_shared>>
    %dma_start3A_15 = arith.constant 0 : i32
    %dma_start3A_16 = tpu.memref_slice %arg21[%add3A_10, %dma_start3A_15] : memref<10112x128xf32, #tpu.memory_space<vmem_shared>> -> memref<120x128xf32, #tpu.memory_space<vmem_shared>>
    %dma_start3A_17 = arith.constant 0 : i32
    %dma_start3A_18 = arith.constant 0 : i32
    %dma_start3A_19 = tpu.memref_slice %arg6[%dma_start3A_17, %dma_start3A_18] : memref<120x128xf32, #tpu.memory_space<vmem>> -> memref<120x128xf32, #tpu.memory_space<vmem>>
    tpu.enqueue_dma source(%dma_start3A_19 : memref<120x128xf32, #tpu.memory_space<vmem>>) target(%dma_start3A_16 : memref<120x128xf32, #tpu.memory_space<vmem_shared>>) target_semaphore(%arg25 : memref<!tpu.dma_semaphore, #tpu.memory_space<semaphore_mem>>)
    %mul3A_20 = arith.constant 632 : i32
    %mul3A_21 = arith.muli %arg1, %mul3A_20 : i32
    %add3A_22 = arith.constant 120 : i32
    %add3A_23 = arith.addi %mul3A_21, %add3A_22 : i32
    %dma_start3A_24 = arith.constant 0 : i32
    %dma_start3A_25 = arith.constant 0 : i32
    %dma_start3A_26 = tpu.memref_slice %arg6[%dma_start3A_24, %dma_start3A_25] : memref<120x128xf32, #tpu.memory_space<vmem>> -> memref<120x128xf32, #tpu.memory_space<vmem>>
    %dma_start3A_27 = arith.constant 0 : i32
    %dma_start3A_28 = tpu.memref_slice %arg21[%add3A_23, %dma_start3A_27] : memref<10112x128xf32, #tpu.memory_space<vmem_shared>> -> memref<120x128xf32, #tpu.memory_space<vmem_shared>>
    %dma_start3A_29 = arith.constant 0 : i32
    %dma_start3A_30 = tpu.memref_slice %arg21[%add3A_23, %dma_start3A_29] : memref<10112x128xf32, #tpu.memory_space<vmem_shared>> -> memref<120x128xf32, #tpu.memory_space<vmem_shared>>
    %dma_start3A_31 = arith.constant 0 : i32
    %dma_start3A_32 = arith.constant 0 : i32
    %dma_start3A_33 = tpu.memref_slice %arg6[%dma_start3A_31, %dma_start3A_32] : memref<120x128xf32, #tpu.memory_space<vmem>> -> memref<120x128xf32, #tpu.memory_space<vmem>>
    tpu.enqueue_dma source(%dma_start3A_33 : memref<120x128xf32, #tpu.memory_space<vmem>>) target(%dma_start3A_30 : memref<120x128xf32, #tpu.memory_space<vmem_shared>>) target_semaphore(%arg25 : memref<!tpu.dma_semaphore, #tpu.memory_space<semaphore_mem>>)
    %mul3A_34 = arith.constant 632 : i32
    %mul3A_35 = arith.muli %arg1, %mul3A_34 : i32
    %add3A_36 = arith.constant 240 : i32
    %add3A_37 = arith.addi %mul3A_35, %add3A_36 : i32
    %dma_start3A_38 = arith.constant 0 : i32
    %dma_start3A_39 = arith.constant 0 : i32
    %dma_start3A_40 = tpu.memref_slice %arg6[%dma_start3A_38, %dma_start3A_39] : memref<120x128xf32, #tpu.memory_space<vmem>> -> memref<120x128xf32, #tpu.memory_space<vmem>>
    %dma_start3A_41 = arith.constant 0 : i32
    %dma_start3A_42 = tpu.memref_slice %arg21[%add3A_37, %dma_start3A_41] : memref<10112x128xf32, #tpu.memory_space<vmem_shared>> -> memref<120x128xf32, #tpu.memory_space<vmem_shared>>
    %dma_start3A_43 = arith.constant 0 : i32
    %dma_start3A_44 = tpu.memref_slice %arg21[%add3A_37, %dma_start3A_43] : memref<10112x128xf32, #tpu.memory_space<vmem_shared>> -> memref<120x128xf32, #tpu.memory_space<vmem_shared>>
    %dma_start3A_45 = arith.constant 0 : i32
    %dma_start3A_46 = arith.constant 0 : i32
    %dma_start3A_47 = tpu.memref_slice %arg6[%dma_start3A_45, %dma_start3A_46] : memref<120x128xf32, #tpu.memory_space<vmem>> -> memref<120x128xf32, #tpu.memory_space<vmem>>
    tpu.enqueue_dma source(%dma_start3A_47 : memref<120x128xf32, #tpu.memory_space<vmem>>) target(%dma_start3A_44 : memref<120x128xf32, #tpu.memory_space<vmem_shared>>) target_semaphore(%arg25 : memref<!tpu.dma_semaphore, #tpu.memory_space<semaphore_mem>>)
    %mul3A_48 = arith.constant 632 : i32
    %mul3A_49 = arith.muli %arg1, %mul3A_48 : i32
    %add3A_50 = arith.constant 360 : i32
    %add3A_51 = arith.addi %mul3A_49, %add3A_50 : i32
    %dma_start3A_52 = arith.constant 0 : i32
    %dma_start3A_53 = arith.constant 0 : i32
    %dma_start3A_54 = tpu.memref_slice %arg6[%dma_start3A_52, %dma_start3A_53] : memref<120x128xf32, #tpu.memory_space<vmem>> -> memref<120x128xf32, #tpu.memory_space<vmem>>
    %dma_start3A_55 = arith.constant 0 : i32
    %dma_start3A_56 = tpu.memref_slice %arg21[%add3A_51, %dma_start3A_55] : memref<10112x128xf32, #tpu.memory_space<vmem_shared>> -> memref<120x128xf32, #tpu.memory_space<vmem_shared>>
    %dma_start3A_57 = arith.constant 0 : i32
    %dma_start3A_58 = tpu.memref_slice %arg21[%add3A_51, %dma_start3A_57] : memref<10112x128xf32, #tpu.memory_space<vmem_shared>> -> memref<120x128xf32, #tpu.memory_space<vmem_shared>>
    %dma_start3A_59 = arith.constant 0 : i32
    %dma_start3A_60 = arith.constant 0 : i32
    %dma_start3A_61 = tpu.memref_slice %arg6[%dma_start3A_59, %dma_start3A_60] : memref<120x128xf32, #tpu.memory_space<vmem>> -> memref<120x128xf32, #tpu.memory_space<vmem>>
    tpu.enqueue_dma source(%dma_start3A_61 : memref<120x128xf32, #tpu.memory_space<vmem>>) target(%dma_start3A_58 : memref<120x128xf32, #tpu.memory_space<vmem_shared>>) target_semaphore(%arg25 : memref<!tpu.dma_semaphore, #tpu.memory_space<semaphore_mem>>)
    %mul3A_62 = arith.constant 632 : i32
    %mul3A_63 = arith.muli %arg1, %mul3A_62 : i32
    %add3A_64 = arith.constant 480 : i32
    %add3A_65 = arith.addi %mul3A_63, %add3A_64 : i32
    %dma_start3A_66 = arith.constant 0 : i32
    %dma_start3A_67 = arith.constant 0 : i32
    %dma_start3A_68 = tpu.memref_slice %arg6[%dma_start3A_66, %dma_start3A_67] : memref<120x128xf32, #tpu.memory_space<vmem>> -> memref<120x128xf32, #tpu.memory_space<vmem>>
    %dma_start3A_69 = arith.constant 0 : i32
    %dma_start3A_70 = tpu.memref_slice %arg21[%add3A_65, %dma_start3A_69] : memref<10112x128xf32, #tpu.memory_space<vmem_shared>> -> memref<120x128xf32, #tpu.memory_space<vmem_shared>>
    %dma_start3A_71 = arith.constant 0 : i32
    %dma_start3A_72 = tpu.memref_slice %arg21[%add3A_65, %dma_start3A_71] : memref<10112x128xf32, #tpu.memory_space<vmem_shared>> -> memref<120x128xf32, #tpu.memory_space<vmem_shared>>
    %dma_start3A_73 = arith.constant 0 : i32
    %dma_start3A_74 = arith.constant 0 : i32
    %dma_start3A_75 = tpu.memref_slice %arg6[%dma_start3A_73, %dma_start3A_74] : memref<120x128xf32, #tpu.memory_space<vmem>> -> memref<120x128xf32, #tpu.memory_space<vmem>>
    tpu.enqueue_dma source(%dma_start3A_75 : memref<120x128xf32, #tpu.memory_space<vmem>>) target(%dma_start3A_72 : memref<120x128xf32, #tpu.memory_space<vmem_shared>>) target_semaphore(%arg25 : memref<!tpu.dma_semaphore, #tpu.memory_space<semaphore_mem>>)
    %mul3A_76 = arith.constant 632 : i32
    %mul3A_77 = arith.muli %arg1, %mul3A_76 : i32
    %add3A_78 = arith.constant 600 : i32
    %add3A_79 = arith.addi %mul3A_77, %add3A_78 : i32
    %dma_start3A_80 = arith.constant 0 : i32
    %dma_start3A_81 = arith.constant 0 : i32
    %dma_start3A_82 = tpu.memref_slice %arg6[%dma_start3A_80, %dma_start3A_81] : memref<120x128xf32, #tpu.memory_space<vmem>> -> memref<32x128xf32, #tpu.memory_space<vmem>>
    %dma_start3A_83 = arith.constant 0 : i32
    %dma_start3A_84 = tpu.memref_slice %arg21[%add3A_79, %dma_start3A_83] : memref<10112x128xf32, #tpu.memory_space<vmem_shared>> -> memref<32x128xf32, #tpu.memory_space<vmem_shared>>
    %dma_start3A_85 = arith.constant 0 : i32
    %dma_start3A_86 = tpu.memref_slice %arg21[%add3A_79, %dma_start3A_85] : memref<10112x128xf32, #tpu.memory_space<vmem_shared>> -> memref<32x128xf32, #tpu.memory_space<vmem_shared>>
    %dma_start3A_87 = arith.constant 0 : i32
    %dma_start3A_88 = arith.constant 0 : i32
    %dma_start3A_89 = tpu.memref_slice %arg6[%dma_start3A_87, %dma_start3A_88] : memref<120x128xf32, #tpu.memory_space<vmem>> -> memref<32x128xf32, #tpu.memory_space<vmem>>
    tpu.enqueue_dma source(%dma_start3A_89 : memref<32x128xf32, #tpu.memory_space<vmem>>) target(%dma_start3A_86 : memref<32x128xf32, #tpu.memory_space<vmem_shared>>) target_semaphore(%arg25 : memref<!tpu.dma_semaphore, #tpu.memory_space<semaphore_mem>>)
    %mul3A_90 = arith.constant 84 : i32
    %mul3A_91 = arith.muli %add3A, %mul3A_90 : i32
    %add3A_92 = arith.constant 0 : i32
    %add3A_93 = arith.addi %mul3A_91, %add3A_92 : i32
    %dma_start3A_94 = arith.constant 0 : i32
    %dma_start3A_95 = arith.constant 0 : i32
    %dma_start3A_96 = tpu.memref_slice %arg3[%add3A_93, %dma_start3A_94, %dma_start3A_95] : memref<2688x1x120xi32, #tpu.memory_space<hbm>> -> memref<1x1x120xi32, #tpu.memory_space<hbm>>
    %dma_start3A_97 = arith.constant 0 : i32
    %dma_start3A_98 = arith.constant 0 : i32
    %dma_start3A_99 = tpu.memref_slice %arg3[%add3A_93, %dma_start3A_97, %dma_start3A_98] : memref<2688x1x120xi32, #tpu.memory_space<hbm>> -> memref<1x1x120xi32, #tpu.memory_space<hbm>>
    tpu.enqueue_dma source(%dma_start3A_99 : memref<1x1x120xi32, #tpu.memory_space<hbm>>) target(%arg9 : memref<1x1x120xi32, #tpu.memory_space<vmem>>) target_semaphore(%arg28 : memref<!tpu.dma_semaphore, #tpu.memory_space<semaphore_mem>>)
    %dma_start3A_100 = arith.constant 0 : i32
    %dma_start3A_101 = arith.constant 0 : i32
    %dma_start3A_102 = tpu.memref_slice %arg4[%add3A_93, %dma_start3A_100, %dma_start3A_101] : memref<2688x1x120xi32, #tpu.memory_space<hbm>> -> memref<1x1x120xi32, #tpu.memory_space<hbm>>
    %dma_start3A_103 = arith.constant 0 : i32
    %dma_start3A_104 = arith.constant 0 : i32
    %dma_start3A_105 = tpu.memref_slice %arg4[%add3A_93, %dma_start3A_103, %dma_start3A_104] : memref<2688x1x120xi32, #tpu.memory_space<hbm>> -> memref<1x1x120xi32, #tpu.memory_space<hbm>>
    tpu.enqueue_dma source(%dma_start3A_105 : memref<1x1x120xi32, #tpu.memory_space<hbm>>) target(%arg15 : memref<1x1x120xi32, #tpu.memory_space<vmem>>) target_semaphore(%arg28 : memref<!tpu.dma_semaphore, #tpu.memory_space<semaphore_mem>>)
    %mul3A_106 = arith.constant 84 : i32
    %mul3A_107 = arith.muli %add3A, %mul3A_106 : i32
    %add3A_108 = arith.constant 1 : i32
    %add3A_109 = arith.addi %mul3A_107, %add3A_108 : i32
    %dma_start3A_110 = arith.constant 0 : i32
    %dma_start3A_111 = arith.constant 0 : i32
    %dma_start3A_112 = tpu.memref_slice %arg3[%add3A_109, %dma_start3A_110, %dma_start3A_111] : memref<2688x1x120xi32, #tpu.memory_space<hbm>> -> memref<1x1x120xi32, #tpu.memory_space<hbm>>
    %dma_start3A_113 = arith.constant 0 : i32
    %dma_start3A_114 = arith.constant 0 : i32
    %dma_start3A_115 = tpu.memref_slice %arg3[%add3A_109, %dma_start3A_113, %dma_start3A_114] : memref<2688x1x120xi32, #tpu.memory_space<hbm>> -> memref<1x1x120xi32, #tpu.memory_space<hbm>>
    tpu.enqueue_dma source(%dma_start3A_115 : memref<1x1x120xi32, #tpu.memory_space<hbm>>) target(%arg10 : memref<1x1x120xi32, #tpu.memory_space<vmem>>) target_semaphore(%arg29 : memref<!tpu.dma_semaphore, #tpu.memory_space<semaphore_mem>>)
    %dma_start3A_116 = arith.constant 0 : i32
    %dma_start3A_117 = arith.constant 0 : i32
    %dma_start3A_118 = tpu.memref_slice %arg4[%add3A_109, %dma_start3A_116, %dma_start3A_117] : memref<2688x1x120xi32, #tpu.memory_space<hbm>> -> memref<1x1x120xi32, #tpu.memory_space<hbm>>
    %dma_start3A_119 = arith.constant 0 : i32
    %dma_start3A_120 = arith.constant 0 : i32
    %dma_start3A_121 = tpu.memref_slice %arg4[%add3A_109, %dma_start3A_119, %dma_start3A_120] : memref<2688x1x120xi32, #tpu.memory_space<hbm>> -> memref<1x1x120xi32, #tpu.memory_space<hbm>>
    tpu.enqueue_dma source(%dma_start3A_121 : memref<1x1x120xi32, #tpu.memory_space<hbm>>) target(%arg16 : memref<1x1x120xi32, #tpu.memory_space<vmem>>) target_semaphore(%arg29 : memref<!tpu.dma_semaphore, #tpu.memory_space<semaphore_mem>>)
    %mul3A_122 = arith.constant 84 : i32
    %mul3A_123 = arith.muli %add3A, %mul3A_122 : i32
    %add3A_124 = arith.constant 2 : i32
    %add3A_125 = arith.addi %mul3A_123, %add3A_124 : i32
    %dma_start3A_126 = arith.constant 0 : i32
    %dma_start3A_127 = arith.constant 0 : i32
    %dma_start3A_128 = tpu.memref_slice %arg3[%add3A_125, %dma_start3A_126, %dma_start3A_127] : memref<2688x1x120xi32, #tpu.memory_space<hbm>> -> memref<1x1x120xi32, #tpu.memory_space<hbm>>
    %dma_start3A_129 = arith.constant 0 : i32
    %dma_start3A_130 = arith.constant 0 : i32
    %dma_start3A_131 = tpu.memref_slice %arg3[%add3A_125, %dma_start3A_129, %dma_start3A_130] : memref<2688x1x120xi32, #tpu.memory_space<hbm>> -> memref<1x1x120xi32, #tpu.memory_space<hbm>>
    tpu.enqueue_dma source(%dma_start3A_131 : memref<1x1x120xi32, #tpu.memory_space<hbm>>) target(%arg11 : memref<1x1x120xi32, #tpu.memory_space<vmem>>) target_semaphore(%arg30 : memref<!tpu.dma_semaphore, #tpu.memory_space<semaphore_mem>>)
    %dma_start3A_132 = arith.constant 0 : i32
    %dma_start3A_133 = arith.constant 0 : i32
    %dma_start3A_134 = tpu.memref_slice %arg4[%add3A_125, %dma_start3A_132, %dma_start3A_133] : memref<2688x1x120xi32, #tpu.memory_space<hbm>> -> memref<1x1x120xi32, #tpu.memory_space<hbm>>
    %dma_start3A_135 = arith.constant 0 : i32
    %dma_start3A_136 = arith.constant 0 : i32
    %dma_start3A_137 = tpu.memref_slice %arg4[%add3A_125, %dma_start3A_135, %dma_start3A_136] : memref<2688x1x120xi32, #tpu.memory_space<hbm>> -> memref<1x1x120xi32, #tpu.memory_space<hbm>>
    tpu.enqueue_dma source(%dma_start3A_137 : memref<1x1x120xi32, #tpu.memory_space<hbm>>) target(%arg17 : memref<1x1x120xi32, #tpu.memory_space<vmem>>) target_semaphore(%arg30 : memref<!tpu.dma_semaphore, #tpu.memory_space<semaphore_mem>>)
    %mul3A_138 = arith.constant 632 : i32
    %mul3A_139 = arith.muli %arg1, %mul3A_138 : i32
    %add3A_140 = arith.constant 0 : i32
    %add3A_141 = arith.addi %mul3A_139, %add3A_140 : i32
    %dma_wait3A = arith.constant 0 : i32
    %dma_wait3A_142 = arith.constant 0 : i32
    %dma_wait3A_143 = tpu.memref_slice %arg6[%dma_wait3A, %dma_wait3A_142] : memref<120x128xf32, #tpu.memory_space<vmem>> -> memref<120x128xf32, #tpu.memory_space<vmem>>
    %dma_wait3A_144 = arith.constant 0 : i32
    %dma_wait3A_145 = tpu.memref_slice %arg21[%add3A_141, %dma_wait3A_144] : memref<10112x128xf32, #tpu.memory_space<vmem_shared>> -> memref<120x128xf32, #tpu.memory_space<vmem_shared>>
    %dma_wait3A_146 = arith.constant 0 : i32
    %dma_wait3A_147 = tpu.memref_slice %arg21[%add3A_141, %dma_wait3A_146] : memref<10112x128xf32, #tpu.memory_space<vmem_shared>> -> memref<120x128xf32, #tpu.memory_space<vmem_shared>>
    %dma_wait3A_148 = arith.constant 0 : i32
    %dma_wait3A_149 = arith.constant 0 : i32
    %dma_wait3A_150 = tpu.memref_slice %arg6[%dma_wait3A_148, %dma_wait3A_149] : memref<120x128xf32, #tpu.memory_space<vmem>> -> memref<120x128xf32, #tpu.memory_space<vmem>>
    tpu.wait_dma2 semaphore(%arg25 : memref<!tpu.dma_semaphore, #tpu.memory_space<semaphore_mem>>) src(%dma_wait3A_150 : memref<120x128xf32, #tpu.memory_space<vmem>>) dst(%dma_wait3A_147 : memref<120x128xf32, #tpu.memory_space<vmem_shared>>)
    %mul3A_151 = arith.constant 632 : i32
    %mul3A_152 = arith.muli %arg1, %mul3A_151 : i32
    %add3A_153 = arith.constant 120 : i32
    %add3A_154 = arith.addi %mul3A_152, %add3A_153 : i32
    %dma_wait3A_155 = arith.constant 0 : i32
    %dma_wait3A_156 = arith.constant 0 : i32
    %dma_wait3A_157 = tpu.memref_slice %arg6[%dma_wait3A_155, %dma_wait3A_156] : memref<120x128xf32, #tpu.memory_space<vmem>> -> memref<120x128xf32, #tpu.memory_space<vmem>>
    %dma_wait3A_158 = arith.constant 0 : i32
    %dma_wait3A_159 = tpu.memref_slice %arg21[%add3A_154, %dma_wait3A_158] : memref<10112x128xf32, #tpu.memory_space<vmem_shared>> -> memref<120x128xf32, #tpu.memory_space<vmem_shared>>
    %dma_wait3A_160 = arith.constant 0 : i32
    %dma_wait3A_161 = tpu.memref_slice %arg21[%add3A_154, %dma_wait3A_160] : memref<10112x128xf32, #tpu.memory_space<vmem_shared>> -> memref<120x128xf32, #tpu.memory_space<vmem_shared>>
    %dma_wait3A_162 = arith.constant 0 : i32
    %dma_wait3A_163 = arith.constant 0 : i32
    %dma_wait3A_164 = tpu.memref_slice %arg6[%dma_wait3A_162, %dma_wait3A_163] : memref<120x128xf32, #tpu.memory_space<vmem>> -> memref<120x128xf32, #tpu.memory_space<vmem>>
    tpu.wait_dma2 semaphore(%arg25 : memref<!tpu.dma_semaphore, #tpu.memory_space<semaphore_mem>>) src(%dma_wait3A_164 : memref<120x128xf32, #tpu.memory_space<vmem>>) dst(%dma_wait3A_161 : memref<120x128xf32, #tpu.memory_space<vmem_shared>>)
    %mul3A_165 = arith.constant 632 : i32
    %mul3A_166 = arith.muli %arg1, %mul3A_165 : i32
    %add3A_167 = arith.constant 240 : i32
    %add3A_168 = arith.addi %mul3A_166, %add3A_167 : i32
    %dma_wait3A_169 = arith.constant 0 : i32
    %dma_wait3A_170 = arith.constant 0 : i32
    %dma_wait3A_171 = tpu.memref_slice %arg6[%dma_wait3A_169, %dma_wait3A_170] : memref<120x128xf32, #tpu.memory_space<vmem>> -> memref<120x128xf32, #tpu.memory_space<vmem>>
    %dma_wait3A_172 = arith.constant 0 : i32
    %dma_wait3A_173 = tpu.memref_slice %arg21[%add3A_168, %dma_wait3A_172] : memref<10112x128xf32, #tpu.memory_space<vmem_shared>> -> memref<120x128xf32, #tpu.memory_space<vmem_shared>>
    %dma_wait3A_174 = arith.constant 0 : i32
    %dma_wait3A_175 = tpu.memref_slice %arg21[%add3A_168, %dma_wait3A_174] : memref<10112x128xf32, #tpu.memory_space<vmem_shared>> -> memref<120x128xf32, #tpu.memory_space<vmem_shared>>
    %dma_wait3A_176 = arith.constant 0 : i32
    %dma_wait3A_177 = arith.constant 0 : i32
    %dma_wait3A_178 = tpu.memref_slice %arg6[%dma_wait3A_176, %dma_wait3A_177] : memref<120x128xf32, #tpu.memory_space<vmem>> -> memref<120x128xf32, #tpu.memory_space<vmem>>
    tpu.wait_dma2 semaphore(%arg25 : memref<!tpu.dma_semaphore, #tpu.memory_space<semaphore_mem>>) src(%dma_wait3A_178 : memref<120x128xf32, #tpu.memory_space<vmem>>) dst(%dma_wait3A_175 : memref<120x128xf32, #tpu.memory_space<vmem_shared>>)
    %mul3A_179 = arith.constant 632 : i32
    %mul3A_180 = arith.muli %arg1, %mul3A_179 : i32
    %add3A_181 = arith.constant 360 : i32
    %add3A_182 = arith.addi %mul3A_180, %add3A_181 : i32
    %dma_wait3A_183 = arith.constant 0 : i32
    %dma_wait3A_184 = arith.constant 0 : i32
    %dma_wait3A_185 = tpu.memref_slice %arg6[%dma_wait3A_183, %dma_wait3A_184] : memref<120x128xf32, #tpu.memory_space<vmem>> -> memref<120x128xf32, #tpu.memory_space<vmem>>
    %dma_wait3A_186 = arith.constant 0 : i32
    %dma_wait3A_187 = tpu.memref_slice %arg21[%add3A_182, %dma_wait3A_186] : memref<10112x128xf32, #tpu.memory_space<vmem_shared>> -> memref<120x128xf32, #tpu.memory_space<vmem_shared>>
    %dma_wait3A_188 = arith.constant 0 : i32
    %dma_wait3A_189 = tpu.memref_slice %arg21[%add3A_182, %dma_wait3A_188] : memref<10112x128xf32, #tpu.memory_space<vmem_shared>> -> memref<120x128xf32, #tpu.memory_space<vmem_shared>>
    %dma_wait3A_190 = arith.constant 0 : i32
    %dma_wait3A_191 = arith.constant 0 : i32
    %dma_wait3A_192 = tpu.memref_slice %arg6[%dma_wait3A_190, %dma_wait3A_191] : memref<120x128xf32, #tpu.memory_space<vmem>> -> memref<120x128xf32, #tpu.memory_space<vmem>>
    tpu.wait_dma2 semaphore(%arg25 : memref<!tpu.dma_semaphore, #tpu.memory_space<semaphore_mem>>) src(%dma_wait3A_192 : memref<120x128xf32, #tpu.memory_space<vmem>>) dst(%dma_wait3A_189 : memref<120x128xf32, #tpu.memory_space<vmem_shared>>)
    %mul3A_193 = arith.constant 632 : i32
    %mul3A_194 = arith.muli %arg1, %mul3A_193 : i32
    %add3A_195 = arith.constant 480 : i32
    %add3A_196 = arith.addi %mul3A_194, %add3A_195 : i32
    %dma_wait3A_197 = arith.constant 0 : i32
    %dma_wait3A_198 = arith.constant 0 : i32
    %dma_wait3A_199 = tpu.memref_slice %arg6[%dma_wait3A_197, %dma_wait3A_198] : memref<120x128xf32, #tpu.memory_space<vmem>> -> memref<120x128xf32, #tpu.memory_space<vmem>>
    %dma_wait3A_200 = arith.constant 0 : i32
    %dma_wait3A_201 = tpu.memref_slice %arg21[%add3A_196, %dma_wait3A_200] : memref<10112x128xf32, #tpu.memory_space<vmem_shared>> -> memref<120x128xf32, #tpu.memory_space<vmem_shared>>
    %dma_wait3A_202 = arith.constant 0 : i32
    %dma_wait3A_203 = tpu.memref_slice %arg21[%add3A_196, %dma_wait3A_202] : memref<10112x128xf32, #tpu.memory_space<vmem_shared>> -> memref<120x128xf32, #tpu.memory_space<vmem_shared>>
    %dma_wait3A_204 = arith.constant 0 : i32
    %dma_wait3A_205 = arith.constant 0 : i32
    %dma_wait3A_206 = tpu.memref_slice %arg6[%dma_wait3A_204, %dma_wait3A_205] : memref<120x128xf32, #tpu.memory_space<vmem>> -> memref<120x128xf32, #tpu.memory_space<vmem>>
    tpu.wait_dma2 semaphore(%arg25 : memref<!tpu.dma_semaphore, #tpu.memory_space<semaphore_mem>>) src(%dma_wait3A_206 : memref<120x128xf32, #tpu.memory_space<vmem>>) dst(%dma_wait3A_203 : memref<120x128xf32, #tpu.memory_space<vmem_shared>>)
    %mul3A_207 = arith.constant 632 : i32
    %mul3A_208 = arith.muli %arg1, %mul3A_207 : i32
    %add3A_209 = arith.constant 600 : i32
    %add3A_210 = arith.addi %mul3A_208, %add3A_209 : i32
    %dma_wait3A_211 = arith.constant 0 : i32
    %dma_wait3A_212 = arith.constant 0 : i32
    %dma_wait3A_213 = tpu.memref_slice %arg6[%dma_wait3A_211, %dma_wait3A_212] : memref<120x128xf32, #tpu.memory_space<vmem>> -> memref<32x128xf32, #tpu.memory_space<vmem>>
    %dma_wait3A_214 = arith.constant 0 : i32
    %dma_wait3A_215 = tpu.memref_slice %arg21[%add3A_210, %dma_wait3A_214] : memref<10112x128xf32, #tpu.memory_space<vmem_shared>> -> memref<32x128xf32, #tpu.memory_space<vmem_shared>>
    %dma_wait3A_216 = arith.constant 0 : i32
    %dma_wait3A_217 = tpu.memref_slice %arg21[%add3A_210, %dma_wait3A_216] : memref<10112x128xf32, #tpu.memory_space<vmem_shared>> -> memref<32x128xf32, #tpu.memory_space<vmem_shared>>
    %dma_wait3A_218 = arith.constant 0 : i32
    %dma_wait3A_219 = arith.constant 0 : i32
    %dma_wait3A_220 = tpu.memref_slice %arg6[%dma_wait3A_218, %dma_wait3A_219] : memref<120x128xf32, #tpu.memory_space<vmem>> -> memref<32x128xf32, #tpu.memory_space<vmem>>
    tpu.wait_dma2 semaphore(%arg25 : memref<!tpu.dma_semaphore, #tpu.memory_space<semaphore_mem>>) src(%dma_wait3A_220 : memref<32x128xf32, #tpu.memory_space<vmem>>) dst(%dma_wait3A_217 : memref<32x128xf32, #tpu.memory_space<vmem_shared>>)
    %barrier3A = arith.constant 0 : index
    tpu.barrier barrier_id(%barrier3A)
    %scan3A_221 = arith.constant 0 : i32
    %scan3A_222 = arith.constant 0 : i32
    %scan3A_223 = arith.constant 14 : i32
    %scan3A_224 = arith.addi %scan3A_222, %scan3A_223 : i32
    %scan3A_225 = arith.constant 1 : i32
    scf.for %scan3A_272 = %scan3A_222 to %scan3A_224 step %scan3A_225  : i32 {
      %mul3A_273 = arith.constant 6 : i32
      %mul3A_274 = arith.muli %scan3A_272, %mul3A_273 : i32
      %add3A_275 = arith.constant 0 : i32
      %add3A_276 = arith.addi %mul3A_274, %add3A_275 : i32
      %gt3A = arith.constant 0 : i32
      %gt3A_277 = arith.cmpi sgt, %scan3A_272, %gt3A : i32
      %convert_element_type3A = arith.extui %gt3A_277 : i1 to i32
      %cond3A = arith.constant 0 : i32
      %cond3A_278 = arith.cmpi ne, %convert_element_type3A, %cond3A : i32
      scf.if %cond3A_278 {
        %dma_wait3A_617 = arith.constant 0 : i32
        %dma_wait3A_618 = arith.constant 0 : i32
        %dma_wait3A_619 = arith.constant 0 : i32
        %dma_wait3A_620 = tpu.memref_slice %arg18[%dma_wait3A_617, %dma_wait3A_618, %dma_wait3A_619] : memref<1x1x120xi32, #tpu.memory_space<vmem>> -> memref<1x1x120xi32, #tpu.memory_space<vmem>>
        %dma_wait3A_621 = tpu.memref_squeeze %dma_wait3A_620 : memref<1x1x120xi32, #tpu.memory_space<vmem>> -> memref<120xi32, #tpu.memory_space<vmem>>
        %dma_wait3A_622 = arith.constant 0 : i32
        %dma_wait3A_623 = arith.constant 0 : i32
        %dma_wait3A_624 = tpu.memref_slice %arg21[%dma_wait3A_622, %dma_wait3A_623] : memref<10112x128xf32, #tpu.memory_space<vmem_shared>> -> memref<10112x128xf32, #tpu.memory_space<vmem_shared>>
        tpu.wait_indirect_dma semaphore(%arg25 : memref<!tpu.dma_semaphore, #tpu.memory_space<semaphore_mem>>) src(%arg6 : memref<120x128xf32, #tpu.memory_space<vmem>>) dst(%dma_wait3A_624 : memref<10112x128xf32, #tpu.memory_space<vmem_shared>>)
      } else {
      }
      %add3A_279 = arith.constant 3 : i32
      %add3A_280 = arith.addi %add3A_276, %add3A_279 : i32
      %mul3A_281 = arith.constant 84 : i32
      %mul3A_282 = arith.muli %add3A, %mul3A_281 : i32
      %add3A_283 = arith.addi %mul3A_282, %add3A_280 : i32
      %dma_start3A_284 = arith.constant 0 : i32
      %dma_start3A_285 = arith.constant 0 : i32
      %dma_start3A_286 = tpu.memref_slice %arg3[%add3A_283, %dma_start3A_284, %dma_start3A_285] : memref<2688x1x120xi32, #tpu.memory_space<hbm>> -> memref<1x1x120xi32, #tpu.memory_space<hbm>>
      %dma_start3A_287 = arith.constant 0 : i32
      %dma_start3A_288 = arith.constant 0 : i32
      %dma_start3A_289 = tpu.memref_slice %arg3[%add3A_283, %dma_start3A_287, %dma_start3A_288] : memref<2688x1x120xi32, #tpu.memory_space<hbm>> -> memref<1x1x120xi32, #tpu.memory_space<hbm>>
      tpu.enqueue_dma source(%dma_start3A_289 : memref<1x1x120xi32, #tpu.memory_space<hbm>>) target(%arg12 : memref<1x1x120xi32, #tpu.memory_space<vmem>>) target_semaphore(%arg31 : memref<!tpu.dma_semaphore, #tpu.memory_space<semaphore_mem>>)
      %dma_start3A_290 = arith.constant 0 : i32
      %dma_start3A_291 = arith.constant 0 : i32
      %dma_start3A_292 = tpu.memref_slice %arg4[%add3A_283, %dma_start3A_290, %dma_start3A_291] : memref<2688x1x120xi32, #tpu.memory_space<hbm>> -> memref<1x1x120xi32, #tpu.memory_space<hbm>>
      %dma_start3A_293 = arith.constant 0 : i32
      %dma_start3A_294 = arith.constant 0 : i32
      %dma_start3A_295 = tpu.memref_slice %arg4[%add3A_283, %dma_start3A_293, %dma_start3A_294] : memref<2688x1x120xi32, #tpu.memory_space<hbm>> -> memref<1x1x120xi32, #tpu.memory_space<hbm>>
      tpu.enqueue_dma source(%dma_start3A_295 : memref<1x1x120xi32, #tpu.memory_space<hbm>>) target(%arg18 : memref<1x1x120xi32, #tpu.memory_space<vmem>>) target_semaphore(%arg31 : memref<!tpu.dma_semaphore, #tpu.memory_space<semaphore_mem>>)
      %dma_wait3A_296 = arith.constant 0 : i32
      %dma_wait3A_297 = arith.constant 0 : i32
      %dma_wait3A_298 = arith.constant 0 : i32
      %dma_wait3A_299 = tpu.memref_slice %arg3[%dma_wait3A_296, %dma_wait3A_297, %dma_wait3A_298] : memref<2688x1x120xi32, #tpu.memory_space<hbm>> -> memref<1x1x120xi32, #tpu.memory_space<hbm>>
      %dma_wait3A_300 = arith.constant 0 : i32
      %dma_wait3A_301 = arith.constant 0 : i32
      %dma_wait3A_302 = arith.constant 0 : i32
      %dma_wait3A_303 = tpu.memref_slice %arg3[%dma_wait3A_300, %dma_wait3A_301, %dma_wait3A_302] : memref<2688x1x120xi32, #tpu.memory_space<hbm>> -> memref<1x1x120xi32, #tpu.memory_space<hbm>>
      tpu.wait_dma2 semaphore(%arg28 : memref<!tpu.dma_semaphore, #tpu.memory_space<semaphore_mem>>) src(%dma_wait3A_303 : memref<1x1x120xi32, #tpu.memory_space<hbm>>) dst(%arg9 : memref<1x1x120xi32, #tpu.memory_space<vmem>>)
      %dma_wait3A_304 = arith.constant 0 : i32
      %dma_wait3A_305 = arith.constant 0 : i32
      %dma_wait3A_306 = arith.constant 0 : i32
      %dma_wait3A_307 = tpu.memref_slice %arg3[%dma_wait3A_304, %dma_wait3A_305, %dma_wait3A_306] : memref<2688x1x120xi32, #tpu.memory_space<hbm>> -> memref<1x1x120xi32, #tpu.memory_space<hbm>>
      %dma_wait3A_308 = arith.constant 0 : i32
      %dma_wait3A_309 = arith.constant 0 : i32
      %dma_wait3A_310 = arith.constant 0 : i32
      %dma_wait3A_311 = tpu.memref_slice %arg3[%dma_wait3A_308, %dma_wait3A_309, %dma_wait3A_310] : memref<2688x1x120xi32, #tpu.memory_space<hbm>> -> memref<1x1x120xi32, #tpu.memory_space<hbm>>
      tpu.wait_dma2 semaphore(%arg28 : memref<!tpu.dma_semaphore, #tpu.memory_space<semaphore_mem>>) src(%dma_wait3A_311 : memref<1x1x120xi32, #tpu.memory_space<hbm>>) dst(%arg15 : memref<1x1x120xi32, #tpu.memory_space<vmem>>)
      %dma_start3A_312 = arith.constant 0 : i32
      %dma_start3A_313 = arith.constant 0 : i32
      %dma_start3A_314 = arith.constant 0 : i32
      %dma_start3A_315 = tpu.memref_slice %arg9[%dma_start3A_312, %dma_start3A_313, %dma_start3A_314] : memref<1x1x120xi32, #tpu.memory_space<vmem>> -> memref<1x1x120xi32, #tpu.memory_space<vmem>>
      %dma_start3A_316 = tpu.memref_squeeze %dma_start3A_315 : memref<1x1x120xi32, #tpu.memory_space<vmem>> -> memref<120xi32, #tpu.memory_space<vmem>>
      %dma_start3A_317 = arith.constant 0 : i32
      %dma_start3A_318 = arith.constant 0 : i32
      %dma_start3A_319 = tpu.memref_slice %arg2[%dma_start3A_317, %dma_start3A_318] : memref<10000x128xf32, #tpu.memory_space<hbm>> -> memref<10000x128xf32, #tpu.memory_space<hbm>>
      tpu.enqueue_indirect_dma source(%dma_start3A_319 : memref<10000x128xf32, #tpu.memory_space<hbm>>) target(%arg6 : memref<120x128xf32, #tpu.memory_space<vmem>>) offsets(%dma_start3A_316 : memref<120xi32, #tpu.memory_space<vmem>>) semaphore(%arg22 : memref<!tpu.dma_semaphore, #tpu.memory_space<semaphore_mem>>)
      %gt3A_320 = arith.constant 0 : i32
      %gt3A_321 = arith.cmpi sgt, %scan3A_272, %gt3A_320 : i32
      %convert_element_type3A_322 = arith.extui %gt3A_321 : i1 to i32
      %cond3A_323 = arith.constant 0 : i32
      %cond3A_324 = arith.cmpi ne, %convert_element_type3A_322, %cond3A_323 : i32
      scf.if %cond3A_324 {
        %dma_wait3A_617 = arith.constant 0 : i32
        %dma_wait3A_618 = arith.constant 0 : i32
        %dma_wait3A_619 = arith.constant 0 : i32
        %dma_wait3A_620 = tpu.memref_slice %arg14[%dma_wait3A_617, %dma_wait3A_618, %dma_wait3A_619] : memref<1x1x120xi32, #tpu.memory_space<vmem>> -> memref<1x1x120xi32, #tpu.memory_space<vmem>>
        %dma_wait3A_621 = tpu.memref_squeeze %dma_wait3A_620 : memref<1x1x120xi32, #tpu.memory_space<vmem>> -> memref<120xi32, #tpu.memory_space<vmem>>
        %dma_wait3A_622 = arith.constant 0 : i32
        %dma_wait3A_623 = arith.constant 0 : i32
        %dma_wait3A_624 = tpu.memref_slice %arg2[%dma_wait3A_622, %dma_wait3A_623] : memref<10000x128xf32, #tpu.memory_space<hbm>> -> memref<10000x128xf32, #tpu.memory_space<hbm>>
        tpu.wait_indirect_dma semaphore(%arg24 : memref<!tpu.dma_semaphore, #tpu.memory_space<semaphore_mem>>) src(%dma_wait3A_624 : memref<10000x128xf32, #tpu.memory_space<hbm>>) dst(%arg8 : memref<120x128xf32, #tpu.memory_space<vmem>>)
        %dma_start3A_625 = arith.constant 0 : i32
        %dma_start3A_626 = arith.constant 0 : i32
        %dma_start3A_627 = arith.constant 0 : i32
        %dma_start3A_628 = tpu.memref_slice %arg20[%dma_start3A_625, %dma_start3A_626, %dma_start3A_627] : memref<1x1x120xi32, #tpu.memory_space<vmem>> -> memref<1x1x120xi32, #tpu.memory_space<vmem>>
        %dma_start3A_629 = tpu.memref_squeeze %dma_start3A_628 : memref<1x1x120xi32, #tpu.memory_space<vmem>> -> memref<120xi32, #tpu.memory_space<vmem>>
        %dma_start3A_630 = arith.constant 0 : i32
        %dma_start3A_631 = arith.constant 0 : i32
        %dma_start3A_632 = tpu.memref_slice %arg21[%dma_start3A_630, %dma_start3A_631] : memref<10112x128xf32, #tpu.memory_space<vmem_shared>> -> memref<10112x128xf32, #tpu.memory_space<vmem_shared>>
        tpu.enqueue_indirect_dma source(%arg8 : memref<120x128xf32, #tpu.memory_space<vmem>>) target(%dma_start3A_632 : memref<10112x128xf32, #tpu.memory_space<vmem_shared>>) offsets(%dma_start3A_629 : memref<120xi32, #tpu.memory_space<vmem>>) semaphore(%arg27 : memref<!tpu.dma_semaphore, #tpu.memory_space<semaphore_mem>>) {add = true}
      } else {
      }
      %add3A_325 = arith.constant 1 : i32
      %add3A_326 = arith.addi %mul3A_274, %add3A_325 : i32
      %gt3A_327 = arith.constant 0 : i32
      %gt3A_328 = arith.cmpi sgt, %scan3A_272, %gt3A_327 : i32
      %convert_element_type3A_329 = arith.extui %gt3A_328 : i1 to i32
      %cond3A_330 = arith.constant 0 : i32
      %cond3A_331 = arith.cmpi ne, %convert_element_type3A_329, %cond3A_330 : i32
      scf.if %cond3A_331 {
        %dma_wait3A_617 = arith.constant 0 : i32
        %dma_wait3A_618 = arith.constant 0 : i32
        %dma_wait3A_619 = arith.constant 0 : i32
        %dma_wait3A_620 = tpu.memref_slice %arg19[%dma_wait3A_617, %dma_wait3A_618, %dma_wait3A_619] : memref<1x1x120xi32, #tpu.memory_space<vmem>> -> memref<1x1x120xi32, #tpu.memory_space<vmem>>
        %dma_wait3A_621 = tpu.memref_squeeze %dma_wait3A_620 : memref<1x1x120xi32, #tpu.memory_space<vmem>> -> memref<120xi32, #tpu.memory_space<vmem>>
        %dma_wait3A_622 = arith.constant 0 : i32
        %dma_wait3A_623 = arith.constant 0 : i32
        %dma_wait3A_624 = tpu.memref_slice %arg21[%dma_wait3A_622, %dma_wait3A_623] : memref<10112x128xf32, #tpu.memory_space<vmem_shared>> -> memref<10112x128xf32, #tpu.memory_space<vmem_shared>>
        tpu.wait_indirect_dma semaphore(%arg26 : memref<!tpu.dma_semaphore, #tpu.memory_space<semaphore_mem>>) src(%arg7 : memref<120x128xf32, #tpu.memory_space<vmem>>) dst(%dma_wait3A_624 : memref<10112x128xf32, #tpu.memory_space<vmem_shared>>)
      } else {
      }
      %add3A_332 = arith.constant 3 : i32
      %add3A_333 = arith.addi %add3A_326, %add3A_332 : i32
      %mul3A_334 = arith.constant 84 : i32
      %mul3A_335 = arith.muli %add3A, %mul3A_334 : i32
      %add3A_336 = arith.addi %mul3A_335, %add3A_333 : i32
      %dma_start3A_337 = arith.constant 0 : i32
      %dma_start3A_338 = arith.constant 0 : i32
      %dma_start3A_339 = tpu.memref_slice %arg3[%add3A_336, %dma_start3A_337, %dma_start3A_338] : memref<2688x1x120xi32, #tpu.memory_space<hbm>> -> memref<1x1x120xi32, #tpu.memory_space<hbm>>
      %dma_start3A_340 = arith.constant 0 : i32
      %dma_start3A_341 = arith.constant 0 : i32
      %dma_start3A_342 = tpu.memref_slice %arg3[%add3A_336, %dma_start3A_340, %dma_start3A_341] : memref<2688x1x120xi32, #tpu.memory_space<hbm>> -> memref<1x1x120xi32, #tpu.memory_space<hbm>>
      tpu.enqueue_dma source(%dma_start3A_342 : memref<1x1x120xi32, #tpu.memory_space<hbm>>) target(%arg13 : memref<1x1x120xi32, #tpu.memory_space<vmem>>) target_semaphore(%arg32 : memref<!tpu.dma_semaphore, #tpu.memory_space<semaphore_mem>>)
      %dma_start3A_343 = arith.constant 0 : i32
      %dma_start3A_344 = arith.constant 0 : i32
      %dma_start3A_345 = tpu.memref_slice %arg4[%add3A_336, %dma_start3A_343, %dma_start3A_344] : memref<2688x1x120xi32, #tpu.memory_space<hbm>> -> memref<1x1x120xi32, #tpu.memory_space<hbm>>
      %dma_start3A_346 = arith.constant 0 : i32
      %dma_start3A_347 = arith.constant 0 : i32
      %dma_start3A_348 = tpu.memref_slice %arg4[%add3A_336, %dma_start3A_346, %dma_start3A_347] : memref<2688x1x120xi32, #tpu.memory_space<hbm>> -> memref<1x1x120xi32, #tpu.memory_space<hbm>>
      tpu.enqueue_dma source(%dma_start3A_348 : memref<1x1x120xi32, #tpu.memory_space<hbm>>) target(%arg19 : memref<1x1x120xi32, #tpu.memory_space<vmem>>) target_semaphore(%arg32 : memref<!tpu.dma_semaphore, #tpu.memory_space<semaphore_mem>>)
      %dma_wait3A_349 = arith.constant 0 : i32
      %dma_wait3A_350 = arith.constant 0 : i32
      %dma_wait3A_351 = arith.constant 0 : i32
      %dma_wait3A_352 = tpu.memref_slice %arg3[%dma_wait3A_349, %dma_wait3A_350, %dma_wait3A_351] : memref<2688x1x120xi32, #tpu.memory_space<hbm>> -> memref<1x1x120xi32, #tpu.memory_space<hbm>>
      %dma_wait3A_353 = arith.constant 0 : i32
      %dma_wait3A_354 = arith.constant 0 : i32
      %dma_wait3A_355 = arith.constant 0 : i32
      %dma_wait3A_356 = tpu.memref_slice %arg3[%dma_wait3A_353, %dma_wait3A_354, %dma_wait3A_355] : memref<2688x1x120xi32, #tpu.memory_space<hbm>> -> memref<1x1x120xi32, #tpu.memory_space<hbm>>
      tpu.wait_dma2 semaphore(%arg29 : memref<!tpu.dma_semaphore, #tpu.memory_space<semaphore_mem>>) src(%dma_wait3A_356 : memref<1x1x120xi32, #tpu.memory_space<hbm>>) dst(%arg10 : memref<1x1x120xi32, #tpu.memory_space<vmem>>)
      %dma_wait3A_357 = arith.constant 0 : i32
      %dma_wait3A_358 = arith.constant 0 : i32
      %dma_wait3A_359 = arith.constant 0 : i32
      %dma_wait3A_360 = tpu.memref_slice %arg3[%dma_wait3A_357, %dma_wait3A_358, %dma_wait3A_359] : memref<2688x1x120xi32, #tpu.memory_space<hbm>> -> memref<1x1x120xi32, #tpu.memory_space<hbm>>
      %dma_wait3A_361 = arith.constant 0 : i32
      %dma_wait3A_362 = arith.constant 0 : i32
      %dma_wait3A_363 = arith.constant 0 : i32
      %dma_wait3A_364 = tpu.memref_slice %arg3[%dma_wait3A_361, %dma_wait3A_362, %dma_wait3A_363] : memref<2688x1x120xi32, #tpu.memory_space<hbm>> -> memref<1x1x120xi32, #tpu.memory_space<hbm>>
      tpu.wait_dma2 semaphore(%arg29 : memref<!tpu.dma_semaphore, #tpu.memory_space<semaphore_mem>>) src(%dma_wait3A_364 : memref<1x1x120xi32, #tpu.memory_space<hbm>>) dst(%arg16 : memref<1x1x120xi32, #tpu.memory_space<vmem>>)
      %dma_start3A_365 = arith.constant 0 : i32
      %dma_start3A_366 = arith.constant 0 : i32
      %dma_start3A_367 = arith.constant 0 : i32
      %dma_start3A_368 = tpu.memref_slice %arg10[%dma_start3A_365, %dma_start3A_366, %dma_start3A_367] : memref<1x1x120xi32, #tpu.memory_space<vmem>> -> memref<1x1x120xi32, #tpu.memory_space<vmem>>
      %dma_start3A_369 = tpu.memref_squeeze %dma_start3A_368 : memref<1x1x120xi32, #tpu.memory_space<vmem>> -> memref<120xi32, #tpu.memory_space<vmem>>
      %dma_start3A_370 = arith.constant 0 : i32
      %dma_start3A_371 = arith.constant 0 : i32
      %dma_start3A_372 = tpu.memref_slice %arg2[%dma_start3A_370, %dma_start3A_371] : memref<10000x128xf32, #tpu.memory_space<hbm>> -> memref<10000x128xf32, #tpu.memory_space<hbm>>
      tpu.enqueue_indirect_dma source(%dma_start3A_372 : memref<10000x128xf32, #tpu.memory_space<hbm>>) target(%arg7 : memref<120x128xf32, #tpu.memory_space<vmem>>) offsets(%dma_start3A_369 : memref<120xi32, #tpu.memory_space<vmem>>) semaphore(%arg23 : memref<!tpu.dma_semaphore, #tpu.memory_space<semaphore_mem>>)
      %dma_wait3A_373 = arith.constant 0 : i32
      %dma_wait3A_374 = arith.constant 0 : i32
      %dma_wait3A_375 = arith.constant 0 : i32
      %dma_wait3A_376 = tpu.memref_slice %arg9[%dma_wait3A_373, %dma_wait3A_374, %dma_wait3A_375] : memref<1x1x120xi32, #tpu.memory_space<vmem>> -> memref<1x1x120xi32, #tpu.memory_space<vmem>>
      %dma_wait3A_377 = tpu.memref_squeeze %dma_wait3A_376 : memref<1x1x120xi32, #tpu.memory_space<vmem>> -> memref<120xi32, #tpu.memory_space<vmem>>
      %dma_wait3A_378 = arith.constant 0 : i32
      %dma_wait3A_379 = arith.constant 0 : i32
      %dma_wait3A_380 = tpu.memref_slice %arg2[%dma_wait3A_378, %dma_wait3A_379] : memref<10000x128xf32, #tpu.memory_space<hbm>> -> memref<10000x128xf32, #tpu.memory_space<hbm>>
      tpu.wait_indirect_dma semaphore(%arg22 : memref<!tpu.dma_semaphore, #tpu.memory_space<semaphore_mem>>) src(%dma_wait3A_380 : memref<10000x128xf32, #tpu.memory_space<hbm>>) dst(%arg6 : memref<120x128xf32, #tpu.memory_space<vmem>>)
      %dma_start3A_381 = arith.constant 0 : i32
      %dma_start3A_382 = arith.constant 0 : i32
      %dma_start3A_383 = arith.constant 0 : i32
      %dma_start3A_384 = tpu.memref_slice %arg15[%dma_start3A_381, %dma_start3A_382, %dma_start3A_383] : memref<1x1x120xi32, #tpu.memory_space<vmem>> -> memref<1x1x120xi32, #tpu.memory_space<vmem>>
      %dma_start3A_385 = tpu.memref_squeeze %dma_start3A_384 : memref<1x1x120xi32, #tpu.memory_space<vmem>> -> memref<120xi32, #tpu.memory_space<vmem>>
      %dma_start3A_386 = arith.constant 0 : i32
      %dma_start3A_387 = arith.constant 0 : i32
      %dma_start3A_388 = tpu.memref_slice %arg21[%dma_start3A_386, %dma_start3A_387] : memref<10112x128xf32, #tpu.memory_space<vmem_shared>> -> memref<10112x128xf32, #tpu.memory_space<vmem_shared>>
      tpu.enqueue_indirect_dma source(%arg6 : memref<120x128xf32, #tpu.memory_space<vmem>>) target(%dma_start3A_388 : memref<10112x128xf32, #tpu.memory_space<vmem_shared>>) offsets(%dma_start3A_385 : memref<120xi32, #tpu.memory_space<vmem>>) semaphore(%arg25 : memref<!tpu.dma_semaphore, #tpu.memory_space<semaphore_mem>>) {add = true}
      %add3A_389 = arith.constant 2 : i32
      %add3A_390 = arith.addi %mul3A_274, %add3A_389 : i32
      %gt3A_391 = arith.constant 0 : i32
      %gt3A_392 = arith.cmpi sgt, %scan3A_272, %gt3A_391 : i32
      %convert_element_type3A_393 = arith.extui %gt3A_392 : i1 to i32
      %cond3A_394 = arith.constant 0 : i32
      %cond3A_395 = arith.cmpi ne, %convert_element_type3A_393, %cond3A_394 : i32
      scf.if %cond3A_395 {
        %dma_wait3A_617 = arith.constant 0 : i32
        %dma_wait3A_618 = arith.constant 0 : i32
        %dma_wait3A_619 = arith.constant 0 : i32
        %dma_wait3A_620 = tpu.memref_slice %arg20[%dma_wait3A_617, %dma_wait3A_618, %dma_wait3A_619] : memref<1x1x120xi32, #tpu.memory_space<vmem>> -> memref<1x1x120xi32, #tpu.memory_space<vmem>>
        %dma_wait3A_621 = tpu.memref_squeeze %dma_wait3A_620 : memref<1x1x120xi32, #tpu.memory_space<vmem>> -> memref<120xi32, #tpu.memory_space<vmem>>
        %dma_wait3A_622 = arith.constant 0 : i32
        %dma_wait3A_623 = arith.constant 0 : i32
        %dma_wait3A_624 = tpu.memref_slice %arg21[%dma_wait3A_622, %dma_wait3A_623] : memref<10112x128xf32, #tpu.memory_space<vmem_shared>> -> memref<10112x128xf32, #tpu.memory_space<vmem_shared>>
        tpu.wait_indirect_dma semaphore(%arg27 : memref<!tpu.dma_semaphore, #tpu.memory_space<semaphore_mem>>) src(%arg8 : memref<120x128xf32, #tpu.memory_space<vmem>>) dst(%dma_wait3A_624 : memref<10112x128xf32, #tpu.memory_space<vmem_shared>>)
      } else {
      }
      %add3A_396 = arith.constant 3 : i32
      %add3A_397 = arith.addi %add3A_390, %add3A_396 : i32
      %mul3A_398 = arith.constant 84 : i32
      %mul3A_399 = arith.muli %add3A, %mul3A_398 : i32
      %add3A_400 = arith.addi %mul3A_399, %add3A_397 : i32
      %dma_start3A_401 = arith.constant 0 : i32
      %dma_start3A_402 = arith.constant 0 : i32
      %dma_start3A_403 = tpu.memref_slice %arg3[%add3A_400, %dma_start3A_401, %dma_start3A_402] : memref<2688x1x120xi32, #tpu.memory_space<hbm>> -> memref<1x1x120xi32, #tpu.memory_space<hbm>>
      %dma_start3A_404 = arith.constant 0 : i32
      %dma_start3A_405 = arith.constant 0 : i32
      %dma_start3A_406 = tpu.memref_slice %arg3[%add3A_400, %dma_start3A_404, %dma_start3A_405] : memref<2688x1x120xi32, #tpu.memory_space<hbm>> -> memref<1x1x120xi32, #tpu.memory_space<hbm>>
      tpu.enqueue_dma source(%dma_start3A_406 : memref<1x1x120xi32, #tpu.memory_space<hbm>>) target(%arg14 : memref<1x1x120xi32, #tpu.memory_space<vmem>>) target_semaphore(%arg33 : memref<!tpu.dma_semaphore, #tpu.memory_space<semaphore_mem>>)
      %dma_start3A_407 = arith.constant 0 : i32
      %dma_start3A_408 = arith.constant 0 : i32
      %dma_start3A_409 = tpu.memref_slice %arg4[%add3A_400, %dma_start3A_407, %dma_start3A_408] : memref<2688x1x120xi32, #tpu.memory_space<hbm>> -> memref<1x1x120xi32, #tpu.memory_space<hbm>>
      %dma_start3A_410 = arith.constant 0 : i32
      %dma_start3A_411 = arith.constant 0 : i32
      %dma_start3A_412 = tpu.memref_slice %arg4[%add3A_400, %dma_start3A_410, %dma_start3A_411] : memref<2688x1x120xi32, #tpu.memory_space<hbm>> -> memref<1x1x120xi32, #tpu.memory_space<hbm>>
      tpu.enqueue_dma source(%dma_start3A_412 : memref<1x1x120xi32, #tpu.memory_space<hbm>>) target(%arg20 : memref<1x1x120xi32, #tpu.memory_space<vmem>>) target_semaphore(%arg33 : memref<!tpu.dma_semaphore, #tpu.memory_space<semaphore_mem>>)
      %dma_wait3A_413 = arith.constant 0 : i32
      %dma_wait3A_414 = arith.constant 0 : i32
      %dma_wait3A_415 = arith.constant 0 : i32
      %dma_wait3A_416 = tpu.memref_slice %arg3[%dma_wait3A_413, %dma_wait3A_414, %dma_wait3A_415] : memref<2688x1x120xi32, #tpu.memory_space<hbm>> -> memref<1x1x120xi32, #tpu.memory_space<hbm>>
      %dma_wait3A_417 = arith.constant 0 : i32
      %dma_wait3A_418 = arith.constant 0 : i32
      %dma_wait3A_419 = arith.constant 0 : i32
      %dma_wait3A_420 = tpu.memref_slice %arg3[%dma_wait3A_417, %dma_wait3A_418, %dma_wait3A_419] : memref<2688x1x120xi32, #tpu.memory_space<hbm>> -> memref<1x1x120xi32, #tpu.memory_space<hbm>>
      tpu.wait_dma2 semaphore(%arg30 : memref<!tpu.dma_semaphore, #tpu.memory_space<semaphore_mem>>) src(%dma_wait3A_420 : memref<1x1x120xi32, #tpu.memory_space<hbm>>) dst(%arg11 : memref<1x1x120xi32, #tpu.memory_space<vmem>>)
      %dma_wait3A_421 = arith.constant 0 : i32
      %dma_wait3A_422 = arith.constant 0 : i32
      %dma_wait3A_423 = arith.constant 0 : i32
      %dma_wait3A_424 = tpu.memref_slice %arg3[%dma_wait3A_421, %dma_wait3A_422, %dma_wait3A_423] : memref<2688x1x120xi32, #tpu.memory_space<hbm>> -> memref<1x1x120xi32, #tpu.memory_space<hbm>>
      %dma_wait3A_425 = arith.constant 0 : i32
      %dma_wait3A_426 = arith.constant 0 : i32
      %dma_wait3A_427 = arith.constant 0 : i32
      %dma_wait3A_428 = tpu.memref_slice %arg3[%dma_wait3A_425, %dma_wait3A_426, %dma_wait3A_427] : memref<2688x1x120xi32, #tpu.memory_space<hbm>> -> memref<1x1x120xi32, #tpu.memory_space<hbm>>
      tpu.wait_dma2 semaphore(%arg30 : memref<!tpu.dma_semaphore, #tpu.memory_space<semaphore_mem>>) src(%dma_wait3A_428 : memref<1x1x120xi32, #tpu.memory_space<hbm>>) dst(%arg17 : memref<1x1x120xi32, #tpu.memory_space<vmem>>)
      %dma_start3A_429 = arith.constant 0 : i32
      %dma_start3A_430 = arith.constant 0 : i32
      %dma_start3A_431 = arith.constant 0 : i32
      %dma_start3A_432 = tpu.memref_slice %arg11[%dma_start3A_429, %dma_start3A_430, %dma_start3A_431] : memref<1x1x120xi32, #tpu.memory_space<vmem>> -> memref<1x1x120xi32, #tpu.memory_space<vmem>>
      %dma_start3A_433 = tpu.memref_squeeze %dma_start3A_432 : memref<1x1x120xi32, #tpu.memory_space<vmem>> -> memref<120xi32, #tpu.memory_space<vmem>>
      %dma_start3A_434 = arith.constant 0 : i32
      %dma_start3A_435 = arith.constant 0 : i32
      %dma_start3A_436 = tpu.memref_slice %arg2[%dma_start3A_434, %dma_start3A_435] : memref<10000x128xf32, #tpu.memory_space<hbm>> -> memref<10000x128xf32, #tpu.memory_space<hbm>>
      tpu.enqueue_indirect_dma source(%dma_start3A_436 : memref<10000x128xf32, #tpu.memory_space<hbm>>) target(%arg8 : memref<120x128xf32, #tpu.memory_space<vmem>>) offsets(%dma_start3A_433 : memref<120xi32, #tpu.memory_space<vmem>>) semaphore(%arg24 : memref<!tpu.dma_semaphore, #tpu.memory_space<semaphore_mem>>)
      %dma_wait3A_437 = arith.constant 0 : i32
      %dma_wait3A_438 = arith.constant 0 : i32
      %dma_wait3A_439 = arith.constant 0 : i32
      %dma_wait3A_440 = tpu.memref_slice %arg10[%dma_wait3A_437, %dma_wait3A_438, %dma_wait3A_439] : memref<1x1x120xi32, #tpu.memory_space<vmem>> -> memref<1x1x120xi32, #tpu.memory_space<vmem>>
      %dma_wait3A_441 = tpu.memref_squeeze %dma_wait3A_440 : memref<1x1x120xi32, #tpu.memory_space<vmem>> -> memref<120xi32, #tpu.memory_space<vmem>>
      %dma_wait3A_442 = arith.constant 0 : i32
      %dma_wait3A_443 = arith.constant 0 : i32
      %dma_wait3A_444 = tpu.memref_slice %arg2[%dma_wait3A_442, %dma_wait3A_443] : memref<10000x128xf32, #tpu.memory_space<hbm>> -> memref<10000x128xf32, #tpu.memory_space<hbm>>
      tpu.wait_indirect_dma semaphore(%arg23 : memref<!tpu.dma_semaphore, #tpu.memory_space<semaphore_mem>>) src(%dma_wait3A_444 : memref<10000x128xf32, #tpu.memory_space<hbm>>) dst(%arg7 : memref<120x128xf32, #tpu.memory_space<vmem>>)
      %dma_start3A_445 = arith.constant 0 : i32
      %dma_start3A_446 = arith.constant 0 : i32
      %dma_start3A_447 = arith.constant 0 : i32
      %dma_start3A_448 = tpu.memref_slice %arg16[%dma_start3A_445, %dma_start3A_446, %dma_start3A_447] : memref<1x1x120xi32, #tpu.memory_space<vmem>> -> memref<1x1x120xi32, #tpu.memory_space<vmem>>
      %dma_start3A_449 = tpu.memref_squeeze %dma_start3A_448 : memref<1x1x120xi32, #tpu.memory_space<vmem>> -> memref<120xi32, #tpu.memory_space<vmem>>
      %dma_start3A_450 = arith.constant 0 : i32
      %dma_start3A_451 = arith.constant 0 : i32
      %dma_start3A_452 = tpu.memref_slice %arg21[%dma_start3A_450, %dma_start3A_451] : memref<10112x128xf32, #tpu.memory_space<vmem_shared>> -> memref<10112x128xf32, #tpu.memory_space<vmem_shared>>
      tpu.enqueue_indirect_dma source(%arg7 : memref<120x128xf32, #tpu.memory_space<vmem>>) target(%dma_start3A_452 : memref<10112x128xf32, #tpu.memory_space<vmem_shared>>) offsets(%dma_start3A_449 : memref<120xi32, #tpu.memory_space<vmem>>) semaphore(%arg26 : memref<!tpu.dma_semaphore, #tpu.memory_space<semaphore_mem>>) {add = true}
      %add3A_453 = arith.constant 3 : i32
      %add3A_454 = arith.addi %mul3A_274, %add3A_453 : i32
      %dma_wait3A_455 = arith.constant 0 : i32
      %dma_wait3A_456 = arith.constant 0 : i32
      %dma_wait3A_457 = arith.constant 0 : i32
      %dma_wait3A_458 = tpu.memref_slice %arg15[%dma_wait3A_455, %dma_wait3A_456, %dma_wait3A_457] : memref<1x1x120xi32, #tpu.memory_space<vmem>> -> memref<1x1x120xi32, #tpu.memory_space<vmem>>
      %dma_wait3A_459 = tpu.memref_squeeze %dma_wait3A_458 : memref<1x1x120xi32, #tpu.memory_space<vmem>> -> memref<120xi32, #tpu.memory_space<vmem>>
      %dma_wait3A_460 = arith.constant 0 : i32
      %dma_wait3A_461 = arith.constant 0 : i32
      %dma_wait3A_462 = tpu.memref_slice %arg21[%dma_wait3A_460, %dma_wait3A_461] : memref<10112x128xf32, #tpu.memory_space<vmem_shared>> -> memref<10112x128xf32, #tpu.memory_space<vmem_shared>>
      tpu.wait_indirect_dma semaphore(%arg25 : memref<!tpu.dma_semaphore, #tpu.memory_space<semaphore_mem>>) src(%arg6 : memref<120x128xf32, #tpu.memory_space<vmem>>) dst(%dma_wait3A_462 : memref<10112x128xf32, #tpu.memory_space<vmem_shared>>)
      %lt3A = arith.constant 13 : i32
      %lt3A_463 = arith.cmpi slt, %scan3A_272, %lt3A : i32
      %convert_element_type3A_464 = arith.extui %lt3A_463 : i1 to i32
      %cond3A_465 = arith.constant 0 : i32
      %cond3A_466 = arith.cmpi ne, %convert_element_type3A_464, %cond3A_465 : i32
      scf.if %cond3A_466 {
        %add3A_617 = arith.constant 3 : i32
        %add3A_618 = arith.addi %add3A_454, %add3A_617 : i32
        %mul3A_619 = arith.constant 84 : i32
        %mul3A_620 = arith.muli %add3A, %mul3A_619 : i32
        %add3A_621 = arith.addi %mul3A_620, %add3A_618 : i32
        %dma_start3A_622 = arith.constant 0 : i32
        %dma_start3A_623 = arith.constant 0 : i32
        %dma_start3A_624 = tpu.memref_slice %arg3[%add3A_621, %dma_start3A_622, %dma_start3A_623] : memref<2688x1x120xi32, #tpu.memory_space<hbm>> -> memref<1x1x120xi32, #tpu.memory_space<hbm>>
        %dma_start3A_625 = arith.constant 0 : i32
        %dma_start3A_626 = arith.constant 0 : i32
        %dma_start3A_627 = tpu.memref_slice %arg3[%add3A_621, %dma_start3A_625, %dma_start3A_626] : memref<2688x1x120xi32, #tpu.memory_space<hbm>> -> memref<1x1x120xi32, #tpu.memory_space<hbm>>
        tpu.enqueue_dma source(%dma_start3A_627 : memref<1x1x120xi32, #tpu.memory_space<hbm>>) target(%arg9 : memref<1x1x120xi32, #tpu.memory_space<vmem>>) target_semaphore(%arg28 : memref<!tpu.dma_semaphore, #tpu.memory_space<semaphore_mem>>)
        %dma_start3A_628 = arith.constant 0 : i32
        %dma_start3A_629 = arith.constant 0 : i32
        %dma_start3A_630 = tpu.memref_slice %arg4[%add3A_621, %dma_start3A_628, %dma_start3A_629] : memref<2688x1x120xi32, #tpu.memory_space<hbm>> -> memref<1x1x120xi32, #tpu.memory_space<hbm>>
        %dma_start3A_631 = arith.constant 0 : i32
        %dma_start3A_632 = arith.constant 0 : i32
        %dma_start3A_633 = tpu.memref_slice %arg4[%add3A_621, %dma_start3A_631, %dma_start3A_632] : memref<2688x1x120xi32, #tpu.memory_space<hbm>> -> memref<1x1x120xi32, #tpu.memory_space<hbm>>
        tpu.enqueue_dma source(%dma_start3A_633 : memref<1x1x120xi32, #tpu.memory_space<hbm>>) target(%arg15 : memref<1x1x120xi32, #tpu.memory_space<vmem>>) target_semaphore(%arg28 : memref<!tpu.dma_semaphore, #tpu.memory_space<semaphore_mem>>)
      } else {
      }
      %dma_wait3A_467 = arith.constant 0 : i32
      %dma_wait3A_468 = arith.constant 0 : i32
      %dma_wait3A_469 = arith.constant 0 : i32
      %dma_wait3A_470 = tpu.memref_slice %arg3[%dma_wait3A_467, %dma_wait3A_468, %dma_wait3A_469] : memref<2688x1x120xi32, #tpu.memory_space<hbm>> -> memref<1x1x120xi32, #tpu.memory_space<hbm>>
      %dma_wait3A_471 = arith.constant 0 : i32
      %dma_wait3A_472 = arith.constant 0 : i32
      %dma_wait3A_473 = arith.constant 0 : i32
      %dma_wait3A_474 = tpu.memref_slice %arg3[%dma_wait3A_471, %dma_wait3A_472, %dma_wait3A_473] : memref<2688x1x120xi32, #tpu.memory_space<hbm>> -> memref<1x1x120xi32, #tpu.memory_space<hbm>>
      tpu.wait_dma2 semaphore(%arg31 : memref<!tpu.dma_semaphore, #tpu.memory_space<semaphore_mem>>) src(%dma_wait3A_474 : memref<1x1x120xi32, #tpu.memory_space<hbm>>) dst(%arg12 : memref<1x1x120xi32, #tpu.memory_space<vmem>>)
      %dma_wait3A_475 = arith.constant 0 : i32
      %dma_wait3A_476 = arith.constant 0 : i32
      %dma_wait3A_477 = arith.constant 0 : i32
      %dma_wait3A_478 = tpu.memref_slice %arg3[%dma_wait3A_475, %dma_wait3A_476, %dma_wait3A_477] : memref<2688x1x120xi32, #tpu.memory_space<hbm>> -> memref<1x1x120xi32, #tpu.memory_space<hbm>>
      %dma_wait3A_479 = arith.constant 0 : i32
      %dma_wait3A_480 = arith.constant 0 : i32
      %dma_wait3A_481 = arith.constant 0 : i32
      %dma_wait3A_482 = tpu.memref_slice %arg3[%dma_wait3A_479, %dma_wait3A_480, %dma_wait3A_481] : memref<2688x1x120xi32, #tpu.memory_space<hbm>> -> memref<1x1x120xi32, #tpu.memory_space<hbm>>
      tpu.wait_dma2 semaphore(%arg31 : memref<!tpu.dma_semaphore, #tpu.memory_space<semaphore_mem>>) src(%dma_wait3A_482 : memref<1x1x120xi32, #tpu.memory_space<hbm>>) dst(%arg18 : memref<1x1x120xi32, #tpu.memory_space<vmem>>)
      %dma_start3A_483 = arith.constant 0 : i32
      %dma_start3A_484 = arith.constant 0 : i32
      %dma_start3A_485 = arith.constant 0 : i32
      %dma_start3A_486 = tpu.memref_slice %arg12[%dma_start3A_483, %dma_start3A_484, %dma_start3A_485] : memref<1x1x120xi32, #tpu.memory_space<vmem>> -> memref<1x1x120xi32, #tpu.memory_space<vmem>>
      %dma_start3A_487 = tpu.memref_squeeze %dma_start3A_486 : memref<1x1x120xi32, #tpu.memory_space<vmem>> -> memref<120xi32, #tpu.memory_space<vmem>>
      %dma_start3A_488 = arith.constant 0 : i32
      %dma_start3A_489 = arith.constant 0 : i32
      %dma_start3A_490 = tpu.memref_slice %arg2[%dma_start3A_488, %dma_start3A_489] : memref<10000x128xf32, #tpu.memory_space<hbm>> -> memref<10000x128xf32, #tpu.memory_space<hbm>>
      tpu.enqueue_indirect_dma source(%dma_start3A_490 : memref<10000x128xf32, #tpu.memory_space<hbm>>) target(%arg6 : memref<120x128xf32, #tpu.memory_space<vmem>>) offsets(%dma_start3A_487 : memref<120xi32, #tpu.memory_space<vmem>>) semaphore(%arg22 : memref<!tpu.dma_semaphore, #tpu.memory_space<semaphore_mem>>)
      %dma_wait3A_491 = arith.constant 0 : i32
      %dma_wait3A_492 = arith.constant 0 : i32
      %dma_wait3A_493 = arith.constant 0 : i32
      %dma_wait3A_494 = tpu.memref_slice %arg11[%dma_wait3A_491, %dma_wait3A_492, %dma_wait3A_493] : memref<1x1x120xi32, #tpu.memory_space<vmem>> -> memref<1x1x120xi32, #tpu.memory_space<vmem>>
      %dma_wait3A_495 = tpu.memref_squeeze %dma_wait3A_494 : memref<1x1x120xi32, #tpu.memory_space<vmem>> -> memref<120xi32, #tpu.memory_space<vmem>>
      %dma_wait3A_496 = arith.constant 0 : i32
      %dma_wait3A_497 = arith.constant 0 : i32
      %dma_wait3A_498 = tpu.memref_slice %arg2[%dma_wait3A_496, %dma_wait3A_497] : memref<10000x128xf32, #tpu.memory_space<hbm>> -> memref<10000x128xf32, #tpu.memory_space<hbm>>
      tpu.wait_indirect_dma semaphore(%arg24 : memref<!tpu.dma_semaphore, #tpu.memory_space<semaphore_mem>>) src(%dma_wait3A_498 : memref<10000x128xf32, #tpu.memory_space<hbm>>) dst(%arg8 : memref<120x128xf32, #tpu.memory_space<vmem>>)
      %dma_start3A_499 = arith.constant 0 : i32
      %dma_start3A_500 = arith.constant 0 : i32
      %dma_start3A_501 = arith.constant 0 : i32
      %dma_start3A_502 = tpu.memref_slice %arg17[%dma_start3A_499, %dma_start3A_500, %dma_start3A_501] : memref<1x1x120xi32, #tpu.memory_space<vmem>> -> memref<1x1x120xi32, #tpu.memory_space<vmem>>
      %dma_start3A_503 = tpu.memref_squeeze %dma_start3A_502 : memref<1x1x120xi32, #tpu.memory_space<vmem>> -> memref<120xi32, #tpu.memory_space<vmem>>
      %dma_start3A_504 = arith.constant 0 : i32
      %dma_start3A_505 = arith.constant 0 : i32
      %dma_start3A_506 = tpu.memref_slice %arg21[%dma_start3A_504, %dma_start3A_505] : memref<10112x128xf32, #tpu.memory_space<vmem_shared>> -> memref<10112x128xf32, #tpu.memory_space<vmem_shared>>
      tpu.enqueue_indirect_dma source(%arg8 : memref<120x128xf32, #tpu.memory_space<vmem>>) target(%dma_start3A_506 : memref<10112x128xf32, #tpu.memory_space<vmem_shared>>) offsets(%dma_start3A_503 : memref<120xi32, #tpu.memory_space<vmem>>) semaphore(%arg27 : memref<!tpu.dma_semaphore, #tpu.memory_space<semaphore_mem>>) {add = true}
      %add3A_507 = arith.constant 4 : i32
      %add3A_508 = arith.addi %mul3A_274, %add3A_507 : i32
      %dma_wait3A_509 = arith.constant 0 : i32
      %dma_wait3A_510 = arith.constant 0 : i32
      %dma_wait3A_511 = arith.constant 0 : i32
      %dma_wait3A_512 = tpu.memref_slice %arg16[%dma_wait3A_509, %dma_wait3A_510, %dma_wait3A_511] : memref<1x1x120xi32, #tpu.memory_space<vmem>> -> memref<1x1x120xi32, #tpu.memory_space<vmem>>
      %dma_wait3A_513 = tpu.memref_squeeze %dma_wait3A_512 : memref<1x1x120xi32, #tpu.memory_space<vmem>> -> memref<120xi32, #tpu.memory_space<vmem>>
      %dma_wait3A_514 = arith.constant 0 : i32
      %dma_wait3A_515 = arith.constant 0 : i32
      %dma_wait3A_516 = tpu.memref_slice %arg21[%dma_wait3A_514, %dma_wait3A_515] : memref<10112x128xf32, #tpu.memory_space<vmem_shared>> -> memref<10112x128xf32, #tpu.memory_space<vmem_shared>>
      tpu.wait_indirect_dma semaphore(%arg26 : memref<!tpu.dma_semaphore, #tpu.memory_space<semaphore_mem>>) src(%arg7 : memref<120x128xf32, #tpu.memory_space<vmem>>) dst(%dma_wait3A_516 : memref<10112x128xf32, #tpu.memory_space<vmem_shared>>)
      %lt3A_517 = arith.constant 13 : i32
      %lt3A_518 = arith.cmpi slt, %scan3A_272, %lt3A_517 : i32
      %convert_element_type3A_519 = arith.extui %lt3A_518 : i1 to i32
      %cond3A_520 = arith.constant 0 : i32
      %cond3A_521 = arith.cmpi ne, %convert_element_type3A_519, %cond3A_520 : i32
      scf.if %cond3A_521 {
        %add3A_617 = arith.constant 3 : i32
        %add3A_618 = arith.addi %add3A_508, %add3A_617 : i32
        %mul3A_619 = arith.constant 84 : i32
        %mul3A_620 = arith.muli %add3A, %mul3A_619 : i32
        %add3A_621 = arith.addi %mul3A_620, %add3A_618 : i32
        %dma_start3A_622 = arith.constant 0 : i32
        %dma_start3A_623 = arith.constant 0 : i32
        %dma_start3A_624 = tpu.memref_slice %arg3[%add3A_621, %dma_start3A_622, %dma_start3A_623] : memref<2688x1x120xi32, #tpu.memory_space<hbm>> -> memref<1x1x120xi32, #tpu.memory_space<hbm>>
        %dma_start3A_625 = arith.constant 0 : i32
        %dma_start3A_626 = arith.constant 0 : i32
        %dma_start3A_627 = tpu.memref_slice %arg3[%add3A_621, %dma_start3A_625, %dma_start3A_626] : memref<2688x1x120xi32, #tpu.memory_space<hbm>> -> memref<1x1x120xi32, #tpu.memory_space<hbm>>
        tpu.enqueue_dma source(%dma_start3A_627 : memref<1x1x120xi32, #tpu.memory_space<hbm>>) target(%arg10 : memref<1x1x120xi32, #tpu.memory_space<vmem>>) target_semaphore(%arg29 : memref<!tpu.dma_semaphore, #tpu.memory_space<semaphore_mem>>)
        %dma_start3A_628 = arith.constant 0 : i32
        %dma_start3A_629 = arith.constant 0 : i32
        %dma_start3A_630 = tpu.memref_slice %arg4[%add3A_621, %dma_start3A_628, %dma_start3A_629] : memref<2688x1x120xi32, #tpu.memory_space<hbm>> -> memref<1x1x120xi32, #tpu.memory_space<hbm>>
        %dma_start3A_631 = arith.constant 0 : i32
        %dma_start3A_632 = arith.constant 0 : i32
        %dma_start3A_633 = tpu.memref_slice %arg4[%add3A_621, %dma_start3A_631, %dma_start3A_632] : memref<2688x1x120xi32, #tpu.memory_space<hbm>> -> memref<1x1x120xi32, #tpu.memory_space<hbm>>
        tpu.enqueue_dma source(%dma_start3A_633 : memref<1x1x120xi32, #tpu.memory_space<hbm>>) target(%arg16 : memref<1x1x120xi32, #tpu.memory_space<vmem>>) target_semaphore(%arg29 : memref<!tpu.dma_semaphore, #tpu.memory_space<semaphore_mem>>)
      } else {
      }
      %dma_wait3A_522 = arith.constant 0 : i32
      %dma_wait3A_523 = arith.constant 0 : i32
      %dma_wait3A_524 = arith.constant 0 : i32
      %dma_wait3A_525 = tpu.memref_slice %arg3[%dma_wait3A_522, %dma_wait3A_523, %dma_wait3A_524] : memref<2688x1x120xi32, #tpu.memory_space<hbm>> -> memref<1x1x120xi32, #tpu.memory_space<hbm>>
      %dma_wait3A_526 = arith.constant 0 : i32
      %dma_wait3A_527 = arith.constant 0 : i32
      %dma_wait3A_528 = arith.constant 0 : i32
      %dma_wait3A_529 = tpu.memref_slice %arg3[%dma_wait3A_526, %dma_wait3A_527, %dma_wait3A_528] : memref<2688x1x120xi32, #tpu.memory_space<hbm>> -> memref<1x1x120xi32, #tpu.memory_space<hbm>>
      tpu.wait_dma2 semaphore(%arg32 : memref<!tpu.dma_semaphore, #tpu.memory_space<semaphore_mem>>) src(%dma_wait3A_529 : memref<1x1x120xi32, #tpu.memory_space<hbm>>) dst(%arg13 : memref<1x1x120xi32, #tpu.memory_space<vmem>>)
      %dma_wait3A_530 = arith.constant 0 : i32
      %dma_wait3A_531 = arith.constant 0 : i32
      %dma_wait3A_532 = arith.constant 0 : i32
      %dma_wait3A_533 = tpu.memref_slice %arg3[%dma_wait3A_530, %dma_wait3A_531, %dma_wait3A_532] : memref<2688x1x120xi32, #tpu.memory_space<hbm>> -> memref<1x1x120xi32, #tpu.memory_space<hbm>>
      %dma_wait3A_534 = arith.constant 0 : i32
      %dma_wait3A_535 = arith.constant 0 : i32
      %dma_wait3A_536 = arith.constant 0 : i32
      %dma_wait3A_537 = tpu.memref_slice %arg3[%dma_wait3A_534, %dma_wait3A_535, %dma_wait3A_536] : memref<2688x1x120xi32, #tpu.memory_space<hbm>> -> memref<1x1x120xi32, #tpu.memory_space<hbm>>
      tpu.wait_dma2 semaphore(%arg32 : memref<!tpu.dma_semaphore, #tpu.memory_space<semaphore_mem>>) src(%dma_wait3A_537 : memref<1x1x120xi32, #tpu.memory_space<hbm>>) dst(%arg19 : memref<1x1x120xi32, #tpu.memory_space<vmem>>)
      %dma_start3A_538 = arith.constant 0 : i32
      %dma_start3A_539 = arith.constant 0 : i32
      %dma_start3A_540 = arith.constant 0 : i32
      %dma_start3A_541 = tpu.memref_slice %arg13[%dma_start3A_538, %dma_start3A_539, %dma_start3A_540] : memref<1x1x120xi32, #tpu.memory_space<vmem>> -> memref<1x1x120xi32, #tpu.memory_space<vmem>>
      %dma_start3A_542 = tpu.memref_squeeze %dma_start3A_541 : memref<1x1x120xi32, #tpu.memory_space<vmem>> -> memref<120xi32, #tpu.memory_space<vmem>>
      %dma_start3A_543 = arith.constant 0 : i32
      %dma_start3A_544 = arith.constant 0 : i32
      %dma_start3A_545 = tpu.memref_slice %arg2[%dma_start3A_543, %dma_start3A_544] : memref<10000x128xf32, #tpu.memory_space<hbm>> -> memref<10000x128xf32, #tpu.memory_space<hbm>>
      tpu.enqueue_indirect_dma source(%dma_start3A_545 : memref<10000x128xf32, #tpu.memory_space<hbm>>) target(%arg7 : memref<120x128xf32, #tpu.memory_space<vmem>>) offsets(%dma_start3A_542 : memref<120xi32, #tpu.memory_space<vmem>>) semaphore(%arg23 : memref<!tpu.dma_semaphore, #tpu.memory_space<semaphore_mem>>)
      %dma_wait3A_546 = arith.constant 0 : i32
      %dma_wait3A_547 = arith.constant 0 : i32
      %dma_wait3A_548 = arith.constant 0 : i32
      %dma_wait3A_549 = tpu.memref_slice %arg12[%dma_wait3A_546, %dma_wait3A_547, %dma_wait3A_548] : memref<1x1x120xi32, #tpu.memory_space<vmem>> -> memref<1x1x120xi32, #tpu.memory_space<vmem>>
      %dma_wait3A_550 = tpu.memref_squeeze %dma_wait3A_549 : memref<1x1x120xi32, #tpu.memory_space<vmem>> -> memref<120xi32, #tpu.memory_space<vmem>>
      %dma_wait3A_551 = arith.constant 0 : i32
      %dma_wait3A_552 = arith.constant 0 : i32
      %dma_wait3A_553 = tpu.memref_slice %arg2[%dma_wait3A_551, %dma_wait3A_552] : memref<10000x128xf32, #tpu.memory_space<hbm>> -> memref<10000x128xf32, #tpu.memory_space<hbm>>
      tpu.wait_indirect_dma semaphore(%arg22 : memref<!tpu.dma_semaphore, #tpu.memory_space<semaphore_mem>>) src(%dma_wait3A_553 : memref<10000x128xf32, #tpu.memory_space<hbm>>) dst(%arg6 : memref<120x128xf32, #tpu.memory_space<vmem>>)
      %dma_start3A_554 = arith.constant 0 : i32
      %dma_start3A_555 = arith.constant 0 : i32
      %dma_start3A_556 = arith.constant 0 : i32
      %dma_start3A_557 = tpu.memref_slice %arg18[%dma_start3A_554, %dma_start3A_555, %dma_start3A_556] : memref<1x1x120xi32, #tpu.memory_space<vmem>> -> memref<1x1x120xi32, #tpu.memory_space<vmem>>
      %dma_start3A_558 = tpu.memref_squeeze %dma_start3A_557 : memref<1x1x120xi32, #tpu.memory_space<vmem>> -> memref<120xi32, #tpu.memory_space<vmem>>
      %dma_start3A_559 = arith.constant 0 : i32
      %dma_start3A_560 = arith.constant 0 : i32
      %dma_start3A_561 = tpu.memref_slice %arg21[%dma_start3A_559, %dma_start3A_560] : memref<10112x128xf32, #tpu.memory_space<vmem_shared>> -> memref<10112x128xf32, #tpu.memory_space<vmem_shared>>
      tpu.enqueue_indirect_dma source(%arg6 : memref<120x128xf32, #tpu.memory_space<vmem>>) target(%dma_start3A_561 : memref<10112x128xf32, #tpu.memory_space<vmem_shared>>) offsets(%dma_start3A_558 : memref<120xi32, #tpu.memory_space<vmem>>) semaphore(%arg25 : memref<!tpu.dma_semaphore, #tpu.memory_space<semaphore_mem>>) {add = true}
      %add3A_562 = arith.constant 5 : i32
      %add3A_563 = arith.addi %mul3A_274, %add3A_562 : i32
      %dma_wait3A_564 = arith.constant 0 : i32
      %dma_wait3A_565 = arith.constant 0 : i32
      %dma_wait3A_566 = arith.constant 0 : i32
      %dma_wait3A_567 = tpu.memref_slice %arg17[%dma_wait3A_564, %dma_wait3A_565, %dma_wait3A_566] : memref<1x1x120xi32, #tpu.memory_space<vmem>> -> memref<1x1x120xi32, #tpu.memory_space<vmem>>
      %dma_wait3A_568 = tpu.memref_squeeze %dma_wait3A_567 : memref<1x1x120xi32, #tpu.memory_space<vmem>> -> memref<120xi32, #tpu.memory_space<vmem>>
      %dma_wait3A_569 = arith.constant 0 : i32
      %dma_wait3A_570 = arith.constant 0 : i32
      %dma_wait3A_571 = tpu.memref_slice %arg21[%dma_wait3A_569, %dma_wait3A_570] : memref<10112x128xf32, #tpu.memory_space<vmem_shared>> -> memref<10112x128xf32, #tpu.memory_space<vmem_shared>>
      tpu.wait_indirect_dma semaphore(%arg27 : memref<!tpu.dma_semaphore, #tpu.memory_space<semaphore_mem>>) src(%arg8 : memref<120x128xf32, #tpu.memory_space<vmem>>) dst(%dma_wait3A_571 : memref<10112x128xf32, #tpu.memory_space<vmem_shared>>)
      %lt3A_572 = arith.constant 13 : i32
      %lt3A_573 = arith.cmpi slt, %scan3A_272, %lt3A_572 : i32
      %convert_element_type3A_574 = arith.extui %lt3A_573 : i1 to i32
      %cond3A_575 = arith.constant 0 : i32
      %cond3A_576 = arith.cmpi ne, %convert_element_type3A_574, %cond3A_575 : i32
      scf.if %cond3A_576 {
        %add3A_617 = arith.constant 3 : i32
        %add3A_618 = arith.addi %add3A_563, %add3A_617 : i32
        %mul3A_619 = arith.constant 84 : i32
        %mul3A_620 = arith.muli %add3A, %mul3A_619 : i32
        %add3A_621 = arith.addi %mul3A_620, %add3A_618 : i32
        %dma_start3A_622 = arith.constant 0 : i32
        %dma_start3A_623 = arith.constant 0 : i32
        %dma_start3A_624 = tpu.memref_slice %arg3[%add3A_621, %dma_start3A_622, %dma_start3A_623] : memref<2688x1x120xi32, #tpu.memory_space<hbm>> -> memref<1x1x120xi32, #tpu.memory_space<hbm>>
        %dma_start3A_625 = arith.constant 0 : i32
        %dma_start3A_626 = arith.constant 0 : i32
        %dma_start3A_627 = tpu.memref_slice %arg3[%add3A_621, %dma_start3A_625, %dma_start3A_626] : memref<2688x1x120xi32, #tpu.memory_space<hbm>> -> memref<1x1x120xi32, #tpu.memory_space<hbm>>
        tpu.enqueue_dma source(%dma_start3A_627 : memref<1x1x120xi32, #tpu.memory_space<hbm>>) target(%arg11 : memref<1x1x120xi32, #tpu.memory_space<vmem>>) target_semaphore(%arg30 : memref<!tpu.dma_semaphore, #tpu.memory_space<semaphore_mem>>)
        %dma_start3A_628 = arith.constant 0 : i32
        %dma_start3A_629 = arith.constant 0 : i32
        %dma_start3A_630 = tpu.memref_slice %arg4[%add3A_621, %dma_start3A_628, %dma_start3A_629] : memref<2688x1x120xi32, #tpu.memory_space<hbm>> -> memref<1x1x120xi32, #tpu.memory_space<hbm>>
        %dma_start3A_631 = arith.constant 0 : i32
        %dma_start3A_632 = arith.constant 0 : i32
        %dma_start3A_633 = tpu.memref_slice %arg4[%add3A_621, %dma_start3A_631, %dma_start3A_632] : memref<2688x1x120xi32, #tpu.memory_space<hbm>> -> memref<1x1x120xi32, #tpu.memory_space<hbm>>
        tpu.enqueue_dma source(%dma_start3A_633 : memref<1x1x120xi32, #tpu.memory_space<hbm>>) target(%arg17 : memref<1x1x120xi32, #tpu.memory_space<vmem>>) target_semaphore(%arg30 : memref<!tpu.dma_semaphore, #tpu.memory_space<semaphore_mem>>)
      } else {
      }
      %dma_wait3A_577 = arith.constant 0 : i32
      %dma_wait3A_578 = arith.constant 0 : i32
      %dma_wait3A_579 = arith.constant 0 : i32
      %dma_wait3A_580 = tpu.memref_slice %arg3[%dma_wait3A_577, %dma_wait3A_578, %dma_wait3A_579] : memref<2688x1x120xi32, #tpu.memory_space<hbm>> -> memref<1x1x120xi32, #tpu.memory_space<hbm>>
      %dma_wait3A_581 = arith.constant 0 : i32
      %dma_wait3A_582 = arith.constant 0 : i32
      %dma_wait3A_583 = arith.constant 0 : i32
      %dma_wait3A_584 = tpu.memref_slice %arg3[%dma_wait3A_581, %dma_wait3A_582, %dma_wait3A_583] : memref<2688x1x120xi32, #tpu.memory_space<hbm>> -> memref<1x1x120xi32, #tpu.memory_space<hbm>>
      tpu.wait_dma2 semaphore(%arg33 : memref<!tpu.dma_semaphore, #tpu.memory_space<semaphore_mem>>) src(%dma_wait3A_584 : memref<1x1x120xi32, #tpu.memory_space<hbm>>) dst(%arg14 : memref<1x1x120xi32, #tpu.memory_space<vmem>>)
      %dma_wait3A_585 = arith.constant 0 : i32
      %dma_wait3A_586 = arith.constant 0 : i32
      %dma_wait3A_587 = arith.constant 0 : i32
      %dma_wait3A_588 = tpu.memref_slice %arg3[%dma_wait3A_585, %dma_wait3A_586, %dma_wait3A_587] : memref<2688x1x120xi32, #tpu.memory_space<hbm>> -> memref<1x1x120xi32, #tpu.memory_space<hbm>>
      %dma_wait3A_589 = arith.constant 0 : i32
      %dma_wait3A_590 = arith.constant 0 : i32
      %dma_wait3A_591 = arith.constant 0 : i32
      %dma_wait3A_592 = tpu.memref_slice %arg3[%dma_wait3A_589, %dma_wait3A_590, %dma_wait3A_591] : memref<2688x1x120xi32, #tpu.memory_space<hbm>> -> memref<1x1x120xi32, #tpu.memory_space<hbm>>
      tpu.wait_dma2 semaphore(%arg33 : memref<!tpu.dma_semaphore, #tpu.memory_space<semaphore_mem>>) src(%dma_wait3A_592 : memref<1x1x120xi32, #tpu.memory_space<hbm>>) dst(%arg20 : memref<1x1x120xi32, #tpu.memory_space<vmem>>)
      %dma_start3A_593 = arith.constant 0 : i32
      %dma_start3A_594 = arith.constant 0 : i32
      %dma_start3A_595 = arith.constant 0 : i32
      %dma_start3A_596 = tpu.memref_slice %arg14[%dma_start3A_593, %dma_start3A_594, %dma_start3A_595] : memref<1x1x120xi32, #tpu.memory_space<vmem>> -> memref<1x1x120xi32, #tpu.memory_space<vmem>>
      %dma_start3A_597 = tpu.memref_squeeze %dma_start3A_596 : memref<1x1x120xi32, #tpu.memory_space<vmem>> -> memref<120xi32, #tpu.memory_space<vmem>>
      %dma_start3A_598 = arith.constant 0 : i32
      %dma_start3A_599 = arith.constant 0 : i32
      %dma_start3A_600 = tpu.memref_slice %arg2[%dma_start3A_598, %dma_start3A_599] : memref<10000x128xf32, #tpu.memory_space<hbm>> -> memref<10000x128xf32, #tpu.memory_space<hbm>>
      tpu.enqueue_indirect_dma source(%dma_start3A_600 : memref<10000x128xf32, #tpu.memory_space<hbm>>) target(%arg8 : memref<120x128xf32, #tpu.memory_space<vmem>>) offsets(%dma_start3A_597 : memref<120xi32, #tpu.memory_space<vmem>>) semaphore(%arg24 : memref<!tpu.dma_semaphore, #tpu.memory_space<semaphore_mem>>)
      %dma_wait3A_601 = arith.constant 0 : i32
      %dma_wait3A_602 = arith.constant 0 : i32
      %dma_wait3A_603 = arith.constant 0 : i32
      %dma_wait3A_604 = tpu.memref_slice %arg13[%dma_wait3A_601, %dma_wait3A_602, %dma_wait3A_603] : memref<1x1x120xi32, #tpu.memory_space<vmem>> -> memref<1x1x120xi32, #tpu.memory_space<vmem>>
      %dma_wait3A_605 = tpu.memref_squeeze %dma_wait3A_604 : memref<1x1x120xi32, #tpu.memory_space<vmem>> -> memref<120xi32, #tpu.memory_space<vmem>>
      %dma_wait3A_606 = arith.constant 0 : i32
      %dma_wait3A_607 = arith.constant 0 : i32
      %dma_wait3A_608 = tpu.memref_slice %arg2[%dma_wait3A_606, %dma_wait3A_607] : memref<10000x128xf32, #tpu.memory_space<hbm>> -> memref<10000x128xf32, #tpu.memory_space<hbm>>
      tpu.wait_indirect_dma semaphore(%arg23 : memref<!tpu.dma_semaphore, #tpu.memory_space<semaphore_mem>>) src(%dma_wait3A_608 : memref<10000x128xf32, #tpu.memory_space<hbm>>) dst(%arg7 : memref<120x128xf32, #tpu.memory_space<vmem>>)
      %dma_start3A_609 = arith.constant 0 : i32
      %dma_start3A_610 = arith.constant 0 : i32
      %dma_start3A_611 = arith.constant 0 : i32
      %dma_start3A_612 = tpu.memref_slice %arg19[%dma_start3A_609, %dma_start3A_610, %dma_start3A_611] : memref<1x1x120xi32, #tpu.memory_space<vmem>> -> memref<1x1x120xi32, #tpu.memory_space<vmem>>
      %dma_start3A_613 = tpu.memref_squeeze %dma_start3A_612 : memref<1x1x120xi32, #tpu.memory_space<vmem>> -> memref<120xi32, #tpu.memory_space<vmem>>
      %dma_start3A_614 = arith.constant 0 : i32
      %dma_start3A_615 = arith.constant 0 : i32
      %dma_start3A_616 = tpu.memref_slice %arg21[%dma_start3A_614, %dma_start3A_615] : memref<10112x128xf32, #tpu.memory_space<vmem_shared>> -> memref<10112x128xf32, #tpu.memory_space<vmem_shared>>
      tpu.enqueue_indirect_dma source(%arg7 : memref<120x128xf32, #tpu.memory_space<vmem>>) target(%dma_start3A_616 : memref<10112x128xf32, #tpu.memory_space<vmem_shared>>) offsets(%dma_start3A_613 : memref<120xi32, #tpu.memory_space<vmem>>) semaphore(%arg26 : memref<!tpu.dma_semaphore, #tpu.memory_space<semaphore_mem>>) {add = true}
    }
    %scan3A_226 = arith.constant 14 : i32
    %dma_wait3A_227 = arith.constant 0 : i32
    %dma_wait3A_228 = arith.constant 0 : i32
    %dma_wait3A_229 = arith.constant 0 : i32
    %dma_wait3A_230 = tpu.memref_slice %arg14[%dma_wait3A_227, %dma_wait3A_228, %dma_wait3A_229] : memref<1x1x120xi32, #tpu.memory_space<vmem>> -> memref<1x1x120xi32, #tpu.memory_space<vmem>>
    %dma_wait3A_231 = tpu.memref_squeeze %dma_wait3A_230 : memref<1x1x120xi32, #tpu.memory_space<vmem>> -> memref<120xi32, #tpu.memory_space<vmem>>
    %dma_wait3A_232 = arith.constant 0 : i32
    %dma_wait3A_233 = arith.constant 0 : i32
    %dma_wait3A_234 = tpu.memref_slice %arg2[%dma_wait3A_232, %dma_wait3A_233] : memref<10000x128xf32, #tpu.memory_space<hbm>> -> memref<10000x128xf32, #tpu.memory_space<hbm>>
    tpu.wait_indirect_dma semaphore(%arg24 : memref<!tpu.dma_semaphore, #tpu.memory_space<semaphore_mem>>) src(%dma_wait3A_234 : memref<10000x128xf32, #tpu.memory_space<hbm>>) dst(%arg8 : memref<120x128xf32, #tpu.memory_space<vmem>>)
    %dma_start3A_235 = arith.constant 0 : i32
    %dma_start3A_236 = arith.constant 0 : i32
    %dma_start3A_237 = arith.constant 0 : i32
    %dma_start3A_238 = tpu.memref_slice %arg20[%dma_start3A_235, %dma_start3A_236, %dma_start3A_237] : memref<1x1x120xi32, #tpu.memory_space<vmem>> -> memref<1x1x120xi32, #tpu.memory_space<vmem>>
    %dma_start3A_239 = tpu.memref_squeeze %dma_start3A_238 : memref<1x1x120xi32, #tpu.memory_space<vmem>> -> memref<120xi32, #tpu.memory_space<vmem>>
    %dma_start3A_240 = arith.constant 0 : i32
    %dma_start3A_241 = arith.constant 0 : i32
    %dma_start3A_242 = tpu.memref_slice %arg21[%dma_start3A_240, %dma_start3A_241] : memref<10112x128xf32, #tpu.memory_space<vmem_shared>> -> memref<10112x128xf32, #tpu.memory_space<vmem_shared>>
    tpu.enqueue_indirect_dma source(%arg8 : memref<120x128xf32, #tpu.memory_space<vmem>>) target(%dma_start3A_242 : memref<10112x128xf32, #tpu.memory_space<vmem_shared>>) offsets(%dma_start3A_239 : memref<120xi32, #tpu.memory_space<vmem>>) semaphore(%arg27 : memref<!tpu.dma_semaphore, #tpu.memory_space<semaphore_mem>>) {add = true}
    %dma_wait3A_243 = arith.constant 0 : i32
    %dma_wait3A_244 = arith.constant 0 : i32
    %dma_wait3A_245 = arith.constant 0 : i32
    %dma_wait3A_246 = tpu.memref_slice %arg18[%dma_wait3A_243, %dma_wait3A_244, %dma_wait3A_245] : memref<1x1x120xi32, #tpu.memory_space<vmem>> -> memref<1x1x120xi32, #tpu.memory_space<vmem>>
    %dma_wait3A_247 = tpu.memref_squeeze %dma_wait3A_246 : memref<1x1x120xi32, #tpu.memory_space<vmem>> -> memref<120xi32, #tpu.memory_space<vmem>>
    %dma_wait3A_248 = arith.constant 0 : i32
    %dma_wait3A_249 = arith.constant 0 : i32
    %dma_wait3A_250 = tpu.memref_slice %arg21[%dma_wait3A_248, %dma_wait3A_249] : memref<10112x128xf32, #tpu.memory_space<vmem_shared>> -> memref<10112x128xf32, #tpu.memory_space<vmem_shared>>
    tpu.wait_indirect_dma semaphore(%arg25 : memref<!tpu.dma_semaphore, #tpu.memory_space<semaphore_mem>>) src(%arg6 : memref<120x128xf32, #tpu.memory_space<vmem>>) dst(%dma_wait3A_250 : memref<10112x128xf32, #tpu.memory_space<vmem_shared>>)
    %dma_wait3A_251 = arith.constant 0 : i32
    %dma_wait3A_252 = arith.constant 0 : i32
    %dma_wait3A_253 = arith.constant 0 : i32
    %dma_wait3A_254 = tpu.memref_slice %arg19[%dma_wait3A_251, %dma_wait3A_252, %dma_wait3A_253] : memref<1x1x120xi32, #tpu.memory_space<vmem>> -> memref<1x1x120xi32, #tpu.memory_space<vmem>>
    %dma_wait3A_255 = tpu.memref_squeeze %dma_wait3A_254 : memref<1x1x120xi32, #tpu.memory_space<vmem>> -> memref<120xi32, #tpu.memory_space<vmem>>
    %dma_wait3A_256 = arith.constant 0 : i32
    %dma_wait3A_257 = arith.constant 0 : i32
    %dma_wait3A_258 = tpu.memref_slice %arg21[%dma_wait3A_256, %dma_wait3A_257] : memref<10112x128xf32, #tpu.memory_space<vmem_shared>> -> memref<10112x128xf32, #tpu.memory_space<vmem_shared>>
    tpu.wait_indirect_dma semaphore(%arg26 : memref<!tpu.dma_semaphore, #tpu.memory_space<semaphore_mem>>) src(%arg7 : memref<120x128xf32, #tpu.memory_space<vmem>>) dst(%dma_wait3A_258 : memref<10112x128xf32, #tpu.memory_space<vmem_shared>>)
    %dma_wait3A_259 = arith.constant 0 : i32
    %dma_wait3A_260 = arith.constant 0 : i32
    %dma_wait3A_261 = arith.constant 0 : i32
    %dma_wait3A_262 = tpu.memref_slice %arg20[%dma_wait3A_259, %dma_wait3A_260, %dma_wait3A_261] : memref<1x1x120xi32, #tpu.memory_space<vmem>> -> memref<1x1x120xi32, #tpu.memory_space<vmem>>
    %dma_wait3A_263 = tpu.memref_squeeze %dma_wait3A_262 : memref<1x1x120xi32, #tpu.memory_space<vmem>> -> memref<120xi32, #tpu.memory_space<vmem>>
    %dma_wait3A_264 = arith.constant 0 : i32
    %dma_wait3A_265 = arith.constant 0 : i32
    %dma_wait3A_266 = tpu.memref_slice %arg21[%dma_wait3A_264, %dma_wait3A_265] : memref<10112x128xf32, #tpu.memory_space<vmem_shared>> -> memref<10112x128xf32, #tpu.memory_space<vmem_shared>>
    tpu.wait_indirect_dma semaphore(%arg27 : memref<!tpu.dma_semaphore, #tpu.memory_space<semaphore_mem>>) src(%arg8 : memref<120x128xf32, #tpu.memory_space<vmem>>) dst(%dma_wait3A_266 : memref<10112x128xf32, #tpu.memory_space<vmem_shared>>)
    %barrier3A_267 = arith.constant 0 : index
    tpu.barrier barrier_id(%barrier3A_267)
    %mul3A_268 = arith.constant 632 : i32
    %mul3A_269 = arith.muli %arg1, %mul3A_268 : i32
    %mul3A_270 = arith.constant 632 : i32
    %mul3A_271 = arith.muli %arg1, %mul3A_270 : i32
    "tpu.region"() ({
      %run_scoped3A = tpu.sem_alloc : memref<!tpu.dma_semaphore, #tpu.memory_space<semaphore_mem>>
      %dma_start3A_272 = arith.constant 0 : i32
      %dma_start3A_273 = tpu.memref_slice %arg5[%arg0, %mul3A_271, %dma_start3A_272] : memref<2x10112x128xf32, #tpu.memory_space<hbm>> -> memref<1x632x128xf32, #tpu.memory_space<hbm>>
      %dma_start3A_274 = tpu.memref_squeeze %dma_start3A_273 : memref<1x632x128xf32, #tpu.memory_space<hbm>> -> memref<632x128xf32, #tpu.memory_space<hbm>>
      %dma_start3A_275 = arith.constant 0 : i32
      %dma_start3A_276 = tpu.memref_slice %arg21[%mul3A_269, %dma_start3A_275] : memref<10112x128xf32, #tpu.memory_space<vmem_shared>> -> memref<632x128xf32, #tpu.memory_space<vmem_shared>>
      tpu.enqueue_dma source(%dma_start3A_276 : memref<632x128xf32, #tpu.memory_space<vmem_shared>>) target(%dma_start3A_274 : memref<632x128xf32, #tpu.memory_space<hbm>>) target_semaphore(%run_scoped3A : memref<!tpu.dma_semaphore, #tpu.memory_space<semaphore_mem>>)
      %dma_wait3A_277 = arith.constant 0 : i32
      %dma_wait3A_278 = tpu.memref_slice %arg5[%arg0, %mul3A_271, %dma_wait3A_277] : memref<2x10112x128xf32, #tpu.memory_space<hbm>> -> memref<1x632x128xf32, #tpu.memory_space<hbm>>
      %dma_wait3A_279 = tpu.memref_squeeze %dma_wait3A_278 : memref<1x632x128xf32, #tpu.memory_space<hbm>> -> memref<632x128xf32, #tpu.memory_space<hbm>>
      %dma_wait3A_280 = arith.constant 0 : i32
      %dma_wait3A_281 = tpu.memref_slice %arg21[%mul3A_269, %dma_wait3A_280] : memref<10112x128xf32, #tpu.memory_space<vmem_shared>> -> memref<632x128xf32, #tpu.memory_space<vmem_shared>>
      tpu.wait_dma2 semaphore(%run_scoped3A : memref<!tpu.dma_semaphore, #tpu.memory_space<semaphore_mem>>) src(%dma_wait3A_281 : memref<632x128xf32, #tpu.memory_space<vmem_shared>>) dst(%dma_wait3A_279 : memref<632x128xf32, #tpu.memory_space<hbm>>)
      tpu.yield
    }) : () -> ()
    return
  }
}

#map = affine_map<(d0, d1) -> (0, 0)>
#map1 = affine_map<(d0, d1) -> (0, 0, 0)>
module attributes {stable_mosaic.version = 14 : i64} {
  func.func @_sc_scatter_add(%arg0: i32, %arg1: i32, %arg2: memref<10000x128xf32, #tpu.memory_space<hbm>>, %arg3: memref<2688x1x120xi32, #tpu.memory_space<hbm>>, %arg4: memref<2688x1x120xi32, #tpu.memory_space<hbm>>, %arg5: memref<2x10112x128xf32, #tpu.memory_space<hbm>>, %arg6: memref<120x128xf32, #tpu.memory_space<vmem>>, %arg7: memref<120x128xf32, #tpu.memory_space<vmem>>, %arg8: memref<120x128xf32, #tpu.memory_space<vmem>>, %arg9: memref<1x1x120xi32, #tpu.memory_space<vmem>>, %arg10: memref<1x1x120xi32, #tpu.memory_space<vmem>>, %arg11: memref<1x1x120xi32, #tpu.memory_space<vmem>>, %arg12: memref<1x1x120xi32, #tpu.memory_space<vmem>>, %arg13: memref<1x1x120xi32, #tpu.memory_space<vmem>>, %arg14: memref<1x1x120xi32, #tpu.memory_space<vmem>>, %arg15: memref<1x1x120xi32, #tpu.memory_space<vmem>>, %arg16: memref<1x1x120xi32, #tpu.memory_space<vmem>>, %arg17: memref<1x1x120xi32, #tpu.memory_space<vmem>>, %arg18: memref<1x1x120xi32, #tpu.memory_space<vmem>>, %arg19: memref<1x1x120xi32, #tpu.memory_space<vmem>>, %arg20: memref<1x1x120xi32, #tpu.memory_space<vmem>>, %arg21: memref<10112x128xf32, #tpu.memory_space<vmem_shared>>, %arg22: memref<!tpu.dma_semaphore, #tpu.memory_space<semaphore_mem>>, %arg23: memref<!tpu.dma_semaphore, #tpu.memory_space<semaphore_mem>>, %arg24: memref<!tpu.dma_semaphore, #tpu.memory_space<semaphore_mem>>, %arg25: memref<!tpu.dma_semaphore, #tpu.memory_space<semaphore_mem>>, %arg26: memref<!tpu.dma_semaphore, #tpu.memory_space<semaphore_mem>>, %arg27: memref<!tpu.dma_semaphore, #tpu.memory_space<semaphore_mem>>, %arg28: memref<!tpu.dma_semaphore, #tpu.memory_space<semaphore_mem>>, %arg29: memref<!tpu.dma_semaphore, #tpu.memory_space<semaphore_mem>>, %arg30: memref<!tpu.dma_semaphore, #tpu.memory_space<semaphore_mem>>, %arg31: memref<!tpu.dma_semaphore, #tpu.memory_space<semaphore_mem>>, %arg32: memref<!tpu.dma_semaphore, #tpu.memory_space<semaphore_mem>>, %arg33: memref<!tpu.dma_semaphore, #tpu.memory_space<semaphore_mem>>) attributes {dimension_semantics = [#tpu.dimension_semantics<core_parallel>, #tpu.dimension_semantics<subcore_parallel>], iteration_bounds = array<i64: 2, 16>, scalar_prefetch = 0 : i64, scratch_operands = 28 : i64, tpu.core_type = #tpu.core_type<sc_vector_subcore>, window_params = [{transform_indices = #map}, {transform_indices = #map1}, {transform_indices = #map1}, {transform_indices = #map1}]} {
    %mul3A = arith.constant 2 : i32
    %mul3A_0 = arith.muli %arg1, %mul3A : i32
    %add3A = arith.addi %mul3A_0, %arg0 : i32
    %broadcast_in_dim3A = arith.constant 0.000000e+00 : f32
    %broadcast_in_dim3A_1 = vector.broadcast %broadcast_in_dim3A : f32 to vector<16xf32>
    %scan3A = arith.constant 0 : i32
    %scan3A_2 = arith.constant 0 : i32
    %scan3A_3 = arith.constant 120 : i32
    %scan3A_4 = arith.addi %scan3A_2, %scan3A_3 : i32
    %scan3A_5 = arith.constant 1 : i32
    scf.for %scan3A_272 = %scan3A_2 to %scan3A_4 step %scan3A_5  : i32 {
      %swap3A = arith.index_cast %scan3A_272 : i32 to index
      %swap3A_273 = arith.constant 0 : index
      %swap3A_274 = tpu.vector_load %arg6[%swap3A, %swap3A_273] {strides = array<i32>} : memref<120x128xf32, #tpu.memory_space<vmem>>, vector<1x16xf32>,
      %swap3A_275 = vector.shape_cast %swap3A_274 : vector<1x16xf32> to vector<16xf32>
      %swap3A_276 = vector.shape_cast %broadcast_in_dim3A_1 : vector<16xf32> to vector<1x16xf32>
      tpu.vector_store %arg6[%swap3A, %swap3A_273], %swap3A_276 {strides = array<i32>} : memref<120x128xf32, #tpu.memory_space<vmem>>, vector<1x16xf32>,
      %swap3A_277 = arith.index_cast %scan3A_272 : i32 to index
      %swap3A_278 = arith.constant 16 : index
      %swap3A_279 = tpu.vector_load %arg6[%swap3A_277, %swap3A_278] {strides = array<i32>} : memref<120x128xf32, #tpu.memory_space<vmem>>, vector<1x16xf32>,
      %swap3A_280 = vector.shape_cast %swap3A_279 : vector<1x16xf32> to vector<16xf32>
      %swap3A_281 = vector.shape_cast %broadcast_in_dim3A_1 : vector<16xf32> to vector<1x16xf32>
      tpu.vector_store %arg6[%swap3A_277, %swap3A_278], %swap3A_281 {strides = array<i32>} : memref<120x128xf32, #tpu.memory_space<vmem>>, vector<1x16xf32>,
      %swap3A_282 = arith.index_cast %scan3A_272 : i32 to index
      %swap3A_283 = arith.constant 32 : index
      %swap3A_284 = tpu.vector_load %arg6[%swap3A_282, %swap3A_283] {strides = array<i32>} : memref<120x128xf32, #tpu.memory_space<vmem>>, vector<1x16xf32>,
      %swap3A_285 = vector.shape_cast %swap3A_284 : vector<1x16xf32> to vector<16xf32>
      %swap3A_286 = vector.shape_cast %broadcast_in_dim3A_1 : vector<16xf32> to vector<1x16xf32>
      tpu.vector_store %arg6[%swap3A_282, %swap3A_283], %swap3A_286 {strides = array<i32>} : memref<120x128xf32, #tpu.memory_space<vmem>>, vector<1x16xf32>,
      %swap3A_287 = arith.index_cast %scan3A_272 : i32 to index
      %swap3A_288 = arith.constant 48 : index
      %swap3A_289 = tpu.vector_load %arg6[%swap3A_287, %swap3A_288] {strides = array<i32>} : memref<120x128xf32, #tpu.memory_space<vmem>>, vector<1x16xf32>,
      %swap3A_290 = vector.shape_cast %swap3A_289 : vector<1x16xf32> to vector<16xf32>
      %swap3A_291 = vector.shape_cast %broadcast_in_dim3A_1 : vector<16xf32> to vector<1x16xf32>
      tpu.vector_store %arg6[%swap3A_287, %swap3A_288], %swap3A_291 {strides = array<i32>} : memref<120x128xf32, #tpu.memory_space<vmem>>, vector<1x16xf32>,
      %swap3A_292 = arith.index_cast %scan3A_272 : i32 to index
      %swap3A_293 = arith.constant 64 : index
      %swap3A_294 = tpu.vector_load %arg6[%swap3A_292, %swap3A_293] {strides = array<i32>} : memref<120x128xf32, #tpu.memory_space<vmem>>, vector<1x16xf32>,
      %swap3A_295 = vector.shape_cast %swap3A_294 : vector<1x16xf32> to vector<16xf32>
      %swap3A_296 = vector.shape_cast %broadcast_in_dim3A_1 : vector<16xf32> to vector<1x16xf32>
      tpu.vector_store %arg6[%swap3A_292, %swap3A_293], %swap3A_296 {strides = array<i32>} : memref<120x128xf32, #tpu.memory_space<vmem>>, vector<1x16xf32>,
      %swap3A_297 = arith.index_cast %scan3A_272 : i32 to index
      %swap3A_298 = arith.constant 80 : index
      %swap3A_299 = tpu.vector_load %arg6[%swap3A_297, %swap3A_298] {strides = array<i32>} : memref<120x128xf32, #tpu.memory_space<vmem>>, vector<1x16xf32>,
      %swap3A_300 = vector.shape_cast %swap3A_299 : vector<1x16xf32> to vector<16xf32>
      %swap3A_301 = vector.shape_cast %broadcast_in_dim3A_1 : vector<16xf32> to vector<1x16xf32>
      tpu.vector_store %arg6[%swap3A_297, %swap3A_298], %swap3A_301 {strides = array<i32>} : memref<120x128xf32, #tpu.memory_space<vmem>>, vector<1x16xf32>,
      %swap3A_302 = arith.index_cast %scan3A_272 : i32 to index
      %swap3A_303 = arith.constant 96 : index
      %swap3A_304 = tpu.vector_load %arg6[%swap3A_302, %swap3A_303] {strides = array<i32>} : memref<120x128xf32, #tpu.memory_space<vmem>>, vector<1x16xf32>,
      %swap3A_305 = vector.shape_cast %swap3A_304 : vector<1x16xf32> to vector<16xf32>
      %swap3A_306 = vector.shape_cast %broadcast_in_dim3A_1 : vector<16xf32> to vector<1x16xf32>
      tpu.vector_store %arg6[%swap3A_302, %swap3A_303], %swap3A_306 {strides = array<i32>} : memref<120x128xf32, #tpu.memory_space<vmem>>, vector<1x16xf32>,
      %swap3A_307 = arith.index_cast %scan3A_272 : i32 to index
      %swap3A_308 = arith.constant 112 : index
      %swap3A_309 = tpu.vector_load %arg6[%swap3A_307, %swap3A_308] {strides = array<i32>} : memref<120x128xf32, #tpu.memory_space<vmem>>, vector<1x16xf32>,
      %swap3A_310 = vector.shape_cast %swap3A_309 : vector<1x16xf32> to vector<16xf32>
      %swap3A_311 = vector.shape_cast %broadcast_in_dim3A_1 : vector<16xf32> to vector<1x16xf32>
      tpu.vector_store %arg6[%swap3A_307, %swap3A_308], %swap3A_311 {strides = array<i32>} : memref<120x128xf32, #tpu.memory_space<vmem>>, vector<1x16xf32>,
    }
    %scan3A_6 = arith.constant 120 : i32
    %mul3A_7 = arith.constant 632 : i32
    %mul3A_8 = arith.muli %arg1, %mul3A_7 : i32
    %add3A_9 = arith.constant 0 : i32
    %add3A_10 = arith.addi %mul3A_8, %add3A_9 : i32
    %dma_start3A = arith.constant 0 : i32
    %dma_start3A_11 = arith.constant 0 : i32
    %dma_start3A_12 = tpu.memref_slice %arg6[%dma_start3A, %dma_start3A_11] : memref<120x128xf32, #tpu.memory_space<vmem>> -> memref<120x128xf32, #tpu.memory_space<vmem>>
    %dma_start3A_13 = arith.constant 0 : i32
    %dma_start3A_14 = tpu.memref_slice %arg21[%add3A_10, %dma_start3A_13] : memref<10112x128xf32, #tpu.memory_space<vmem_shared>> -> memref<120x128xf32, #tpu.memory_space<vmem_shared>>
    %dma_start3A_15 = arith.constant 0 : i32
    %dma_start3A_16 = tpu.memref_slice %arg21[%add3A_10, %dma_start3A_15] : memref<10112x128xf32, #tpu.memory_space<vmem_shared>> -> memref<120x128xf32, #tpu.memory_space<vmem_shared>>
    %dma_start3A_17 = arith.constant 0 : i32
    %dma_start3A_18 = arith.constant 0 : i32
    %dma_start3A_19 = tpu.memref_slice %arg6[%dma_start3A_17, %dma_start3A_18] : memref<120x128xf32, #tpu.memory_space<vmem>> -> memref<120x128xf32, #tpu.memory_space<vmem>>
    tpu.enqueue_dma source(%dma_start3A_19 : memref<120x128xf32, #tpu.memory_space<vmem>>) target(%dma_start3A_16 : memref<120x128xf32, #tpu.memory_space<vmem_shared>>) target_semaphore(%arg25 : memref<!tpu.dma_semaphore, #tpu.memory_space<semaphore_mem>>)
    %mul3A_20 = arith.constant 632 : i32
    %mul3A_21 = arith.muli %arg1, %mul3A_20 : i32
    %add3A_22 = arith.constant 120 : i32
    %add3A_23 = arith.addi %mul3A_21, %add3A_22 : i32
    %dma_start3A_24 = arith.constant 0 : i32
    %dma_start3A_25 = arith.constant 0 : i32
    %dma_start3A_26 = tpu.memref_slice %arg6[%dma_start3A_24, %dma_start3A_25] : memref<120x128xf32, #tpu.memory_space<vmem>> -> memref<120x128xf32, #tpu.memory_space<vmem>>
    %dma_start3A_27 = arith.constant 0 : i32
    %dma_start3A_28 = tpu.memref_slice %arg21[%add3A_23, %dma_start3A_27] : memref<10112x128xf32, #tpu.memory_space<vmem_shared>> -> memref<120x128xf32, #tpu.memory_space<vmem_shared>>
    %dma_start3A_29 = arith.constant 0 : i32
    %dma_start3A_30 = tpu.memref_slice %arg21[%add3A_23, %dma_start3A_29] : memref<10112x128xf32, #tpu.memory_space<vmem_shared>> -> memref<120x128xf32, #tpu.memory_space<vmem_shared>>
    %dma_start3A_31 = arith.constant 0 : i32
    %dma_start3A_32 = arith.constant 0 : i32
    %dma_start3A_33 = tpu.memref_slice %arg6[%dma_start3A_31, %dma_start3A_32] : memref<120x128xf32, #tpu.memory_space<vmem>> -> memref<120x128xf32, #tpu.memory_space<vmem>>
    tpu.enqueue_dma source(%dma_start3A_33 : memref<120x128xf32, #tpu.memory_space<vmem>>) target(%dma_start3A_30 : memref<120x128xf32, #tpu.memory_space<vmem_shared>>) target_semaphore(%arg25 : memref<!tpu.dma_semaphore, #tpu.memory_space<semaphore_mem>>)
    %mul3A_34 = arith.constant 632 : i32
    %mul3A_35 = arith.muli %arg1, %mul3A_34 : i32
    %add3A_36 = arith.constant 240 : i32
    %add3A_37 = arith.addi %mul3A_35, %add3A_36 : i32
    %dma_start3A_38 = arith.constant 0 : i32
    %dma_start3A_39 = arith.constant 0 : i32
    %dma_start3A_40 = tpu.memref_slice %arg6[%dma_start3A_38, %dma_start3A_39] : memref<120x128xf32, #tpu.memory_space<vmem>> -> memref<120x128xf32, #tpu.memory_space<vmem>>
    %dma_start3A_41 = arith.constant 0 : i32
    %dma_start3A_42 = tpu.memref_slice %arg21[%add3A_37, %dma_start3A_41] : memref<10112x128xf32, #tpu.memory_space<vmem_shared>> -> memref<120x128xf32, #tpu.memory_space<vmem_shared>>
    %dma_start3A_43 = arith.constant 0 : i32
    %dma_start3A_44 = tpu.memref_slice %arg21[%add3A_37, %dma_start3A_43] : memref<10112x128xf32, #tpu.memory_space<vmem_shared>> -> memref<120x128xf32, #tpu.memory_space<vmem_shared>>
    %dma_start3A_45 = arith.constant 0 : i32
    %dma_start3A_46 = arith.constant 0 : i32
    %dma_start3A_47 = tpu.memref_slice %arg6[%dma_start3A_45, %dma_start3A_46] : memref<120x128xf32, #tpu.memory_space<vmem>> -> memref<120x128xf32, #tpu.memory_space<vmem>>
    tpu.enqueue_dma source(%dma_start3A_47 : memref<120x128xf32, #tpu.memory_space<vmem>>) target(%dma_start3A_44 : memref<120x128xf32, #tpu.memory_space<vmem_shared>>) target_semaphore(%arg25 : memref<!tpu.dma_semaphore, #tpu.memory_space<semaphore_mem>>)
    %mul3A_48 = arith.constant 632 : i32
    %mul3A_49 = arith.muli %arg1, %mul3A_48 : i32
    %add3A_50 = arith.constant 360 : i32
    %add3A_51 = arith.addi %mul3A_49, %add3A_50 : i32
    %dma_start3A_52 = arith.constant 0 : i32
    %dma_start3A_53 = arith.constant 0 : i32
    %dma_start3A_54 = tpu.memref_slice %arg6[%dma_start3A_52, %dma_start3A_53] : memref<120x128xf32, #tpu.memory_space<vmem>> -> memref<120x128xf32, #tpu.memory_space<vmem>>
    %dma_start3A_55 = arith.constant 0 : i32
    %dma_start3A_56 = tpu.memref_slice %arg21[%add3A_51, %dma_start3A_55] : memref<10112x128xf32, #tpu.memory_space<vmem_shared>> -> memref<120x128xf32, #tpu.memory_space<vmem_shared>>
    %dma_start3A_57 = arith.constant 0 : i32
    %dma_start3A_58 = tpu.memref_slice %arg21[%add3A_51, %dma_start3A_57] : memref<10112x128xf32, #tpu.memory_space<vmem_shared>> -> memref<120x128xf32, #tpu.memory_space<vmem_shared>>
    %dma_start3A_59 = arith.constant 0 : i32
    %dma_start3A_60 = arith.constant 0 : i32
    %dma_start3A_61 = tpu.memref_slice %arg6[%dma_start3A_59, %dma_start3A_60] : memref<120x128xf32, #tpu.memory_space<vmem>> -> memref<120x128xf32, #tpu.memory_space<vmem>>
    tpu.enqueue_dma source(%dma_start3A_61 : memref<120x128xf32, #tpu.memory_space<vmem>>) target(%dma_start3A_58 : memref<120x128xf32, #tpu.memory_space<vmem_shared>>) target_semaphore(%arg25 : memref<!tpu.dma_semaphore, #tpu.memory_space<semaphore_mem>>)
    %mul3A_62 = arith.constant 632 : i32
    %mul3A_63 = arith.muli %arg1, %mul3A_62 : i32
    %add3A_64 = arith.constant 480 : i32
    %add3A_65 = arith.addi %mul3A_63, %add3A_64 : i32
    %dma_start3A_66 = arith.constant 0 : i32
    %dma_start3A_67 = arith.constant 0 : i32
    %dma_start3A_68 = tpu.memref_slice %arg6[%dma_start3A_66, %dma_start3A_67] : memref<120x128xf32, #tpu.memory_space<vmem>> -> memref<120x128xf32, #tpu.memory_space<vmem>>
    %dma_start3A_69 = arith.constant 0 : i32
    %dma_start3A_70 = tpu.memref_slice %arg21[%add3A_65, %dma_start3A_69] : memref<10112x128xf32, #tpu.memory_space<vmem_shared>> -> memref<120x128xf32, #tpu.memory_space<vmem_shared>>
    %dma_start3A_71 = arith.constant 0 : i32
    %dma_start3A_72 = tpu.memref_slice %arg21[%add3A_65, %dma_start3A_71] : memref<10112x128xf32, #tpu.memory_space<vmem_shared>> -> memref<120x128xf32, #tpu.memory_space<vmem_shared>>
    %dma_start3A_73 = arith.constant 0 : i32
    %dma_start3A_74 = arith.constant 0 : i32
    %dma_start3A_75 = tpu.memref_slice %arg6[%dma_start3A_73, %dma_start3A_74] : memref<120x128xf32, #tpu.memory_space<vmem>> -> memref<120x128xf32, #tpu.memory_space<vmem>>
    tpu.enqueue_dma source(%dma_start3A_75 : memref<120x128xf32, #tpu.memory_space<vmem>>) target(%dma_start3A_72 : memref<120x128xf32, #tpu.memory_space<vmem_shared>>) target_semaphore(%arg25 : memref<!tpu.dma_semaphore, #tpu.memory_space<semaphore_mem>>)
    %mul3A_76 = arith.constant 632 : i32
    %mul3A_77 = arith.muli %arg1, %mul3A_76 : i32
    %add3A_78 = arith.constant 600 : i32
    %add3A_79 = arith.addi %mul3A_77, %add3A_78 : i32
    %dma_start3A_80 = arith.constant 0 : i32
    %dma_start3A_81 = arith.constant 0 : i32
    %dma_start3A_82 = tpu.memref_slice %arg6[%dma_start3A_80, %dma_start3A_81] : memref<120x128xf32, #tpu.memory_space<vmem>> -> memref<32x128xf32, #tpu.memory_space<vmem>>
    %dma_start3A_83 = arith.constant 0 : i32
    %dma_start3A_84 = tpu.memref_slice %arg21[%add3A_79, %dma_start3A_83] : memref<10112x128xf32, #tpu.memory_space<vmem_shared>> -> memref<32x128xf32, #tpu.memory_space<vmem_shared>>
    %dma_start3A_85 = arith.constant 0 : i32
    %dma_start3A_86 = tpu.memref_slice %arg21[%add3A_79, %dma_start3A_85] : memref<10112x128xf32, #tpu.memory_space<vmem_shared>> -> memref<32x128xf32, #tpu.memory_space<vmem_shared>>
    %dma_start3A_87 = arith.constant 0 : i32
    %dma_start3A_88 = arith.constant 0 : i32
    %dma_start3A_89 = tpu.memref_slice %arg6[%dma_start3A_87, %dma_start3A_88] : memref<120x128xf32, #tpu.memory_space<vmem>> -> memref<32x128xf32, #tpu.memory_space<vmem>>
    tpu.enqueue_dma source(%dma_start3A_89 : memref<32x128xf32, #tpu.memory_space<vmem>>) target(%dma_start3A_86 : memref<32x128xf32, #tpu.memory_space<vmem_shared>>) target_semaphore(%arg25 : memref<!tpu.dma_semaphore, #tpu.memory_space<semaphore_mem>>)
    %mul3A_90 = arith.constant 84 : i32
    %mul3A_91 = arith.muli %add3A, %mul3A_90 : i32
    %add3A_92 = arith.constant 0 : i32
    %add3A_93 = arith.addi %mul3A_91, %add3A_92 : i32
    %dma_start3A_94 = arith.constant 0 : i32
    %dma_start3A_95 = arith.constant 0 : i32
    %dma_start3A_96 = tpu.memref_slice %arg3[%add3A_93, %dma_start3A_94, %dma_start3A_95] : memref<2688x1x120xi32, #tpu.memory_space<hbm>> -> memref<1x1x120xi32, #tpu.memory_space<hbm>>
    %dma_start3A_97 = arith.constant 0 : i32
    %dma_start3A_98 = arith.constant 0 : i32
    %dma_start3A_99 = tpu.memref_slice %arg3[%add3A_93, %dma_start3A_97, %dma_start3A_98] : memref<2688x1x120xi32, #tpu.memory_space<hbm>> -> memref<1x1x120xi32, #tpu.memory_space<hbm>>
    tpu.enqueue_dma source(%dma_start3A_99 : memref<1x1x120xi32, #tpu.memory_space<hbm>>) target(%arg9 : memref<1x1x120xi32, #tpu.memory_space<vmem>>) target_semaphore(%arg28 : memref<!tpu.dma_semaphore, #tpu.memory_space<semaphore_mem>>)
    %dma_start3A_100 = arith.constant 0 : i32
    %dma_start3A_101 = arith.constant 0 : i32
    %dma_start3A_102 = tpu.memref_slice %arg4[%add3A_93, %dma_start3A_100, %dma_start3A_101] : memref<2688x1x120xi32, #tpu.memory_space<hbm>> -> memref<1x1x120xi32, #tpu.memory_space<hbm>>
    %dma_start3A_103 = arith.constant 0 : i32
    %dma_start3A_104 = arith.constant 0 : i32
    %dma_start3A_105 = tpu.memref_slice %arg4[%add3A_93, %dma_start3A_103, %dma_start3A_104] : memref<2688x1x120xi32, #tpu.memory_space<hbm>> -> memref<1x1x120xi32, #tpu.memory_space<hbm>>
    tpu.enqueue_dma source(%dma_start3A_105 : memref<1x1x120xi32, #tpu.memory_space<hbm>>) target(%arg15 : memref<1x1x120xi32, #tpu.memory_space<vmem>>) target_semaphore(%arg28 : memref<!tpu.dma_semaphore, #tpu.memory_space<semaphore_mem>>)
    %mul3A_106 = arith.constant 84 : i32
    %mul3A_107 = arith.muli %add3A, %mul3A_106 : i32
    %add3A_108 = arith.constant 1 : i32
    %add3A_109 = arith.addi %mul3A_107, %add3A_108 : i32
    %dma_start3A_110 = arith.constant 0 : i32
    %dma_start3A_111 = arith.constant 0 : i32
    %dma_start3A_112 = tpu.memref_slice %arg3[%add3A_109, %dma_start3A_110, %dma_start3A_111] : memref<2688x1x120xi32, #tpu.memory_space<hbm>> -> memref<1x1x120xi32, #tpu.memory_space<hbm>>
    %dma_start3A_113 = arith.constant 0 : i32
    %dma_start3A_114 = arith.constant 0 : i32
    %dma_start3A_115 = tpu.memref_slice %arg3[%add3A_109, %dma_start3A_113, %dma_start3A_114] : memref<2688x1x120xi32, #tpu.memory_space<hbm>> -> memref<1x1x120xi32, #tpu.memory_space<hbm>>
    tpu.enqueue_dma source(%dma_start3A_115 : memref<1x1x120xi32, #tpu.memory_space<hbm>>) target(%arg10 : memref<1x1x120xi32, #tpu.memory_space<vmem>>) target_semaphore(%arg29 : memref<!tpu.dma_semaphore, #tpu.memory_space<semaphore_mem>>)
    %dma_start3A_116 = arith.constant 0 : i32
    %dma_start3A_117 = arith.constant 0 : i32
    %dma_start3A_118 = tpu.memref_slice %arg4[%add3A_109, %dma_start3A_116, %dma_start3A_117] : memref<2688x1x120xi32, #tpu.memory_space<hbm>> -> memref<1x1x120xi32, #tpu.memory_space<hbm>>
    %dma_start3A_119 = arith.constant 0 : i32
    %dma_start3A_120 = arith.constant 0 : i32
    %dma_start3A_121 = tpu.memref_slice %arg4[%add3A_109, %dma_start3A_119, %dma_start3A_120] : memref<2688x1x120xi32, #tpu.memory_space<hbm>> -> memref<1x1x120xi32, #tpu.memory_space<hbm>>
    tpu.enqueue_dma source(%dma_start3A_121 : memref<1x1x120xi32, #tpu.memory_space<hbm>>) target(%arg16 : memref<1x1x120xi32, #tpu.memory_space<vmem>>) target_semaphore(%arg29 : memref<!tpu.dma_semaphore, #tpu.memory_space<semaphore_mem>>)
    %mul3A_122 = arith.constant 84 : i32
    %mul3A_123 = arith.muli %add3A, %mul3A_122 : i32
    %add3A_124 = arith.constant 2 : i32
    %add3A_125 = arith.addi %mul3A_123, %add3A_124 : i32
    %dma_start3A_126 = arith.constant 0 : i32
    %dma_start3A_127 = arith.constant 0 : i32
    %dma_start3A_128 = tpu.memref_slice %arg3[%add3A_125, %dma_start3A_126, %dma_start3A_127] : memref<2688x1x120xi32, #tpu.memory_space<hbm>> -> memref<1x1x120xi32, #tpu.memory_space<hbm>>
    %dma_start3A_129 = arith.constant 0 : i32
    %dma_start3A_130 = arith.constant 0 : i32
    %dma_start3A_131 = tpu.memref_slice %arg3[%add3A_125, %dma_start3A_129, %dma_start3A_130] : memref<2688x1x120xi32, #tpu.memory_space<hbm>> -> memref<1x1x120xi32, #tpu.memory_space<hbm>>
    tpu.enqueue_dma source(%dma_start3A_131 : memref<1x1x120xi32, #tpu.memory_space<hbm>>) target(%arg11 : memref<1x1x120xi32, #tpu.memory_space<vmem>>) target_semaphore(%arg30 : memref<!tpu.dma_semaphore, #tpu.memory_space<semaphore_mem>>)
    %dma_start3A_132 = arith.constant 0 : i32
    %dma_start3A_133 = arith.constant 0 : i32
    %dma_start3A_134 = tpu.memref_slice %arg4[%add3A_125, %dma_start3A_132, %dma_start3A_133] : memref<2688x1x120xi32, #tpu.memory_space<hbm>> -> memref<1x1x120xi32, #tpu.memory_space<hbm>>
    %dma_start3A_135 = arith.constant 0 : i32
    %dma_start3A_136 = arith.constant 0 : i32
    %dma_start3A_137 = tpu.memref_slice %arg4[%add3A_125, %dma_start3A_135, %dma_start3A_136] : memref<2688x1x120xi32, #tpu.memory_space<hbm>> -> memref<1x1x120xi32, #tpu.memory_space<hbm>>
    tpu.enqueue_dma source(%dma_start3A_137 : memref<1x1x120xi32, #tpu.memory_space<hbm>>) target(%arg17 : memref<1x1x120xi32, #tpu.memory_space<vmem>>) target_semaphore(%arg30 : memref<!tpu.dma_semaphore, #tpu.memory_space<semaphore_mem>>)
    %mul3A_138 = arith.constant 632 : i32
    %mul3A_139 = arith.muli %arg1, %mul3A_138 : i32
    %add3A_140 = arith.constant 0 : i32
    %add3A_141 = arith.addi %mul3A_139, %add3A_140 : i32
    %dma_wait3A = arith.constant 0 : i32
    %dma_wait3A_142 = arith.constant 0 : i32
    %dma_wait3A_143 = tpu.memref_slice %arg6[%dma_wait3A, %dma_wait3A_142] : memref<120x128xf32, #tpu.memory_space<vmem>> -> memref<120x128xf32, #tpu.memory_space<vmem>>
    %dma_wait3A_144 = arith.constant 0 : i32
    %dma_wait3A_145 = tpu.memref_slice %arg21[%add3A_141, %dma_wait3A_144] : memref<10112x128xf32, #tpu.memory_space<vmem_shared>> -> memref<120x128xf32, #tpu.memory_space<vmem_shared>>
    %dma_wait3A_146 = arith.constant 0 : i32
    %dma_wait3A_147 = tpu.memref_slice %arg21[%add3A_141, %dma_wait3A_146] : memref<10112x128xf32, #tpu.memory_space<vmem_shared>> -> memref<120x128xf32, #tpu.memory_space<vmem_shared>>
    %dma_wait3A_148 = arith.constant 0 : i32
    %dma_wait3A_149 = arith.constant 0 : i32
    %dma_wait3A_150 = tpu.memref_slice %arg6[%dma_wait3A_148, %dma_wait3A_149] : memref<120x128xf32, #tpu.memory_space<vmem>> -> memref<120x128xf32, #tpu.memory_space<vmem>>
    tpu.wait_dma2 semaphore(%arg25 : memref<!tpu.dma_semaphore, #tpu.memory_space<semaphore_mem>>) src(%dma_wait3A_150 : memref<120x128xf32, #tpu.memory_space<vmem>>) dst(%dma_wait3A_147 : memref<120x128xf32, #tpu.memory_space<vmem_shared>>)
    %mul3A_151 = arith.constant 632 : i32
    %mul3A_152 = arith.muli %arg1, %mul3A_151 : i32
    %add3A_153 = arith.constant 120 : i32
    %add3A_154 = arith.addi %mul3A_152, %add3A_153 : i32
    %dma_wait3A_155 = arith.constant 0 : i32
    %dma_wait3A_156 = arith.constant 0 : i32
    %dma_wait3A_157 = tpu.memref_slice %arg6[%dma_wait3A_155, %dma_wait3A_156] : memref<120x128xf32, #tpu.memory_space<vmem>> -> memref<120x128xf32, #tpu.memory_space<vmem>>
    %dma_wait3A_158 = arith.constant 0 : i32
    %dma_wait3A_159 = tpu.memref_slice %arg21[%add3A_154, %dma_wait3A_158] : memref<10112x128xf32, #tpu.memory_space<vmem_shared>> -> memref<120x128xf32, #tpu.memory_space<vmem_shared>>
    %dma_wait3A_160 = arith.constant 0 : i32
    %dma_wait3A_161 = tpu.memref_slice %arg21[%add3A_154, %dma_wait3A_160] : memref<10112x128xf32, #tpu.memory_space<vmem_shared>> -> memref<120x128xf32, #tpu.memory_space<vmem_shared>>
    %dma_wait3A_162 = arith.constant 0 : i32
    %dma_wait3A_163 = arith.constant 0 : i32
    %dma_wait3A_164 = tpu.memref_slice %arg6[%dma_wait3A_162, %dma_wait3A_163] : memref<120x128xf32, #tpu.memory_space<vmem>> -> memref<120x128xf32, #tpu.memory_space<vmem>>
    tpu.wait_dma2 semaphore(%arg25 : memref<!tpu.dma_semaphore, #tpu.memory_space<semaphore_mem>>) src(%dma_wait3A_164 : memref<120x128xf32, #tpu.memory_space<vmem>>) dst(%dma_wait3A_161 : memref<120x128xf32, #tpu.memory_space<vmem_shared>>)
    %mul3A_165 = arith.constant 632 : i32
    %mul3A_166 = arith.muli %arg1, %mul3A_165 : i32
    %add3A_167 = arith.constant 240 : i32
    %add3A_168 = arith.addi %mul3A_166, %add3A_167 : i32
    %dma_wait3A_169 = arith.constant 0 : i32
    %dma_wait3A_170 = arith.constant 0 : i32
    %dma_wait3A_171 = tpu.memref_slice %arg6[%dma_wait3A_169, %dma_wait3A_170] : memref<120x128xf32, #tpu.memory_space<vmem>> -> memref<120x128xf32, #tpu.memory_space<vmem>>
    %dma_wait3A_172 = arith.constant 0 : i32
    %dma_wait3A_173 = tpu.memref_slice %arg21[%add3A_168, %dma_wait3A_172] : memref<10112x128xf32, #tpu.memory_space<vmem_shared>> -> memref<120x128xf32, #tpu.memory_space<vmem_shared>>
    %dma_wait3A_174 = arith.constant 0 : i32
    %dma_wait3A_175 = tpu.memref_slice %arg21[%add3A_168, %dma_wait3A_174] : memref<10112x128xf32, #tpu.memory_space<vmem_shared>> -> memref<120x128xf32, #tpu.memory_space<vmem_shared>>
    %dma_wait3A_176 = arith.constant 0 : i32
    %dma_wait3A_177 = arith.constant 0 : i32
    %dma_wait3A_178 = tpu.memref_slice %arg6[%dma_wait3A_176, %dma_wait3A_177] : memref<120x128xf32, #tpu.memory_space<vmem>> -> memref<120x128xf32, #tpu.memory_space<vmem>>
    tpu.wait_dma2 semaphore(%arg25 : memref<!tpu.dma_semaphore, #tpu.memory_space<semaphore_mem>>) src(%dma_wait3A_178 : memref<120x128xf32, #tpu.memory_space<vmem>>) dst(%dma_wait3A_175 : memref<120x128xf32, #tpu.memory_space<vmem_shared>>)
    %mul3A_179 = arith.constant 632 : i32
    %mul3A_180 = arith.muli %arg1, %mul3A_179 : i32
    %add3A_181 = arith.constant 360 : i32
    %add3A_182 = arith.addi %mul3A_180, %add3A_181 : i32
    %dma_wait3A_183 = arith.constant 0 : i32
    %dma_wait3A_184 = arith.constant 0 : i32
    %dma_wait3A_185 = tpu.memref_slice %arg6[%dma_wait3A_183, %dma_wait3A_184] : memref<120x128xf32, #tpu.memory_space<vmem>> -> memref<120x128xf32, #tpu.memory_space<vmem>>
    %dma_wait3A_186 = arith.constant 0 : i32
    %dma_wait3A_187 = tpu.memref_slice %arg21[%add3A_182, %dma_wait3A_186] : memref<10112x128xf32, #tpu.memory_space<vmem_shared>> -> memref<120x128xf32, #tpu.memory_space<vmem_shared>>
    %dma_wait3A_188 = arith.constant 0 : i32
    %dma_wait3A_189 = tpu.memref_slice %arg21[%add3A_182, %dma_wait3A_188] : memref<10112x128xf32, #tpu.memory_space<vmem_shared>> -> memref<120x128xf32, #tpu.memory_space<vmem_shared>>
    %dma_wait3A_190 = arith.constant 0 : i32
    %dma_wait3A_191 = arith.constant 0 : i32
    %dma_wait3A_192 = tpu.memref_slice %arg6[%dma_wait3A_190, %dma_wait3A_191] : memref<120x128xf32, #tpu.memory_space<vmem>> -> memref<120x128xf32, #tpu.memory_space<vmem>>
    tpu.wait_dma2 semaphore(%arg25 : memref<!tpu.dma_semaphore, #tpu.memory_space<semaphore_mem>>) src(%dma_wait3A_192 : memref<120x128xf32, #tpu.memory_space<vmem>>) dst(%dma_wait3A_189 : memref<120x128xf32, #tpu.memory_space<vmem_shared>>)
    %mul3A_193 = arith.constant 632 : i32
    %mul3A_194 = arith.muli %arg1, %mul3A_193 : i32
    %add3A_195 = arith.constant 480 : i32
    %add3A_196 = arith.addi %mul3A_194, %add3A_195 : i32
    %dma_wait3A_197 = arith.constant 0 : i32
    %dma_wait3A_198 = arith.constant 0 : i32
    %dma_wait3A_199 = tpu.memref_slice %arg6[%dma_wait3A_197, %dma_wait3A_198] : memref<120x128xf32, #tpu.memory_space<vmem>> -> memref<120x128xf32, #tpu.memory_space<vmem>>
    %dma_wait3A_200 = arith.constant 0 : i32
    %dma_wait3A_201 = tpu.memref_slice %arg21[%add3A_196, %dma_wait3A_200] : memref<10112x128xf32, #tpu.memory_space<vmem_shared>> -> memref<120x128xf32, #tpu.memory_space<vmem_shared>>
    %dma_wait3A_202 = arith.constant 0 : i32
    %dma_wait3A_203 = tpu.memref_slice %arg21[%add3A_196, %dma_wait3A_202] : memref<10112x128xf32, #tpu.memory_space<vmem_shared>> -> memref<120x128xf32, #tpu.memory_space<vmem_shared>>
    %dma_wait3A_204 = arith.constant 0 : i32
    %dma_wait3A_205 = arith.constant 0 : i32
    %dma_wait3A_206 = tpu.memref_slice %arg6[%dma_wait3A_204, %dma_wait3A_205] : memref<120x128xf32, #tpu.memory_space<vmem>> -> memref<120x128xf32, #tpu.memory_space<vmem>>
    tpu.wait_dma2 semaphore(%arg25 : memref<!tpu.dma_semaphore, #tpu.memory_space<semaphore_mem>>) src(%dma_wait3A_206 : memref<120x128xf32, #tpu.memory_space<vmem>>) dst(%dma_wait3A_203 : memref<120x128xf32, #tpu.memory_space<vmem_shared>>)
    %mul3A_207 = arith.constant 632 : i32
    %mul3A_208 = arith.muli %arg1, %mul3A_207 : i32
    %add3A_209 = arith.constant 600 : i32
    %add3A_210 = arith.addi %mul3A_208, %add3A_209 : i32
    %dma_wait3A_211 = arith.constant 0 : i32
    %dma_wait3A_212 = arith.constant 0 : i32
    %dma_wait3A_213 = tpu.memref_slice %arg6[%dma_wait3A_211, %dma_wait3A_212] : memref<120x128xf32, #tpu.memory_space<vmem>> -> memref<32x128xf32, #tpu.memory_space<vmem>>
    %dma_wait3A_214 = arith.constant 0 : i32
    %dma_wait3A_215 = tpu.memref_slice %arg21[%add3A_210, %dma_wait3A_214] : memref<10112x128xf32, #tpu.memory_space<vmem_shared>> -> memref<32x128xf32, #tpu.memory_space<vmem_shared>>
    %dma_wait3A_216 = arith.constant 0 : i32
    %dma_wait3A_217 = tpu.memref_slice %arg21[%add3A_210, %dma_wait3A_216] : memref<10112x128xf32, #tpu.memory_space<vmem_shared>> -> memref<32x128xf32, #tpu.memory_space<vmem_shared>>
    %dma_wait3A_218 = arith.constant 0 : i32
    %dma_wait3A_219 = arith.constant 0 : i32
    %dma_wait3A_220 = tpu.memref_slice %arg6[%dma_wait3A_218, %dma_wait3A_219] : memref<120x128xf32, #tpu.memory_space<vmem>> -> memref<32x128xf32, #tpu.memory_space<vmem>>
    tpu.wait_dma2 semaphore(%arg25 : memref<!tpu.dma_semaphore, #tpu.memory_space<semaphore_mem>>) src(%dma_wait3A_220 : memref<32x128xf32, #tpu.memory_space<vmem>>) dst(%dma_wait3A_217 : memref<32x128xf32, #tpu.memory_space<vmem_shared>>)
    %barrier3A = arith.constant 0 : index
    tpu.barrier barrier_id(%barrier3A)
    %scan3A_221 = arith.constant 0 : i32
    %scan3A_222 = arith.constant 0 : i32
    %scan3A_223 = arith.constant 14 : i32
    %scan3A_224 = arith.addi %scan3A_222, %scan3A_223 : i32
    %scan3A_225 = arith.constant 1 : i32
    scf.for %scan3A_272 = %scan3A_222 to %scan3A_224 step %scan3A_225  : i32 {
      %mul3A_273 = arith.constant 6 : i32
      %mul3A_274 = arith.muli %scan3A_272, %mul3A_273 : i32
      %add3A_275 = arith.constant 0 : i32
      %add3A_276 = arith.addi %mul3A_274, %add3A_275 : i32
      %gt3A = arith.constant 0 : i32
      %gt3A_277 = arith.cmpi sgt, %scan3A_272, %gt3A : i32
      %convert_element_type3A = arith.extui %gt3A_277 : i1 to i32
      %cond3A = arith.constant 0 : i32
      %cond3A_278 = arith.cmpi ne, %convert_element_type3A, %cond3A : i32
      scf.if %cond3A_278 {
        %dma_wait3A_617 = arith.constant 0 : i32
        %dma_wait3A_618 = arith.constant 0 : i32
        %dma_wait3A_619 = arith.constant 0 : i32
        %dma_wait3A_620 = tpu.memref_slice %arg18[%dma_wait3A_617, %dma_wait3A_618, %dma_wait3A_619] : memref<1x1x120xi32, #tpu.memory_space<vmem>> -> memref<1x1x120xi32, #tpu.memory_space<vmem>>
        %dma_wait3A_621 = tpu.memref_squeeze %dma_wait3A_620 : memref<1x1x120xi32, #tpu.memory_space<vmem>> -> memref<120xi32, #tpu.memory_space<vmem>>
        %dma_wait3A_622 = arith.constant 0 : i32
        %dma_wait3A_623 = arith.constant 0 : i32
        %dma_wait3A_624 = tpu.memref_slice %arg21[%dma_wait3A_622, %dma_wait3A_623] : memref<10112x128xf32, #tpu.memory_space<vmem_shared>> -> memref<10112x128xf32, #tpu.memory_space<vmem_shared>>
        tpu.wait_indirect_dma semaphore(%arg25 : memref<!tpu.dma_semaphore, #tpu.memory_space<semaphore_mem>>) src(%arg6 : memref<120x128xf32, #tpu.memory_space<vmem>>) dst(%dma_wait3A_624 : memref<10112x128xf32, #tpu.memory_space<vmem_shared>>)
      } else {
      }
      %add3A_279 = arith.constant 3 : i32
      %add3A_280 = arith.addi %add3A_276, %add3A_279 : i32
      %mul3A_281 = arith.constant 84 : i32
      %mul3A_282 = arith.muli %add3A, %mul3A_281 : i32
      %add3A_283 = arith.addi %mul3A_282, %add3A_280 : i32
      %dma_start3A_284 = arith.constant 0 : i32
      %dma_start3A_285 = arith.constant 0 : i32
      %dma_start3A_286 = tpu.memref_slice %arg3[%add3A_283, %dma_start3A_284, %dma_start3A_285] : memref<2688x1x120xi32, #tpu.memory_space<hbm>> -> memref<1x1x120xi32, #tpu.memory_space<hbm>>
      %dma_start3A_287 = arith.constant 0 : i32
      %dma_start3A_288 = arith.constant 0 : i32
      %dma_start3A_289 = tpu.memref_slice %arg3[%add3A_283, %dma_start3A_287, %dma_start3A_288] : memref<2688x1x120xi32, #tpu.memory_space<hbm>> -> memref<1x1x120xi32, #tpu.memory_space<hbm>>
      tpu.enqueue_dma source(%dma_start3A_289 : memref<1x1x120xi32, #tpu.memory_space<hbm>>) target(%arg12 : memref<1x1x120xi32, #tpu.memory_space<vmem>>) target_semaphore(%arg31 : memref<!tpu.dma_semaphore, #tpu.memory_space<semaphore_mem>>)
      %dma_start3A_290 = arith.constant 0 : i32
      %dma_start3A_291 = arith.constant 0 : i32
      %dma_start3A_292 = tpu.memref_slice %arg4[%add3A_283, %dma_start3A_290, %dma_start3A_291] : memref<2688x1x120xi32, #tpu.memory_space<hbm>> -> memref<1x1x120xi32, #tpu.memory_space<hbm>>
      %dma_start3A_293 = arith.constant 0 : i32
      %dma_start3A_294 = arith.constant 0 : i32
      %dma_start3A_295 = tpu.memref_slice %arg4[%add3A_283, %dma_start3A_293, %dma_start3A_294] : memref<2688x1x120xi32, #tpu.memory_space<hbm>> -> memref<1x1x120xi32, #tpu.memory_space<hbm>>
      tpu.enqueue_dma source(%dma_start3A_295 : memref<1x1x120xi32, #tpu.memory_space<hbm>>) target(%arg18 : memref<1x1x120xi32, #tpu.memory_space<vmem>>) target_semaphore(%arg31 : memref<!tpu.dma_semaphore, #tpu.memory_space<semaphore_mem>>)
      %dma_wait3A_296 = arith.constant 0 : i32
      %dma_wait3A_297 = arith.constant 0 : i32
      %dma_wait3A_298 = arith.constant 0 : i32
      %dma_wait3A_299 = tpu.memref_slice %arg3[%dma_wait3A_296, %dma_wait3A_297, %dma_wait3A_298] : memref<2688x1x120xi32, #tpu.memory_space<hbm>> -> memref<1x1x120xi32, #tpu.memory_space<hbm>>
      %dma_wait3A_300 = arith.constant 0 : i32
      %dma_wait3A_301 = arith.constant 0 : i32
      %dma_wait3A_302 = arith.constant 0 : i32
      %dma_wait3A_303 = tpu.memref_slice %arg3[%dma_wait3A_300, %dma_wait3A_301, %dma_wait3A_302] : memref<2688x1x120xi32, #tpu.memory_space<hbm>> -> memref<1x1x120xi32, #tpu.memory_space<hbm>>
      tpu.wait_dma2 semaphore(%arg28 : memref<!tpu.dma_semaphore, #tpu.memory_space<semaphore_mem>>) src(%dma_wait3A_303 : memref<1x1x120xi32, #tpu.memory_space<hbm>>) dst(%arg9 : memref<1x1x120xi32, #tpu.memory_space<vmem>>)
      %dma_wait3A_304 = arith.constant 0 : i32
      %dma_wait3A_305 = arith.constant 0 : i32
      %dma_wait3A_306 = arith.constant 0 : i32
      %dma_wait3A_307 = tpu.memref_slice %arg3[%dma_wait3A_304, %dma_wait3A_305, %dma_wait3A_306] : memref<2688x1x120xi32, #tpu.memory_space<hbm>> -> memref<1x1x120xi32, #tpu.memory_space<hbm>>
      %dma_wait3A_308 = arith.constant 0 : i32
      %dma_wait3A_309 = arith.constant 0 : i32
      %dma_wait3A_310 = arith.constant 0 : i32
      %dma_wait3A_311 = tpu.memref_slice %arg3[%dma_wait3A_308, %dma_wait3A_309, %dma_wait3A_310] : memref<2688x1x120xi32, #tpu.memory_space<hbm>> -> memref<1x1x120xi32, #tpu.memory_space<hbm>>
      tpu.wait_dma2 semaphore(%arg28 : memref<!tpu.dma_semaphore, #tpu.memory_space<semaphore_mem>>) src(%dma_wait3A_311 : memref<1x1x120xi32, #tpu.memory_space<hbm>>) dst(%arg15 : memref<1x1x120xi32, #tpu.memory_space<vmem>>)
      %dma_start3A_312 = arith.constant 0 : i32
      %dma_start3A_313 = arith.constant 0 : i32
      %dma_start3A_314 = arith.constant 0 : i32
      %dma_start3A_315 = tpu.memref_slice %arg9[%dma_start3A_312, %dma_start3A_313, %dma_start3A_314] : memref<1x1x120xi32, #tpu.memory_space<vmem>> -> memref<1x1x120xi32, #tpu.memory_space<vmem>>
      %dma_start3A_316 = tpu.memref_squeeze %dma_start3A_315 : memref<1x1x120xi32, #tpu.memory_space<vmem>> -> memref<120xi32, #tpu.memory_space<vmem>>
      %dma_start3A_317 = arith.constant 0 : i32
      %dma_start3A_318 = arith.constant 0 : i32
      %dma_start3A_319 = tpu.memref_slice %arg2[%dma_start3A_317, %dma_start3A_318] : memref<10000x128xf32, #tpu.memory_space<hbm>> -> memref<10000x128xf32, #tpu.memory_space<hbm>>
      tpu.enqueue_indirect_dma source(%dma_start3A_319 : memref<10000x128xf32, #tpu.memory_space<hbm>>) target(%arg6 : memref<120x128xf32, #tpu.memory_space<vmem>>) offsets(%dma_start3A_316 : memref<120xi32, #tpu.memory_space<vmem>>) semaphore(%arg22 : memref<!tpu.dma_semaphore, #tpu.memory_space<semaphore_mem>>)
      %gt3A_320 = arith.constant 0 : i32
      %gt3A_321 = arith.cmpi sgt, %scan3A_272, %gt3A_320 : i32
      %convert_element_type3A_322 = arith.extui %gt3A_321 : i1 to i32
      %cond3A_323 = arith.constant 0 : i32
      %cond3A_324 = arith.cmpi ne, %convert_element_type3A_322, %cond3A_323 : i32
      scf.if %cond3A_324 {
        %dma_wait3A_617 = arith.constant 0 : i32
        %dma_wait3A_618 = arith.constant 0 : i32
        %dma_wait3A_619 = arith.constant 0 : i32
        %dma_wait3A_620 = tpu.memref_slice %arg14[%dma_wait3A_617, %dma_wait3A_618, %dma_wait3A_619] : memref<1x1x120xi32, #tpu.memory_space<vmem>> -> memref<1x1x120xi32, #tpu.memory_space<vmem>>
        %dma_wait3A_621 = tpu.memref_squeeze %dma_wait3A_620 : memref<1x1x120xi32, #tpu.memory_space<vmem>> -> memref<120xi32, #tpu.memory_space<vmem>>
        %dma_wait3A_622 = arith.constant 0 : i32
        %dma_wait3A_623 = arith.constant 0 : i32
        %dma_wait3A_624 = tpu.memref_slice %arg2[%dma_wait3A_622, %dma_wait3A_623] : memref<10000x128xf32, #tpu.memory_space<hbm>> -> memref<10000x128xf32, #tpu.memory_space<hbm>>
        tpu.wait_indirect_dma semaphore(%arg24 : memref<!tpu.dma_semaphore, #tpu.memory_space<semaphore_mem>>) src(%dma_wait3A_624 : memref<10000x128xf32, #tpu.memory_space<hbm>>) dst(%arg8 : memref<120x128xf32, #tpu.memory_space<vmem>>)
        %dma_start3A_625 = arith.constant 0 : i32
        %dma_start3A_626 = arith.constant 0 : i32
        %dma_start3A_627 = arith.constant 0 : i32
        %dma_start3A_628 = tpu.memref_slice %arg20[%dma_start3A_625, %dma_start3A_626, %dma_start3A_627] : memref<1x1x120xi32, #tpu.memory_space<vmem>> -> memref<1x1x120xi32, #tpu.memory_space<vmem>>
        %dma_start3A_629 = tpu.memref_squeeze %dma_start3A_628 : memref<1x1x120xi32, #tpu.memory_space<vmem>> -> memref<120xi32, #tpu.memory_space<vmem>>
        %dma_start3A_630 = arith.constant 0 : i32
        %dma_start3A_631 = arith.constant 0 : i32
        %dma_start3A_632 = tpu.memref_slice %arg21[%dma_start3A_630, %dma_start3A_631] : memref<10112x128xf32, #tpu.memory_space<vmem_shared>> -> memref<10112x128xf32, #tpu.memory_space<vmem_shared>>
        tpu.enqueue_indirect_dma source(%arg8 : memref<120x128xf32, #tpu.memory_space<vmem>>) target(%dma_start3A_632 : memref<10112x128xf32, #tpu.memory_space<vmem_shared>>) offsets(%dma_start3A_629 : memref<120xi32, #tpu.memory_space<vmem>>) semaphore(%arg27 : memref<!tpu.dma_semaphore, #tpu.memory_space<semaphore_mem>>) {add = true}
      } else {
      }
      %add3A_325 = arith.constant 1 : i32
      %add3A_326 = arith.addi %mul3A_274, %add3A_325 : i32
      %gt3A_327 = arith.constant 0 : i32
      %gt3A_328 = arith.cmpi sgt, %scan3A_272, %gt3A_327 : i32
      %convert_element_type3A_329 = arith.extui %gt3A_328 : i1 to i32
      %cond3A_330 = arith.constant 0 : i32
      %cond3A_331 = arith.cmpi ne, %convert_element_type3A_329, %cond3A_330 : i32
      scf.if %cond3A_331 {
        %dma_wait3A_617 = arith.constant 0 : i32
        %dma_wait3A_618 = arith.constant 0 : i32
        %dma_wait3A_619 = arith.constant 0 : i32
        %dma_wait3A_620 = tpu.memref_slice %arg19[%dma_wait3A_617, %dma_wait3A_618, %dma_wait3A_619] : memref<1x1x120xi32, #tpu.memory_space<vmem>> -> memref<1x1x120xi32, #tpu.memory_space<vmem>>
        %dma_wait3A_621 = tpu.memref_squeeze %dma_wait3A_620 : memref<1x1x120xi32, #tpu.memory_space<vmem>> -> memref<120xi32, #tpu.memory_space<vmem>>
        %dma_wait3A_622 = arith.constant 0 : i32
        %dma_wait3A_623 = arith.constant 0 : i32
        %dma_wait3A_624 = tpu.memref_slice %arg21[%dma_wait3A_622, %dma_wait3A_623] : memref<10112x128xf32, #tpu.memory_space<vmem_shared>> -> memref<10112x128xf32, #tpu.memory_space<vmem_shared>>
        tpu.wait_indirect_dma semaphore(%arg26 : memref<!tpu.dma_semaphore, #tpu.memory_space<semaphore_mem>>) src(%arg7 : memref<120x128xf32, #tpu.memory_space<vmem>>) dst(%dma_wait3A_624 : memref<10112x128xf32, #tpu.memory_space<vmem_shared>>)
      } else {
      }
      %add3A_332 = arith.constant 3 : i32
      %add3A_333 = arith.addi %add3A_326, %add3A_332 : i32
      %mul3A_334 = arith.constant 84 : i32
      %mul3A_335 = arith.muli %add3A, %mul3A_334 : i32
      %add3A_336 = arith.addi %mul3A_335, %add3A_333 : i32
      %dma_start3A_337 = arith.constant 0 : i32
      %dma_start3A_338 = arith.constant 0 : i32
      %dma_start3A_339 = tpu.memref_slice %arg3[%add3A_336, %dma_start3A_337, %dma_start3A_338] : memref<2688x1x120xi32, #tpu.memory_space<hbm>> -> memref<1x1x120xi32, #tpu.memory_space<hbm>>
      %dma_start3A_340 = arith.constant 0 : i32
      %dma_start3A_341 = arith.constant 0 : i32
      %dma_start3A_342 = tpu.memref_slice %arg3[%add3A_336, %dma_start3A_340, %dma_start3A_341] : memref<2688x1x120xi32, #tpu.memory_space<hbm>> -> memref<1x1x120xi32, #tpu.memory_space<hbm>>
      tpu.enqueue_dma source(%dma_start3A_342 : memref<1x1x120xi32, #tpu.memory_space<hbm>>) target(%arg13 : memref<1x1x120xi32, #tpu.memory_space<vmem>>) target_semaphore(%arg32 : memref<!tpu.dma_semaphore, #tpu.memory_space<semaphore_mem>>)
      %dma_start3A_343 = arith.constant 0 : i32
      %dma_start3A_344 = arith.constant 0 : i32
      %dma_start3A_345 = tpu.memref_slice %arg4[%add3A_336, %dma_start3A_343, %dma_start3A_344] : memref<2688x1x120xi32, #tpu.memory_space<hbm>> -> memref<1x1x120xi32, #tpu.memory_space<hbm>>
      %dma_start3A_346 = arith.constant 0 : i32
      %dma_start3A_347 = arith.constant 0 : i32
      %dma_start3A_348 = tpu.memref_slice %arg4[%add3A_336, %dma_start3A_346, %dma_start3A_347] : memref<2688x1x120xi32, #tpu.memory_space<hbm>> -> memref<1x1x120xi32, #tpu.memory_space<hbm>>
      tpu.enqueue_dma source(%dma_start3A_348 : memref<1x1x120xi32, #tpu.memory_space<hbm>>) target(%arg19 : memref<1x1x120xi32, #tpu.memory_space<vmem>>) target_semaphore(%arg32 : memref<!tpu.dma_semaphore, #tpu.memory_space<semaphore_mem>>)
      %dma_wait3A_349 = arith.constant 0 : i32
      %dma_wait3A_350 = arith.constant 0 : i32
      %dma_wait3A_351 = arith.constant 0 : i32
      %dma_wait3A_352 = tpu.memref_slice %arg3[%dma_wait3A_349, %dma_wait3A_350, %dma_wait3A_351] : memref<2688x1x120xi32, #tpu.memory_space<hbm>> -> memref<1x1x120xi32, #tpu.memory_space<hbm>>
      %dma_wait3A_353 = arith.constant 0 : i32
      %dma_wait3A_354 = arith.constant 0 : i32
      %dma_wait3A_355 = arith.constant 0 : i32
      %dma_wait3A_356 = tpu.memref_slice %arg3[%dma_wait3A_353, %dma_wait3A_354, %dma_wait3A_355] : memref<2688x1x120xi32, #tpu.memory_space<hbm>> -> memref<1x1x120xi32, #tpu.memory_space<hbm>>
      tpu.wait_dma2 semaphore(%arg29 : memref<!tpu.dma_semaphore, #tpu.memory_space<semaphore_mem>>) src(%dma_wait3A_356 : memref<1x1x120xi32, #tpu.memory_space<hbm>>) dst(%arg10 : memref<1x1x120xi32, #tpu.memory_space<vmem>>)
      %dma_wait3A_357 = arith.constant 0 : i32
      %dma_wait3A_358 = arith.constant 0 : i32
      %dma_wait3A_359 = arith.constant 0 : i32
      %dma_wait3A_360 = tpu.memref_slice %arg3[%dma_wait3A_357, %dma_wait3A_358, %dma_wait3A_359] : memref<2688x1x120xi32, #tpu.memory_space<hbm>> -> memref<1x1x120xi32, #tpu.memory_space<hbm>>
      %dma_wait3A_361 = arith.constant 0 : i32
      %dma_wait3A_362 = arith.constant 0 : i32
      %dma_wait3A_363 = arith.constant 0 : i32
      %dma_wait3A_364 = tpu.memref_slice %arg3[%dma_wait3A_361, %dma_wait3A_362, %dma_wait3A_363] : memref<2688x1x120xi32, #tpu.memory_space<hbm>> -> memref<1x1x120xi32, #tpu.memory_space<hbm>>
      tpu.wait_dma2 semaphore(%arg29 : memref<!tpu.dma_semaphore, #tpu.memory_space<semaphore_mem>>) src(%dma_wait3A_364 : memref<1x1x120xi32, #tpu.memory_space<hbm>>) dst(%arg16 : memref<1x1x120xi32, #tpu.memory_space<vmem>>)
      %dma_start3A_365 = arith.constant 0 : i32
      %dma_start3A_366 = arith.constant 0 : i32
      %dma_start3A_367 = arith.constant 0 : i32
      %dma_start3A_368 = tpu.memref_slice %arg10[%dma_start3A_365, %dma_start3A_366, %dma_start3A_367] : memref<1x1x120xi32, #tpu.memory_space<vmem>> -> memref<1x1x120xi32, #tpu.memory_space<vmem>>
      %dma_start3A_369 = tpu.memref_squeeze %dma_start3A_368 : memref<1x1x120xi32, #tpu.memory_space<vmem>> -> memref<120xi32, #tpu.memory_space<vmem>>
      %dma_start3A_370 = arith.constant 0 : i32
      %dma_start3A_371 = arith.constant 0 : i32
      %dma_start3A_372 = tpu.memref_slice %arg2[%dma_start3A_370, %dma_start3A_371] : memref<10000x128xf32, #tpu.memory_space<hbm>> -> memref<10000x128xf32, #tpu.memory_space<hbm>>
      tpu.enqueue_indirect_dma source(%dma_start3A_372 : memref<10000x128xf32, #tpu.memory_space<hbm>>) target(%arg7 : memref<120x128xf32, #tpu.memory_space<vmem>>) offsets(%dma_start3A_369 : memref<120xi32, #tpu.memory_space<vmem>>) semaphore(%arg23 : memref<!tpu.dma_semaphore, #tpu.memory_space<semaphore_mem>>)
      %dma_wait3A_373 = arith.constant 0 : i32
      %dma_wait3A_374 = arith.constant 0 : i32
      %dma_wait3A_375 = arith.constant 0 : i32
      %dma_wait3A_376 = tpu.memref_slice %arg9[%dma_wait3A_373, %dma_wait3A_374, %dma_wait3A_375] : memref<1x1x120xi32, #tpu.memory_space<vmem>> -> memref<1x1x120xi32, #tpu.memory_space<vmem>>
      %dma_wait3A_377 = tpu.memref_squeeze %dma_wait3A_376 : memref<1x1x120xi32, #tpu.memory_space<vmem>> -> memref<120xi32, #tpu.memory_space<vmem>>
      %dma_wait3A_378 = arith.constant 0 : i32
      %dma_wait3A_379 = arith.constant 0 : i32
      %dma_wait3A_380 = tpu.memref_slice %arg2[%dma_wait3A_378, %dma_wait3A_379] : memref<10000x128xf32, #tpu.memory_space<hbm>> -> memref<10000x128xf32, #tpu.memory_space<hbm>>
      tpu.wait_indirect_dma semaphore(%arg22 : memref<!tpu.dma_semaphore, #tpu.memory_space<semaphore_mem>>) src(%dma_wait3A_380 : memref<10000x128xf32, #tpu.memory_space<hbm>>) dst(%arg6 : memref<120x128xf32, #tpu.memory_space<vmem>>)
      %dma_start3A_381 = arith.constant 0 : i32
      %dma_start3A_382 = arith.constant 0 : i32
      %dma_start3A_383 = arith.constant 0 : i32
      %dma_start3A_384 = tpu.memref_slice %arg15[%dma_start3A_381, %dma_start3A_382, %dma_start3A_383] : memref<1x1x120xi32, #tpu.memory_space<vmem>> -> memref<1x1x120xi32, #tpu.memory_space<vmem>>
      %dma_start3A_385 = tpu.memref_squeeze %dma_start3A_384 : memref<1x1x120xi32, #tpu.memory_space<vmem>> -> memref<120xi32, #tpu.memory_space<vmem>>
      %dma_start3A_386 = arith.constant 0 : i32
      %dma_start3A_387 = arith.constant 0 : i32
      %dma_start3A_388 = tpu.memref_slice %arg21[%dma_start3A_386, %dma_start3A_387] : memref<10112x128xf32, #tpu.memory_space<vmem_shared>> -> memref<10112x128xf32, #tpu.memory_space<vmem_shared>>
      tpu.enqueue_indirect_dma source(%arg6 : memref<120x128xf32, #tpu.memory_space<vmem>>) target(%dma_start3A_388 : memref<10112x128xf32, #tpu.memory_space<vmem_shared>>) offsets(%dma_start3A_385 : memref<120xi32, #tpu.memory_space<vmem>>) semaphore(%arg25 : memref<!tpu.dma_semaphore, #tpu.memory_space<semaphore_mem>>) {add = true}
      %add3A_389 = arith.constant 2 : i32
      %add3A_390 = arith.addi %mul3A_274, %add3A_389 : i32
      %gt3A_391 = arith.constant 0 : i32
      %gt3A_392 = arith.cmpi sgt, %scan3A_272, %gt3A_391 : i32
      %convert_element_type3A_393 = arith.extui %gt3A_392 : i1 to i32
      %cond3A_394 = arith.constant 0 : i32
      %cond3A_395 = arith.cmpi ne, %convert_element_type3A_393, %cond3A_394 : i32
      scf.if %cond3A_395 {
        %dma_wait3A_617 = arith.constant 0 : i32
        %dma_wait3A_618 = arith.constant 0 : i32
        %dma_wait3A_619 = arith.constant 0 : i32
        %dma_wait3A_620 = tpu.memref_slice %arg20[%dma_wait3A_617, %dma_wait3A_618, %dma_wait3A_619] : memref<1x1x120xi32, #tpu.memory_space<vmem>> -> memref<1x1x120xi32, #tpu.memory_space<vmem>>
        %dma_wait3A_621 = tpu.memref_squeeze %dma_wait3A_620 : memref<1x1x120xi32, #tpu.memory_space<vmem>> -> memref<120xi32, #tpu.memory_space<vmem>>
        %dma_wait3A_622 = arith.constant 0 : i32
        %dma_wait3A_623 = arith.constant 0 : i32
        %dma_wait3A_624 = tpu.memref_slice %arg21[%dma_wait3A_622, %dma_wait3A_623] : memref<10112x128xf32, #tpu.memory_space<vmem_shared>> -> memref<10112x128xf32, #tpu.memory_space<vmem_shared>>
        tpu.wait_indirect_dma semaphore(%arg27 : memref<!tpu.dma_semaphore, #tpu.memory_space<semaphore_mem>>) src(%arg8 : memref<120x128xf32, #tpu.memory_space<vmem>>) dst(%dma_wait3A_624 : memref<10112x128xf32, #tpu.memory_space<vmem_shared>>)
      } else {
      }
      %add3A_396 = arith.constant 3 : i32
      %add3A_397 = arith.addi %add3A_390, %add3A_396 : i32
      %mul3A_398 = arith.constant 84 : i32
      %mul3A_399 = arith.muli %add3A, %mul3A_398 : i32
      %add3A_400 = arith.addi %mul3A_399, %add3A_397 : i32
      %dma_start3A_401 = arith.constant 0 : i32
      %dma_start3A_402 = arith.constant 0 : i32
      %dma_start3A_403 = tpu.memref_slice %arg3[%add3A_400, %dma_start3A_401, %dma_start3A_402] : memref<2688x1x120xi32, #tpu.memory_space<hbm>> -> memref<1x1x120xi32, #tpu.memory_space<hbm>>
      %dma_start3A_404 = arith.constant 0 : i32
      %dma_start3A_405 = arith.constant 0 : i32
      %dma_start3A_406 = tpu.memref_slice %arg3[%add3A_400, %dma_start3A_404, %dma_start3A_405] : memref<2688x1x120xi32, #tpu.memory_space<hbm>> -> memref<1x1x120xi32, #tpu.memory_space<hbm>>
      tpu.enqueue_dma source(%dma_start3A_406 : memref<1x1x120xi32, #tpu.memory_space<hbm>>) target(%arg14 : memref<1x1x120xi32, #tpu.memory_space<vmem>>) target_semaphore(%arg33 : memref<!tpu.dma_semaphore, #tpu.memory_space<semaphore_mem>>)
      %dma_start3A_407 = arith.constant 0 : i32
      %dma_start3A_408 = arith.constant 0 : i32
      %dma_start3A_409 = tpu.memref_slice %arg4[%add3A_400, %dma_start3A_407, %dma_start3A_408] : memref<2688x1x120xi32, #tpu.memory_space<hbm>> -> memref<1x1x120xi32, #tpu.memory_space<hbm>>
      %dma_start3A_410 = arith.constant 0 : i32
      %dma_start3A_411 = arith.constant 0 : i32
      %dma_start3A_412 = tpu.memref_slice %arg4[%add3A_400, %dma_start3A_410, %dma_start3A_411] : memref<2688x1x120xi32, #tpu.memory_space<hbm>> -> memref<1x1x120xi32, #tpu.memory_space<hbm>>
      tpu.enqueue_dma source(%dma_start3A_412 : memref<1x1x120xi32, #tpu.memory_space<hbm>>) target(%arg20 : memref<1x1x120xi32, #tpu.memory_space<vmem>>) target_semaphore(%arg33 : memref<!tpu.dma_semaphore, #tpu.memory_space<semaphore_mem>>)
      %dma_wait3A_413 = arith.constant 0 : i32
      %dma_wait3A_414 = arith.constant 0 : i32
      %dma_wait3A_415 = arith.constant 0 : i32
      %dma_wait3A_416 = tpu.memref_slice %arg3[%dma_wait3A_413, %dma_wait3A_414, %dma_wait3A_415] : memref<2688x1x120xi32, #tpu.memory_space<hbm>> -> memref<1x1x120xi32, #tpu.memory_space<hbm>>
      %dma_wait3A_417 = arith.constant 0 : i32
      %dma_wait3A_418 = arith.constant 0 : i32
      %dma_wait3A_419 = arith.constant 0 : i32
      %dma_wait3A_420 = tpu.memref_slice %arg3[%dma_wait3A_417, %dma_wait3A_418, %dma_wait3A_419] : memref<2688x1x120xi32, #tpu.memory_space<hbm>> -> memref<1x1x120xi32, #tpu.memory_space<hbm>>
      tpu.wait_dma2 semaphore(%arg30 : memref<!tpu.dma_semaphore, #tpu.memory_space<semaphore_mem>>) src(%dma_wait3A_420 : memref<1x1x120xi32, #tpu.memory_space<hbm>>) dst(%arg11 : memref<1x1x120xi32, #tpu.memory_space<vmem>>)
      %dma_wait3A_421 = arith.constant 0 : i32
      %dma_wait3A_422 = arith.constant 0 : i32
      %dma_wait3A_423 = arith.constant 0 : i32
      %dma_wait3A_424 = tpu.memref_slice %arg3[%dma_wait3A_421, %dma_wait3A_422, %dma_wait3A_423] : memref<2688x1x120xi32, #tpu.memory_space<hbm>> -> memref<1x1x120xi32, #tpu.memory_space<hbm>>
      %dma_wait3A_425 = arith.constant 0 : i32
      %dma_wait3A_426 = arith.constant 0 : i32
      %dma_wait3A_427 = arith.constant 0 : i32
      %dma_wait3A_428 = tpu.memref_slice %arg3[%dma_wait3A_425, %dma_wait3A_426, %dma_wait3A_427] : memref<2688x1x120xi32, #tpu.memory_space<hbm>> -> memref<1x1x120xi32, #tpu.memory_space<hbm>>
      tpu.wait_dma2 semaphore(%arg30 : memref<!tpu.dma_semaphore, #tpu.memory_space<semaphore_mem>>) src(%dma_wait3A_428 : memref<1x1x120xi32, #tpu.memory_space<hbm>>) dst(%arg17 : memref<1x1x120xi32, #tpu.memory_space<vmem>>)
      %dma_start3A_429 = arith.constant 0 : i32
      %dma_start3A_430 = arith.constant 0 : i32
      %dma_start3A_431 = arith.constant 0 : i32
      %dma_start3A_432 = tpu.memref_slice %arg11[%dma_start3A_429, %dma_start3A_430, %dma_start3A_431] : memref<1x1x120xi32, #tpu.memory_space<vmem>> -> memref<1x1x120xi32, #tpu.memory_space<vmem>>
      %dma_start3A_433 = tpu.memref_squeeze %dma_start3A_432 : memref<1x1x120xi32, #tpu.memory_space<vmem>> -> memref<120xi32, #tpu.memory_space<vmem>>
      %dma_start3A_434 = arith.constant 0 : i32
      %dma_start3A_435 = arith.constant 0 : i32
      %dma_start3A_436 = tpu.memref_slice %arg2[%dma_start3A_434, %dma_start3A_435] : memref<10000x128xf32, #tpu.memory_space<hbm>> -> memref<10000x128xf32, #tpu.memory_space<hbm>>
      tpu.enqueue_indirect_dma source(%dma_start3A_436 : memref<10000x128xf32, #tpu.memory_space<hbm>>) target(%arg8 : memref<120x128xf32, #tpu.memory_space<vmem>>) offsets(%dma_start3A_433 : memref<120xi32, #tpu.memory_space<vmem>>) semaphore(%arg24 : memref<!tpu.dma_semaphore, #tpu.memory_space<semaphore_mem>>)
      %dma_wait3A_437 = arith.constant 0 : i32
      %dma_wait3A_438 = arith.constant 0 : i32
      %dma_wait3A_439 = arith.constant 0 : i32
      %dma_wait3A_440 = tpu.memref_slice %arg10[%dma_wait3A_437, %dma_wait3A_438, %dma_wait3A_439] : memref<1x1x120xi32, #tpu.memory_space<vmem>> -> memref<1x1x120xi32, #tpu.memory_space<vmem>>
      %dma_wait3A_441 = tpu.memref_squeeze %dma_wait3A_440 : memref<1x1x120xi32, #tpu.memory_space<vmem>> -> memref<120xi32, #tpu.memory_space<vmem>>
      %dma_wait3A_442 = arith.constant 0 : i32
      %dma_wait3A_443 = arith.constant 0 : i32
      %dma_wait3A_444 = tpu.memref_slice %arg2[%dma_wait3A_442, %dma_wait3A_443] : memref<10000x128xf32, #tpu.memory_space<hbm>> -> memref<10000x128xf32, #tpu.memory_space<hbm>>
      tpu.wait_indirect_dma semaphore(%arg23 : memref<!tpu.dma_semaphore, #tpu.memory_space<semaphore_mem>>) src(%dma_wait3A_444 : memref<10000x128xf32, #tpu.memory_space<hbm>>) dst(%arg7 : memref<120x128xf32, #tpu.memory_space<vmem>>)
      %dma_start3A_445 = arith.constant 0 : i32
      %dma_start3A_446 = arith.constant 0 : i32
      %dma_start3A_447 = arith.constant 0 : i32
      %dma_start3A_448 = tpu.memref_slice %arg16[%dma_start3A_445, %dma_start3A_446, %dma_start3A_447] : memref<1x1x120xi32, #tpu.memory_space<vmem>> -> memref<1x1x120xi32, #tpu.memory_space<vmem>>
      %dma_start3A_449 = tpu.memref_squeeze %dma_start3A_448 : memref<1x1x120xi32, #tpu.memory_space<vmem>> -> memref<120xi32, #tpu.memory_space<vmem>>
      %dma_start3A_450 = arith.constant 0 : i32
      %dma_start3A_451 = arith.constant 0 : i32
      %dma_start3A_452 = tpu.memref_slice %arg21[%dma_start3A_450, %dma_start3A_451] : memref<10112x128xf32, #tpu.memory_space<vmem_shared>> -> memref<10112x128xf32, #tpu.memory_space<vmem_shared>>
      tpu.enqueue_indirect_dma source(%arg7 : memref<120x128xf32, #tpu.memory_space<vmem>>) target(%dma_start3A_452 : memref<10112x128xf32, #tpu.memory_space<vmem_shared>>) offsets(%dma_start3A_449 : memref<120xi32, #tpu.memory_space<vmem>>) semaphore(%arg26 : memref<!tpu.dma_semaphore, #tpu.memory_space<semaphore_mem>>) {add = true}
      %add3A_453 = arith.constant 3 : i32
      %add3A_454 = arith.addi %mul3A_274, %add3A_453 : i32
      %dma_wait3A_455 = arith.constant 0 : i32
      %dma_wait3A_456 = arith.constant 0 : i32
      %dma_wait3A_457 = arith.constant 0 : i32
      %dma_wait3A_458 = tpu.memref_slice %arg15[%dma_wait3A_455, %dma_wait3A_456, %dma_wait3A_457] : memref<1x1x120xi32, #tpu.memory_space<vmem>> -> memref<1x1x120xi32, #tpu.memory_space<vmem>>
      %dma_wait3A_459 = tpu.memref_squeeze %dma_wait3A_458 : memref<1x1x120xi32, #tpu.memory_space<vmem>> -> memref<120xi32, #tpu.memory_space<vmem>>
      %dma_wait3A_460 = arith.constant 0 : i32
      %dma_wait3A_461 = arith.constant 0 : i32
      %dma_wait3A_462 = tpu.memref_slice %arg21[%dma_wait3A_460, %dma_wait3A_461] : memref<10112x128xf32, #tpu.memory_space<vmem_shared>> -> memref<10112x128xf32, #tpu.memory_space<vmem_shared>>
      tpu.wait_indirect_dma semaphore(%arg25 : memref<!tpu.dma_semaphore, #tpu.memory_space<semaphore_mem>>) src(%arg6 : memref<120x128xf32, #tpu.memory_space<vmem>>) dst(%dma_wait3A_462 : memref<10112x128xf32, #tpu.memory_space<vmem_shared>>)
      %lt3A = arith.constant 13 : i32
      %lt3A_463 = arith.cmpi slt, %scan3A_272, %lt3A : i32
      %convert_element_type3A_464 = arith.extui %lt3A_463 : i1 to i32
      %cond3A_465 = arith.constant 0 : i32
      %cond3A_466 = arith.cmpi ne, %convert_element_type3A_464, %cond3A_465 : i32
      scf.if %cond3A_466 {
        %add3A_617 = arith.constant 3 : i32
        %add3A_618 = arith.addi %add3A_454, %add3A_617 : i32
        %mul3A_619 = arith.constant 84 : i32
        %mul3A_620 = arith.muli %add3A, %mul3A_619 : i32
        %add3A_621 = arith.addi %mul3A_620, %add3A_618 : i32
        %dma_start3A_622 = arith.constant 0 : i32
        %dma_start3A_623 = arith.constant 0 : i32
        %dma_start3A_624 = tpu.memref_slice %arg3[%add3A_621, %dma_start3A_622, %dma_start3A_623] : memref<2688x1x120xi32, #tpu.memory_space<hbm>> -> memref<1x1x120xi32, #tpu.memory_space<hbm>>
        %dma_start3A_625 = arith.constant 0 : i32
        %dma_start3A_626 = arith.constant 0 : i32
        %dma_start3A_627 = tpu.memref_slice %arg3[%add3A_621, %dma_start3A_625, %dma_start3A_626] : memref<2688x1x120xi32, #tpu.memory_space<hbm>> -> memref<1x1x120xi32, #tpu.memory_space<hbm>>
        tpu.enqueue_dma source(%dma_start3A_627 : memref<1x1x120xi32, #tpu.memory_space<hbm>>) target(%arg9 : memref<1x1x120xi32, #tpu.memory_space<vmem>>) target_semaphore(%arg28 : memref<!tpu.dma_semaphore, #tpu.memory_space<semaphore_mem>>)
        %dma_start3A_628 = arith.constant 0 : i32
        %dma_start3A_629 = arith.constant 0 : i32
        %dma_start3A_630 = tpu.memref_slice %arg4[%add3A_621, %dma_start3A_628, %dma_start3A_629] : memref<2688x1x120xi32, #tpu.memory_space<hbm>> -> memref<1x1x120xi32, #tpu.memory_space<hbm>>
        %dma_start3A_631 = arith.constant 0 : i32
        %dma_start3A_632 = arith.constant 0 : i32
        %dma_start3A_633 = tpu.memref_slice %arg4[%add3A_621, %dma_start3A_631, %dma_start3A_632] : memref<2688x1x120xi32, #tpu.memory_space<hbm>> -> memref<1x1x120xi32, #tpu.memory_space<hbm>>
        tpu.enqueue_dma source(%dma_start3A_633 : memref<1x1x120xi32, #tpu.memory_space<hbm>>) target(%arg15 : memref<1x1x120xi32, #tpu.memory_space<vmem>>) target_semaphore(%arg28 : memref<!tpu.dma_semaphore, #tpu.memory_space<semaphore_mem>>)
      } else {
      }
      %dma_wait3A_467 = arith.constant 0 : i32
      %dma_wait3A_468 = arith.constant 0 : i32
      %dma_wait3A_469 = arith.constant 0 : i32
      %dma_wait3A_470 = tpu.memref_slice %arg3[%dma_wait3A_467, %dma_wait3A_468, %dma_wait3A_469] : memref<2688x1x120xi32, #tpu.memory_space<hbm>> -> memref<1x1x120xi32, #tpu.memory_space<hbm>>
      %dma_wait3A_471 = arith.constant 0 : i32
      %dma_wait3A_472 = arith.constant 0 : i32
      %dma_wait3A_473 = arith.constant 0 : i32
      %dma_wait3A_474 = tpu.memref_slice %arg3[%dma_wait3A_471, %dma_wait3A_472, %dma_wait3A_473] : memref<2688x1x120xi32, #tpu.memory_space<hbm>> -> memref<1x1x120xi32, #tpu.memory_space<hbm>>
      tpu.wait_dma2 semaphore(%arg31 : memref<!tpu.dma_semaphore, #tpu.memory_space<semaphore_mem>>) src(%dma_wait3A_474 : memref<1x1x120xi32, #tpu.memory_space<hbm>>) dst(%arg12 : memref<1x1x120xi32, #tpu.memory_space<vmem>>)
      %dma_wait3A_475 = arith.constant 0 : i32
      %dma_wait3A_476 = arith.constant 0 : i32
      %dma_wait3A_477 = arith.constant 0 : i32
      %dma_wait3A_478 = tpu.memref_slice %arg3[%dma_wait3A_475, %dma_wait3A_476, %dma_wait3A_477] : memref<2688x1x120xi32, #tpu.memory_space<hbm>> -> memref<1x1x120xi32, #tpu.memory_space<hbm>>
      %dma_wait3A_479 = arith.constant 0 : i32
      %dma_wait3A_480 = arith.constant 0 : i32
      %dma_wait3A_481 = arith.constant 0 : i32
      %dma_wait3A_482 = tpu.memref_slice %arg3[%dma_wait3A_479, %dma_wait3A_480, %dma_wait3A_481] : memref<2688x1x120xi32, #tpu.memory_space<hbm>> -> memref<1x1x120xi32, #tpu.memory_space<hbm>>
      tpu.wait_dma2 semaphore(%arg31 : memref<!tpu.dma_semaphore, #tpu.memory_space<semaphore_mem>>) src(%dma_wait3A_482 : memref<1x1x120xi32, #tpu.memory_space<hbm>>) dst(%arg18 : memref<1x1x120xi32, #tpu.memory_space<vmem>>)
      %dma_start3A_483 = arith.constant 0 : i32
      %dma_start3A_484 = arith.constant 0 : i32
      %dma_start3A_485 = arith.constant 0 : i32
      %dma_start3A_486 = tpu.memref_slice %arg12[%dma_start3A_483, %dma_start3A_484, %dma_start3A_485] : memref<1x1x120xi32, #tpu.memory_space<vmem>> -> memref<1x1x120xi32, #tpu.memory_space<vmem>>
      %dma_start3A_487 = tpu.memref_squeeze %dma_start3A_486 : memref<1x1x120xi32, #tpu.memory_space<vmem>> -> memref<120xi32, #tpu.memory_space<vmem>>
      %dma_start3A_488 = arith.constant 0 : i32
      %dma_start3A_489 = arith.constant 0 : i32
      %dma_start3A_490 = tpu.memref_slice %arg2[%dma_start3A_488, %dma_start3A_489] : memref<10000x128xf32, #tpu.memory_space<hbm>> -> memref<10000x128xf32, #tpu.memory_space<hbm>>
      tpu.enqueue_indirect_dma source(%dma_start3A_490 : memref<10000x128xf32, #tpu.memory_space<hbm>>) target(%arg6 : memref<120x128xf32, #tpu.memory_space<vmem>>) offsets(%dma_start3A_487 : memref<120xi32, #tpu.memory_space<vmem>>) semaphore(%arg22 : memref<!tpu.dma_semaphore, #tpu.memory_space<semaphore_mem>>)
      %dma_wait3A_491 = arith.constant 0 : i32
      %dma_wait3A_492 = arith.constant 0 : i32
      %dma_wait3A_493 = arith.constant 0 : i32
      %dma_wait3A_494 = tpu.memref_slice %arg11[%dma_wait3A_491, %dma_wait3A_492, %dma_wait3A_493] : memref<1x1x120xi32, #tpu.memory_space<vmem>> -> memref<1x1x120xi32, #tpu.memory_space<vmem>>
      %dma_wait3A_495 = tpu.memref_squeeze %dma_wait3A_494 : memref<1x1x120xi32, #tpu.memory_space<vmem>> -> memref<120xi32, #tpu.memory_space<vmem>>
      %dma_wait3A_496 = arith.constant 0 : i32
      %dma_wait3A_497 = arith.constant 0 : i32
      %dma_wait3A_498 = tpu.memref_slice %arg2[%dma_wait3A_496, %dma_wait3A_497] : memref<10000x128xf32, #tpu.memory_space<hbm>> -> memref<10000x128xf32, #tpu.memory_space<hbm>>
      tpu.wait_indirect_dma semaphore(%arg24 : memref<!tpu.dma_semaphore, #tpu.memory_space<semaphore_mem>>) src(%dma_wait3A_498 : memref<10000x128xf32, #tpu.memory_space<hbm>>) dst(%arg8 : memref<120x128xf32, #tpu.memory_space<vmem>>)
      %dma_start3A_499 = arith.constant 0 : i32
      %dma_start3A_500 = arith.constant 0 : i32
      %dma_start3A_501 = arith.constant 0 : i32
      %dma_start3A_502 = tpu.memref_slice %arg17[%dma_start3A_499, %dma_start3A_500, %dma_start3A_501] : memref<1x1x120xi32, #tpu.memory_space<vmem>> -> memref<1x1x120xi32, #tpu.memory_space<vmem>>
      %dma_start3A_503 = tpu.memref_squeeze %dma_start3A_502 : memref<1x1x120xi32, #tpu.memory_space<vmem>> -> memref<120xi32, #tpu.memory_space<vmem>>
      %dma_start3A_504 = arith.constant 0 : i32
      %dma_start3A_505 = arith.constant 0 : i32
      %dma_start3A_506 = tpu.memref_slice %arg21[%dma_start3A_504, %dma_start3A_505] : memref<10112x128xf32, #tpu.memory_space<vmem_shared>> -> memref<10112x128xf32, #tpu.memory_space<vmem_shared>>
      tpu.enqueue_indirect_dma source(%arg8 : memref<120x128xf32, #tpu.memory_space<vmem>>) target(%dma_start3A_506 : memref<10112x128xf32, #tpu.memory_space<vmem_shared>>) offsets(%dma_start3A_503 : memref<120xi32, #tpu.memory_space<vmem>>) semaphore(%arg27 : memref<!tpu.dma_semaphore, #tpu.memory_space<semaphore_mem>>) {add = true}
      %add3A_507 = arith.constant 4 : i32
      %add3A_508 = arith.addi %mul3A_274, %add3A_507 : i32
      %dma_wait3A_509 = arith.constant 0 : i32
      %dma_wait3A_510 = arith.constant 0 : i32
      %dma_wait3A_511 = arith.constant 0 : i32
      %dma_wait3A_512 = tpu.memref_slice %arg16[%dma_wait3A_509, %dma_wait3A_510, %dma_wait3A_511] : memref<1x1x120xi32, #tpu.memory_space<vmem>> -> memref<1x1x120xi32, #tpu.memory_space<vmem>>
      %dma_wait3A_513 = tpu.memref_squeeze %dma_wait3A_512 : memref<1x1x120xi32, #tpu.memory_space<vmem>> -> memref<120xi32, #tpu.memory_space<vmem>>
      %dma_wait3A_514 = arith.constant 0 : i32
      %dma_wait3A_515 = arith.constant 0 : i32
      %dma_wait3A_516 = tpu.memref_slice %arg21[%dma_wait3A_514, %dma_wait3A_515] : memref<10112x128xf32, #tpu.memory_space<vmem_shared>> -> memref<10112x128xf32, #tpu.memory_space<vmem_shared>>
      tpu.wait_indirect_dma semaphore(%arg26 : memref<!tpu.dma_semaphore, #tpu.memory_space<semaphore_mem>>) src(%arg7 : memref<120x128xf32, #tpu.memory_space<vmem>>) dst(%dma_wait3A_516 : memref<10112x128xf32, #tpu.memory_space<vmem_shared>>)
      %lt3A_517 = arith.constant 13 : i32
      %lt3A_518 = arith.cmpi slt, %scan3A_272, %lt3A_517 : i32
      %convert_element_type3A_519 = arith.extui %lt3A_518 : i1 to i32
      %cond3A_520 = arith.constant 0 : i32
      %cond3A_521 = arith.cmpi ne, %convert_element_type3A_519, %cond3A_520 : i32
      scf.if %cond3A_521 {
        %add3A_617 = arith.constant 3 : i32
        %add3A_618 = arith.addi %add3A_508, %add3A_617 : i32
        %mul3A_619 = arith.constant 84 : i32
        %mul3A_620 = arith.muli %add3A, %mul3A_619 : i32
        %add3A_621 = arith.addi %mul3A_620, %add3A_618 : i32
        %dma_start3A_622 = arith.constant 0 : i32
        %dma_start3A_623 = arith.constant 0 : i32
        %dma_start3A_624 = tpu.memref_slice %arg3[%add3A_621, %dma_start3A_622, %dma_start3A_623] : memref<2688x1x120xi32, #tpu.memory_space<hbm>> -> memref<1x1x120xi32, #tpu.memory_space<hbm>>
        %dma_start3A_625 = arith.constant 0 : i32
        %dma_start3A_626 = arith.constant 0 : i32
        %dma_start3A_627 = tpu.memref_slice %arg3[%add3A_621, %dma_start3A_625, %dma_start3A_626] : memref<2688x1x120xi32, #tpu.memory_space<hbm>> -> memref<1x1x120xi32, #tpu.memory_space<hbm>>
        tpu.enqueue_dma source(%dma_start3A_627 : memref<1x1x120xi32, #tpu.memory_space<hbm>>) target(%arg10 : memref<1x1x120xi32, #tpu.memory_space<vmem>>) target_semaphore(%arg29 : memref<!tpu.dma_semaphore, #tpu.memory_space<semaphore_mem>>)
        %dma_start3A_628 = arith.constant 0 : i32
        %dma_start3A_629 = arith.constant 0 : i32
        %dma_start3A_630 = tpu.memref_slice %arg4[%add3A_621, %dma_start3A_628, %dma_start3A_629] : memref<2688x1x120xi32, #tpu.memory_space<hbm>> -> memref<1x1x120xi32, #tpu.memory_space<hbm>>
        %dma_start3A_631 = arith.constant 0 : i32
        %dma_start3A_632 = arith.constant 0 : i32
        %dma_start3A_633 = tpu.memref_slice %arg4[%add3A_621, %dma_start3A_631, %dma_start3A_632] : memref<2688x1x120xi32, #tpu.memory_space<hbm>> -> memref<1x1x120xi32, #tpu.memory_space<hbm>>
        tpu.enqueue_dma source(%dma_start3A_633 : memref<1x1x120xi32, #tpu.memory_space<hbm>>) target(%arg16 : memref<1x1x120xi32, #tpu.memory_space<vmem>>) target_semaphore(%arg29 : memref<!tpu.dma_semaphore, #tpu.memory_space<semaphore_mem>>)
      } else {
      }
      %dma_wait3A_522 = arith.constant 0 : i32
      %dma_wait3A_523 = arith.constant 0 : i32
      %dma_wait3A_524 = arith.constant 0 : i32
      %dma_wait3A_525 = tpu.memref_slice %arg3[%dma_wait3A_522, %dma_wait3A_523, %dma_wait3A_524] : memref<2688x1x120xi32, #tpu.memory_space<hbm>> -> memref<1x1x120xi32, #tpu.memory_space<hbm>>
      %dma_wait3A_526 = arith.constant 0 : i32
      %dma_wait3A_527 = arith.constant 0 : i32
      %dma_wait3A_528 = arith.constant 0 : i32
      %dma_wait3A_529 = tpu.memref_slice %arg3[%dma_wait3A_526, %dma_wait3A_527, %dma_wait3A_528] : memref<2688x1x120xi32, #tpu.memory_space<hbm>> -> memref<1x1x120xi32, #tpu.memory_space<hbm>>
      tpu.wait_dma2 semaphore(%arg32 : memref<!tpu.dma_semaphore, #tpu.memory_space<semaphore_mem>>) src(%dma_wait3A_529 : memref<1x1x120xi32, #tpu.memory_space<hbm>>) dst(%arg13 : memref<1x1x120xi32, #tpu.memory_space<vmem>>)
      %dma_wait3A_530 = arith.constant 0 : i32
      %dma_wait3A_531 = arith.constant 0 : i32
      %dma_wait3A_532 = arith.constant 0 : i32
      %dma_wait3A_533 = tpu.memref_slice %arg3[%dma_wait3A_530, %dma_wait3A_531, %dma_wait3A_532] : memref<2688x1x120xi32, #tpu.memory_space<hbm>> -> memref<1x1x120xi32, #tpu.memory_space<hbm>>
      %dma_wait3A_534 = arith.constant 0 : i32
      %dma_wait3A_535 = arith.constant 0 : i32
      %dma_wait3A_536 = arith.constant 0 : i32
      %dma_wait3A_537 = tpu.memref_slice %arg3[%dma_wait3A_534, %dma_wait3A_535, %dma_wait3A_536] : memref<2688x1x120xi32, #tpu.memory_space<hbm>> -> memref<1x1x120xi32, #tpu.memory_space<hbm>>
      tpu.wait_dma2 semaphore(%arg32 : memref<!tpu.dma_semaphore, #tpu.memory_space<semaphore_mem>>) src(%dma_wait3A_537 : memref<1x1x120xi32, #tpu.memory_space<hbm>>) dst(%arg19 : memref<1x1x120xi32, #tpu.memory_space<vmem>>)
      %dma_start3A_538 = arith.constant 0 : i32
      %dma_start3A_539 = arith.constant 0 : i32
      %dma_start3A_540 = arith.constant 0 : i32
      %dma_start3A_541 = tpu.memref_slice %arg13[%dma_start3A_538, %dma_start3A_539, %dma_start3A_540] : memref<1x1x120xi32, #tpu.memory_space<vmem>> -> memref<1x1x120xi32, #tpu.memory_space<vmem>>
      %dma_start3A_542 = tpu.memref_squeeze %dma_start3A_541 : memref<1x1x120xi32, #tpu.memory_space<vmem>> -> memref<120xi32, #tpu.memory_space<vmem>>
      %dma_start3A_543 = arith.constant 0 : i32
      %dma_start3A_544 = arith.constant 0 : i32
      %dma_start3A_545 = tpu.memref_slice %arg2[%dma_start3A_543, %dma_start3A_544] : memref<10000x128xf32, #tpu.memory_space<hbm>> -> memref<10000x128xf32, #tpu.memory_space<hbm>>
      tpu.enqueue_indirect_dma source(%dma_start3A_545 : memref<10000x128xf32, #tpu.memory_space<hbm>>) target(%arg7 : memref<120x128xf32, #tpu.memory_space<vmem>>) offsets(%dma_start3A_542 : memref<120xi32, #tpu.memory_space<vmem>>) semaphore(%arg23 : memref<!tpu.dma_semaphore, #tpu.memory_space<semaphore_mem>>)
      %dma_wait3A_546 = arith.constant 0 : i32
      %dma_wait3A_547 = arith.constant 0 : i32
      %dma_wait3A_548 = arith.constant 0 : i32
      %dma_wait3A_549 = tpu.memref_slice %arg12[%dma_wait3A_546, %dma_wait3A_547, %dma_wait3A_548] : memref<1x1x120xi32, #tpu.memory_space<vmem>> -> memref<1x1x120xi32, #tpu.memory_space<vmem>>
      %dma_wait3A_550 = tpu.memref_squeeze %dma_wait3A_549 : memref<1x1x120xi32, #tpu.memory_space<vmem>> -> memref<120xi32, #tpu.memory_space<vmem>>
      %dma_wait3A_551 = arith.constant 0 : i32
      %dma_wait3A_552 = arith.constant 0 : i32
      %dma_wait3A_553 = tpu.memref_slice %arg2[%dma_wait3A_551, %dma_wait3A_552] : memref<10000x128xf32, #tpu.memory_space<hbm>> -> memref<10000x128xf32, #tpu.memory_space<hbm>>
      tpu.wait_indirect_dma semaphore(%arg22 : memref<!tpu.dma_semaphore, #tpu.memory_space<semaphore_mem>>) src(%dma_wait3A_553 : memref<10000x128xf32, #tpu.memory_space<hbm>>) dst(%arg6 : memref<120x128xf32, #tpu.memory_space<vmem>>)
      %dma_start3A_554 = arith.constant 0 : i32
      %dma_start3A_555 = arith.constant 0 : i32
      %dma_start3A_556 = arith.constant 0 : i32
      %dma_start3A_557 = tpu.memref_slice %arg18[%dma_start3A_554, %dma_start3A_555, %dma_start3A_556] : memref<1x1x120xi32, #tpu.memory_space<vmem>> -> memref<1x1x120xi32, #tpu.memory_space<vmem>>
      %dma_start3A_558 = tpu.memref_squeeze %dma_start3A_557 : memref<1x1x120xi32, #tpu.memory_space<vmem>> -> memref<120xi32, #tpu.memory_space<vmem>>
      %dma_start3A_559 = arith.constant 0 : i32
      %dma_start3A_560 = arith.constant 0 : i32
      %dma_start3A_561 = tpu.memref_slice %arg21[%dma_start3A_559, %dma_start3A_560] : memref<10112x128xf32, #tpu.memory_space<vmem_shared>> -> memref<10112x128xf32, #tpu.memory_space<vmem_shared>>
      tpu.enqueue_indirect_dma source(%arg6 : memref<120x128xf32, #tpu.memory_space<vmem>>) target(%dma_start3A_561 : memref<10112x128xf32, #tpu.memory_space<vmem_shared>>) offsets(%dma_start3A_558 : memref<120xi32, #tpu.memory_space<vmem>>) semaphore(%arg25 : memref<!tpu.dma_semaphore, #tpu.memory_space<semaphore_mem>>) {add = true}
      %add3A_562 = arith.constant 5 : i32
      %add3A_563 = arith.addi %mul3A_274, %add3A_562 : i32
      %dma_wait3A_564 = arith.constant 0 : i32
      %dma_wait3A_565 = arith.constant 0 : i32
      %dma_wait3A_566 = arith.constant 0 : i32
      %dma_wait3A_567 = tpu.memref_slice %arg17[%dma_wait3A_564, %dma_wait3A_565, %dma_wait3A_566] : memref<1x1x120xi32, #tpu.memory_space<vmem>> -> memref<1x1x120xi32, #tpu.memory_space<vmem>>
      %dma_wait3A_568 = tpu.memref_squeeze %dma_wait3A_567 : memref<1x1x120xi32, #tpu.memory_space<vmem>> -> memref<120xi32, #tpu.memory_space<vmem>>
      %dma_wait3A_569 = arith.constant 0 : i32
      %dma_wait3A_570 = arith.constant 0 : i32
      %dma_wait3A_571 = tpu.memref_slice %arg21[%dma_wait3A_569, %dma_wait3A_570] : memref<10112x128xf32, #tpu.memory_space<vmem_shared>> -> memref<10112x128xf32, #tpu.memory_space<vmem_shared>>
      tpu.wait_indirect_dma semaphore(%arg27 : memref<!tpu.dma_semaphore, #tpu.memory_space<semaphore_mem>>) src(%arg8 : memref<120x128xf32, #tpu.memory_space<vmem>>) dst(%dma_wait3A_571 : memref<10112x128xf32, #tpu.memory_space<vmem_shared>>)
      %lt3A_572 = arith.constant 13 : i32
      %lt3A_573 = arith.cmpi slt, %scan3A_272, %lt3A_572 : i32
      %convert_element_type3A_574 = arith.extui %lt3A_573 : i1 to i32
      %cond3A_575 = arith.constant 0 : i32
      %cond3A_576 = arith.cmpi ne, %convert_element_type3A_574, %cond3A_575 : i32
      scf.if %cond3A_576 {
        %add3A_617 = arith.constant 3 : i32
        %add3A_618 = arith.addi %add3A_563, %add3A_617 : i32
        %mul3A_619 = arith.constant 84 : i32
        %mul3A_620 = arith.muli %add3A, %mul3A_619 : i32
        %add3A_621 = arith.addi %mul3A_620, %add3A_618 : i32
        %dma_start3A_622 = arith.constant 0 : i32
        %dma_start3A_623 = arith.constant 0 : i32
        %dma_start3A_624 = tpu.memref_slice %arg3[%add3A_621, %dma_start3A_622, %dma_start3A_623] : memref<2688x1x120xi32, #tpu.memory_space<hbm>> -> memref<1x1x120xi32, #tpu.memory_space<hbm>>
        %dma_start3A_625 = arith.constant 0 : i32
        %dma_start3A_626 = arith.constant 0 : i32
        %dma_start3A_627 = tpu.memref_slice %arg3[%add3A_621, %dma_start3A_625, %dma_start3A_626] : memref<2688x1x120xi32, #tpu.memory_space<hbm>> -> memref<1x1x120xi32, #tpu.memory_space<hbm>>
        tpu.enqueue_dma source(%dma_start3A_627 : memref<1x1x120xi32, #tpu.memory_space<hbm>>) target(%arg11 : memref<1x1x120xi32, #tpu.memory_space<vmem>>) target_semaphore(%arg30 : memref<!tpu.dma_semaphore, #tpu.memory_space<semaphore_mem>>)
        %dma_start3A_628 = arith.constant 0 : i32
        %dma_start3A_629 = arith.constant 0 : i32
        %dma_start3A_630 = tpu.memref_slice %arg4[%add3A_621, %dma_start3A_628, %dma_start3A_629] : memref<2688x1x120xi32, #tpu.memory_space<hbm>> -> memref<1x1x120xi32, #tpu.memory_space<hbm>>
        %dma_start3A_631 = arith.constant 0 : i32
        %dma_start3A_632 = arith.constant 0 : i32
        %dma_start3A_633 = tpu.memref_slice %arg4[%add3A_621, %dma_start3A_631, %dma_start3A_632] : memref<2688x1x120xi32, #tpu.memory_space<hbm>> -> memref<1x1x120xi32, #tpu.memory_space<hbm>>
        tpu.enqueue_dma source(%dma_start3A_633 : memref<1x1x120xi32, #tpu.memory_space<hbm>>) target(%arg17 : memref<1x1x120xi32, #tpu.memory_space<vmem>>) target_semaphore(%arg30 : memref<!tpu.dma_semaphore, #tpu.memory_space<semaphore_mem>>)
      } else {
      }
      %dma_wait3A_577 = arith.constant 0 : i32
      %dma_wait3A_578 = arith.constant 0 : i32
      %dma_wait3A_579 = arith.constant 0 : i32
      %dma_wait3A_580 = tpu.memref_slice %arg3[%dma_wait3A_577, %dma_wait3A_578, %dma_wait3A_579] : memref<2688x1x120xi32, #tpu.memory_space<hbm>> -> memref<1x1x120xi32, #tpu.memory_space<hbm>>
      %dma_wait3A_581 = arith.constant 0 : i32
      %dma_wait3A_582 = arith.constant 0 : i32
      %dma_wait3A_583 = arith.constant 0 : i32
      %dma_wait3A_584 = tpu.memref_slice %arg3[%dma_wait3A_581, %dma_wait3A_582, %dma_wait3A_583] : memref<2688x1x120xi32, #tpu.memory_space<hbm>> -> memref<1x1x120xi32, #tpu.memory_space<hbm>>
      tpu.wait_dma2 semaphore(%arg33 : memref<!tpu.dma_semaphore, #tpu.memory_space<semaphore_mem>>) src(%dma_wait3A_584 : memref<1x1x120xi32, #tpu.memory_space<hbm>>) dst(%arg14 : memref<1x1x120xi32, #tpu.memory_space<vmem>>)
      %dma_wait3A_585 = arith.constant 0 : i32
      %dma_wait3A_586 = arith.constant 0 : i32
      %dma_wait3A_587 = arith.constant 0 : i32
      %dma_wait3A_588 = tpu.memref_slice %arg3[%dma_wait3A_585, %dma_wait3A_586, %dma_wait3A_587] : memref<2688x1x120xi32, #tpu.memory_space<hbm>> -> memref<1x1x120xi32, #tpu.memory_space<hbm>>
      %dma_wait3A_589 = arith.constant 0 : i32
      %dma_wait3A_590 = arith.constant 0 : i32
      %dma_wait3A_591 = arith.constant 0 : i32
      %dma_wait3A_592 = tpu.memref_slice %arg3[%dma_wait3A_589, %dma_wait3A_590, %dma_wait3A_591] : memref<2688x1x120xi32, #tpu.memory_space<hbm>> -> memref<1x1x120xi32, #tpu.memory_space<hbm>>
      tpu.wait_dma2 semaphore(%arg33 : memref<!tpu.dma_semaphore, #tpu.memory_space<semaphore_mem>>) src(%dma_wait3A_592 : memref<1x1x120xi32, #tpu.memory_space<hbm>>) dst(%arg20 : memref<1x1x120xi32, #tpu.memory_space<vmem>>)
      %dma_start3A_593 = arith.constant 0 : i32
      %dma_start3A_594 = arith.constant 0 : i32
      %dma_start3A_595 = arith.constant 0 : i32
      %dma_start3A_596 = tpu.memref_slice %arg14[%dma_start3A_593, %dma_start3A_594, %dma_start3A_595] : memref<1x1x120xi32, #tpu.memory_space<vmem>> -> memref<1x1x120xi32, #tpu.memory_space<vmem>>
      %dma_start3A_597 = tpu.memref_squeeze %dma_start3A_596 : memref<1x1x120xi32, #tpu.memory_space<vmem>> -> memref<120xi32, #tpu.memory_space<vmem>>
      %dma_start3A_598 = arith.constant 0 : i32
      %dma_start3A_599 = arith.constant 0 : i32
      %dma_start3A_600 = tpu.memref_slice %arg2[%dma_start3A_598, %dma_start3A_599] : memref<10000x128xf32, #tpu.memory_space<hbm>> -> memref<10000x128xf32, #tpu.memory_space<hbm>>
      tpu.enqueue_indirect_dma source(%dma_start3A_600 : memref<10000x128xf32, #tpu.memory_space<hbm>>) target(%arg8 : memref<120x128xf32, #tpu.memory_space<vmem>>) offsets(%dma_start3A_597 : memref<120xi32, #tpu.memory_space<vmem>>) semaphore(%arg24 : memref<!tpu.dma_semaphore, #tpu.memory_space<semaphore_mem>>)
      %dma_wait3A_601 = arith.constant 0 : i32
      %dma_wait3A_602 = arith.constant 0 : i32
      %dma_wait3A_603 = arith.constant 0 : i32
      %dma_wait3A_604 = tpu.memref_slice %arg13[%dma_wait3A_601, %dma_wait3A_602, %dma_wait3A_603] : memref<1x1x120xi32, #tpu.memory_space<vmem>> -> memref<1x1x120xi32, #tpu.memory_space<vmem>>
      %dma_wait3A_605 = tpu.memref_squeeze %dma_wait3A_604 : memref<1x1x120xi32, #tpu.memory_space<vmem>> -> memref<120xi32, #tpu.memory_space<vmem>>
      %dma_wait3A_606 = arith.constant 0 : i32
      %dma_wait3A_607 = arith.constant 0 : i32
      %dma_wait3A_608 = tpu.memref_slice %arg2[%dma_wait3A_606, %dma_wait3A_607] : memref<10000x128xf32, #tpu.memory_space<hbm>> -> memref<10000x128xf32, #tpu.memory_space<hbm>>
      tpu.wait_indirect_dma semaphore(%arg23 : memref<!tpu.dma_semaphore, #tpu.memory_space<semaphore_mem>>) src(%dma_wait3A_608 : memref<10000x128xf32, #tpu.memory_space<hbm>>) dst(%arg7 : memref<120x128xf32, #tpu.memory_space<vmem>>)
      %dma_start3A_609 = arith.constant 0 : i32
      %dma_start3A_610 = arith.constant 0 : i32
      %dma_start3A_611 = arith.constant 0 : i32
      %dma_start3A_612 = tpu.memref_slice %arg19[%dma_start3A_609, %dma_start3A_610, %dma_start3A_611] : memref<1x1x120xi32, #tpu.memory_space<vmem>> -> memref<1x1x120xi32, #tpu.memory_space<vmem>>
      %dma_start3A_613 = tpu.memref_squeeze %dma_start3A_612 : memref<1x1x120xi32, #tpu.memory_space<vmem>> -> memref<120xi32, #tpu.memory_space<vmem>>
      %dma_start3A_614 = arith.constant 0 : i32
      %dma_start3A_615 = arith.constant 0 : i32
      %dma_start3A_616 = tpu.memref_slice %arg21[%dma_start3A_614, %dma_start3A_615] : memref<10112x128xf32, #tpu.memory_space<vmem_shared>> -> memref<10112x128xf32, #tpu.memory_space<vmem_shared>>
      tpu.enqueue_indirect_dma source(%arg7 : memref<120x128xf32, #tpu.memory_space<vmem>>) target(%dma_start3A_616 : memref<10112x128xf32, #tpu.memory_space<vmem_shared>>) offsets(%dma_start3A_613 : memref<120xi32, #tpu.memory_space<vmem>>) semaphore(%arg26 : memref<!tpu.dma_semaphore, #tpu.memory_space<semaphore_mem>>) {add = true}
    }
    %scan3A_226 = arith.constant 14 : i32
    %dma_wait3A_227 = arith.constant 0 : i32
    %dma_wait3A_228 = arith.constant 0 : i32
    %dma_wait3A_229 = arith.constant 0 : i32
    %dma_wait3A_230 = tpu.memref_slice %arg14[%dma_wait3A_227, %dma_wait3A_228, %dma_wait3A_229] : memref<1x1x120xi32, #tpu.memory_space<vmem>> -> memref<1x1x120xi32, #tpu.memory_space<vmem>>
    %dma_wait3A_231 = tpu.memref_squeeze %dma_wait3A_230 : memref<1x1x120xi32, #tpu.memory_space<vmem>> -> memref<120xi32, #tpu.memory_space<vmem>>
    %dma_wait3A_232 = arith.constant 0 : i32
    %dma_wait3A_233 = arith.constant 0 : i32
    %dma_wait3A_234 = tpu.memref_slice %arg2[%dma_wait3A_232, %dma_wait3A_233] : memref<10000x128xf32, #tpu.memory_space<hbm>> -> memref<10000x128xf32, #tpu.memory_space<hbm>>
    tpu.wait_indirect_dma semaphore(%arg24 : memref<!tpu.dma_semaphore, #tpu.memory_space<semaphore_mem>>) src(%dma_wait3A_234 : memref<10000x128xf32, #tpu.memory_space<hbm>>) dst(%arg8 : memref<120x128xf32, #tpu.memory_space<vmem>>)
    %dma_start3A_235 = arith.constant 0 : i32
    %dma_start3A_236 = arith.constant 0 : i32
    %dma_start3A_237 = arith.constant 0 : i32
    %dma_start3A_238 = tpu.memref_slice %arg20[%dma_start3A_235, %dma_start3A_236, %dma_start3A_237] : memref<1x1x120xi32, #tpu.memory_space<vmem>> -> memref<1x1x120xi32, #tpu.memory_space<vmem>>
    %dma_start3A_239 = tpu.memref_squeeze %dma_start3A_238 : memref<1x1x120xi32, #tpu.memory_space<vmem>> -> memref<120xi32, #tpu.memory_space<vmem>>
    %dma_start3A_240 = arith.constant 0 : i32
    %dma_start3A_241 = arith.constant 0 : i32
    %dma_start3A_242 = tpu.memref_slice %arg21[%dma_start3A_240, %dma_start3A_241] : memref<10112x128xf32, #tpu.memory_space<vmem_shared>> -> memref<10112x128xf32, #tpu.memory_space<vmem_shared>>
    tpu.enqueue_indirect_dma source(%arg8 : memref<120x128xf32, #tpu.memory_space<vmem>>) target(%dma_start3A_242 : memref<10112x128xf32, #tpu.memory_space<vmem_shared>>) offsets(%dma_start3A_239 : memref<120xi32, #tpu.memory_space<vmem>>) semaphore(%arg27 : memref<!tpu.dma_semaphore, #tpu.memory_space<semaphore_mem>>) {add = true}
    %dma_wait3A_243 = arith.constant 0 : i32
    %dma_wait3A_244 = arith.constant 0 : i32
    %dma_wait3A_245 = arith.constant 0 : i32
    %dma_wait3A_246 = tpu.memref_slice %arg18[%dma_wait3A_243, %dma_wait3A_244, %dma_wait3A_245] : memref<1x1x120xi32, #tpu.memory_space<vmem>> -> memref<1x1x120xi32, #tpu.memory_space<vmem>>
    %dma_wait3A_247 = tpu.memref_squeeze %dma_wait3A_246 : memref<1x1x120xi32, #tpu.memory_space<vmem>> -> memref<120xi32, #tpu.memory_space<vmem>>
    %dma_wait3A_248 = arith.constant 0 : i32
    %dma_wait3A_249 = arith.constant 0 : i32
    %dma_wait3A_250 = tpu.memref_slice %arg21[%dma_wait3A_248, %dma_wait3A_249] : memref<10112x128xf32, #tpu.memory_space<vmem_shared>> -> memref<10112x128xf32, #tpu.memory_space<vmem_shared>>
    tpu.wait_indirect_dma semaphore(%arg25 : memref<!tpu.dma_semaphore, #tpu.memory_space<semaphore_mem>>) src(%arg6 : memref<120x128xf32, #tpu.memory_space<vmem>>) dst(%dma_wait3A_250 : memref<10112x128xf32, #tpu.memory_space<vmem_shared>>)
    %dma_wait3A_251 = arith.constant 0 : i32
    %dma_wait3A_252 = arith.constant 0 : i32
    %dma_wait3A_253 = arith.constant 0 : i32
    %dma_wait3A_254 = tpu.memref_slice %arg19[%dma_wait3A_251, %dma_wait3A_252, %dma_wait3A_253] : memref<1x1x120xi32, #tpu.memory_space<vmem>> -> memref<1x1x120xi32, #tpu.memory_space<vmem>>
    %dma_wait3A_255 = tpu.memref_squeeze %dma_wait3A_254 : memref<1x1x120xi32, #tpu.memory_space<vmem>> -> memref<120xi32, #tpu.memory_space<vmem>>
    %dma_wait3A_256 = arith.constant 0 : i32
    %dma_wait3A_257 = arith.constant 0 : i32
    %dma_wait3A_258 = tpu.memref_slice %arg21[%dma_wait3A_256, %dma_wait3A_257] : memref<10112x128xf32, #tpu.memory_space<vmem_shared>> -> memref<10112x128xf32, #tpu.memory_space<vmem_shared>>
    tpu.wait_indirect_dma semaphore(%arg26 : memref<!tpu.dma_semaphore, #tpu.memory_space<semaphore_mem>>) src(%arg7 : memref<120x128xf32, #tpu.memory_space<vmem>>) dst(%dma_wait3A_258 : memref<10112x128xf32, #tpu.memory_space<vmem_shared>>)
    %dma_wait3A_259 = arith.constant 0 : i32
    %dma_wait3A_260 = arith.constant 0 : i32
    %dma_wait3A_261 = arith.constant 0 : i32
    %dma_wait3A_262 = tpu.memref_slice %arg20[%dma_wait3A_259, %dma_wait3A_260, %dma_wait3A_261] : memref<1x1x120xi32, #tpu.memory_space<vmem>> -> memref<1x1x120xi32, #tpu.memory_space<vmem>>
    %dma_wait3A_263 = tpu.memref_squeeze %dma_wait3A_262 : memref<1x1x120xi32, #tpu.memory_space<vmem>> -> memref<120xi32, #tpu.memory_space<vmem>>
    %dma_wait3A_264 = arith.constant 0 : i32
    %dma_wait3A_265 = arith.constant 0 : i32
    %dma_wait3A_266 = tpu.memref_slice %arg21[%dma_wait3A_264, %dma_wait3A_265] : memref<10112x128xf32, #tpu.memory_space<vmem_shared>> -> memref<10112x128xf32, #tpu.memory_space<vmem_shared>>
    tpu.wait_indirect_dma semaphore(%arg27 : memref<!tpu.dma_semaphore, #tpu.memory_space<semaphore_mem>>) src(%arg8 : memref<120x128xf32, #tpu.memory_space<vmem>>) dst(%dma_wait3A_266 : memref<10112x128xf32, #tpu.memory_space<vmem_shared>>)
    %barrier3A_267 = arith.constant 0 : index
    tpu.barrier barrier_id(%barrier3A_267)
    %mul3A_268 = arith.constant 632 : i32
    %mul3A_269 = arith.muli %arg1, %mul3A_268 : i32
    %mul3A_270 = arith.constant 632 : i32
    %mul3A_271 = arith.muli %arg1, %mul3A_270 : i32
    "tpu.region"() ({
      %run_scoped3A = tpu.sem_alloc : memref<!tpu.dma_semaphore, #tpu.memory_space<semaphore_mem>>
      %dma_start3A_272 = arith.constant 0 : i32
      %dma_start3A_273 = tpu.memref_slice %arg5[%arg0, %mul3A_271, %dma_start3A_272] : memref<2x10112x128xf32, #tpu.memory_space<hbm>> -> memref<1x632x128xf32, #tpu.memory_space<hbm>>
      %dma_start3A_274 = tpu.memref_squeeze %dma_start3A_273 : memref<1x632x128xf32, #tpu.memory_space<hbm>> -> memref<632x128xf32, #tpu.memory_space<hbm>>
      %dma_start3A_275 = arith.constant 0 : i32
      %dma_start3A_276 = tpu.memref_slice %arg21[%mul3A_269, %dma_start3A_275] : memref<10112x128xf32, #tpu.memory_space<vmem_shared>> -> memref<632x128xf32, #tpu.memory_space<vmem_shared>>
      tpu.enqueue_dma source(%dma_start3A_276 : memref<632x128xf32, #tpu.memory_space<vmem_shared>>) target(%dma_start3A_274 : memref<632x128xf32, #tpu.memory_space<hbm>>) target_semaphore(%run_scoped3A : memref<!tpu.dma_semaphore, #tpu.memory_space<semaphore_mem>>)
      %dma_wait3A_277 = arith.constant 0 : i32
      %dma_wait3A_278 = tpu.memref_slice %arg5[%arg0, %mul3A_271, %dma_wait3A_277] : memref<2x10112x128xf32, #tpu.memory_space<hbm>> -> memref<1x632x128xf32, #tpu.memory_space<hbm>>
      %dma_wait3A_279 = tpu.memref_squeeze %dma_wait3A_278 : memref<1x632x128xf32, #tpu.memory_space<hbm>> -> memref<632x128xf32, #tpu.memory_space<hbm>>
      %dma_wait3A_280 = arith.constant 0 : i32
      %dma_wait3A_281 = tpu.memref_slice %arg21[%mul3A_269, %dma_wait3A_280] : memref<10112x128xf32, #tpu.memory_space<vmem_shared>> -> memref<632x128xf32, #tpu.memory_space<vmem_shared>>
      tpu.wait_dma2 semaphore(%run_scoped3A : memref<!tpu.dma_semaphore, #tpu.memory_space<semaphore_mem>>) src(%dma_wait3A_281 : memref<632x128xf32, #tpu.memory_space<vmem_shared>>) dst(%dma_wait3A_279 : memref<632x128xf32, #tpu.memory_space<hbm>>)
      tpu.yield
    }) : () -> ()
    return
  }
}

module attributes {stable_mosaic.version = 14 : i64} {
  func.func @_tc_in_body(%arg0: i32, %arg1: memref<2000x128xf32, #tpu.memory_space<vmem>>, %arg2: memref<128x128xf32, #tpu.memory_space<vmem>>, %arg3: memref<1x128xf32, #tpu.memory_space<vmem>>, %arg4: memref<2000x128xf32, #tpu.memory_space<vmem>>) attributes {dimension_semantics = [#tpu.dimension_semantics<arbitrary>], iteration_bounds = array<i64: 5>, scalar_prefetch = 0 : i64, scratch_operands = 0 : i64, tpu.core_type = #tpu.core_type<tc>, window_params = [{transform_indices = @transform_0, window_bounds = array<i64: 2000, 128>}, {pipeline_mode = #tpu.pipeline_mode<synchronous>, transform_indices = @transform_1, window_bounds = array<i64: 128, 128>}, {pipeline_mode = #tpu.pipeline_mode<synchronous>, transform_indices = @transform_2, window_bounds = array<i64: 1, 128>}, {transform_indices = @transform_3, window_bounds = array<i64: 2000, 128>}]} {
    %get3A = arith.constant 0 : index
    %get3A_0 = arith.constant 0 : index
    %get3A_1 = vector.load %arg1[%get3A, %get3A_0] : memref<2000x128xf32, #tpu.memory_space<vmem>>, vector<2000x128xf32>
    %get3A_2 = arith.constant 0 : index
    %get3A_3 = arith.constant 0 : index
    %get3A_4 = vector.load %arg2[%get3A_2, %get3A_3] : memref<128x128xf32, #tpu.memory_space<vmem>>, vector<128x128xf32>
    %dot_general3A = arith.constant dense<0.000000e+00> : vector<2000x128xf32>
    %dot_general3A_5 = tpu.matmul %get3A_1, %get3A_4, %dot_general3A {dimension_numbers = #tpu.dot_dimension_numbers<[1], [0], [0], [1], [0, 0, 1, 1], [], []>, transpose_lhs_hint = false} : vector<2000x128xf32>, vector<128x128xf32>, vector<2000x128xf32> -> vector<2000x128xf32>
    %get3A_6 = arith.constant 0 : index
    %get3A_7 = arith.constant 0 : index
    %get3A_8 = vector.load %arg3[%get3A_6, %get3A_7] : memref<1x128xf32, #tpu.memory_space<vmem>>, vector<1x128xf32>
    %add3A = vector.broadcast %get3A_8 : vector<1x128xf32> to vector<2000x128xf32>
    %add3A_9 = arith.addf %dot_general3A_5, %add3A : vector<2000x128xf32>
    %max3A = arith.constant 0.000000e+00 : f32
    %max3A_10 = vector.broadcast %max3A : f32 to vector<2000x128xf32>
    %max3A_11 = arith.maximumf %add3A_9, %max3A_10 : vector<2000x128xf32>
    %swap3A = arith.constant 0 : index
    %swap3A_12 = arith.constant 0 : index
    %swap3A_13 = vector.load %arg4[%swap3A, %swap3A_12] : memref<2000x128xf32, #tpu.memory_space<vmem>>, vector<2000x128xf32>
    tpu.vector_store %arg4[%swap3A, %swap3A_12], %max3A_11 {strides = array<i32>} : memref<2000x128xf32, #tpu.memory_space<vmem>>, vector<2000x128xf32>,
    return
  }
  func.func @transform_0(%arg0: i32) -> (i32, i32) {
    %c0_i32 = arith.constant 0 : i32
    %c0_i32_0 = arith.constant 0 : i32
    return %arg0, %c0_i32 : i32, i32
  }
  func.func @transform_1(%arg0: i32) -> (i32, i32) {
    %c0_i32 = arith.constant 0 : i32
    %c0_i32_0 = arith.constant 0 : i32
    %c0_i32_1 = arith.constant 0 : i32
    return %c0_i32, %c0_i32_0 : i32, i32
  }
  func.func @transform_2(%arg0: i32) -> (i32, i32) {
    %c0_i32 = arith.constant 0 : i32
    %c0_i32_0 = arith.constant 0 : i32
    %c0_i32_1 = arith.constant 0 : i32
    return %c0_i32, %c0_i32_0 : i32, i32
  }
  func.func @transform_3(%arg0: i32) -> (i32, i32) {
    %c0_i32 = arith.constant 0 : i32
    %c0_i32_0 = arith.constant 0 : i32
    return %arg0, %c0_i32 : i32, i32
  }
}

module attributes {stable_mosaic.version = 14 : i64} {
  func.func @_tc_layer_body(%arg0: i32, %arg1: memref<2x2000x128xf32, #tpu.memory_space<vmem>>, %arg2: memref<2000x128xf32, #tpu.memory_space<vmem>>, %arg3: memref<128x128xf32, #tpu.memory_space<vmem>>, %arg4: memref<1x128xf32, #tpu.memory_space<vmem>>, %arg5: memref<1x128xf32, #tpu.memory_space<vmem>>, %arg6: memref<1x128xf32, #tpu.memory_space<vmem>>, %arg7: memref<2000x128xf32, #tpu.memory_space<vmem>>) attributes {dimension_semantics = [#tpu.dimension_semantics<arbitrary>], iteration_bounds = array<i64: 5>, scalar_prefetch = 0 : i64, scratch_operands = 0 : i64, tpu.core_type = #tpu.core_type<tc>, window_params = [{transform_indices = @transform_0, window_bounds = array<i64: 2, 2000, 128>}, {transform_indices = @transform_1, window_bounds = array<i64: 2000, 128>}, {pipeline_mode = #tpu.pipeline_mode<synchronous>, transform_indices = @transform_2, window_bounds = array<i64: 128, 128>}, {pipeline_mode = #tpu.pipeline_mode<synchronous>, transform_indices = @transform_3, window_bounds = array<i64: 1, 128>}, {pipeline_mode = #tpu.pipeline_mode<synchronous>, transform_indices = @transform_4, window_bounds = array<i64: 1, 128>}, {pipeline_mode = #tpu.pipeline_mode<synchronous>, transform_indices = @transform_5, window_bounds = array<i64: 1, 128>}, {transform_indices = @transform_6, window_bounds = array<i64: 2000, 128>}]} {
    %get3A = arith.constant 0 : index
    %get3A_0 = arith.constant 0 : index
    %get3A_1 = arith.constant 0 : index
    %get3A_2 = vector.load %arg1[%get3A, %get3A_0, %get3A_1] : memref<2x2000x128xf32, #tpu.memory_space<vmem>>, vector<1x2000x128xf32>
    %get3A_3 = vector.shape_cast %get3A_2 : vector<1x2000x128xf32> to vector<2000x128xf32>
    %get3A_4 = arith.constant 1 : index
    %get3A_5 = arith.constant 0 : index
    %get3A_6 = arith.constant 0 : index
    %get3A_7 = vector.load %arg1[%get3A_4, %get3A_5, %get3A_6] : memref<2x2000x128xf32, #tpu.memory_space<vmem>>, vector<1x2000x128xf32>
    %get3A_8 = vector.shape_cast %get3A_7 : vector<1x2000x128xf32> to vector<2000x128xf32>
    %add3A = arith.addf %get3A_3, %get3A_8 : vector<2000x128xf32>
    %get3A_9 = arith.constant 0 : index
    %get3A_10 = arith.constant 0 : index
    %get3A_11 = vector.load %arg2[%get3A_9, %get3A_10] : memref<2000x128xf32, #tpu.memory_space<vmem>>, vector<2000x128xf32>
    %add3A_12 = arith.addf %add3A, %get3A_11 : vector<2000x128xf32>
    %get3A_13 = arith.constant 0 : index
    %get3A_14 = arith.constant 0 : index
    %get3A_15 = vector.load %arg3[%get3A_13, %get3A_14] : memref<128x128xf32, #tpu.memory_space<vmem>>, vector<128x128xf32>
    %dot_general3A = arith.constant dense<0.000000e+00> : vector<2000x128xf32>
    %dot_general3A_16 = tpu.matmul %add3A_12, %get3A_15, %dot_general3A {dimension_numbers = #tpu.dot_dimension_numbers<[1], [0], [0], [1], [0, 0, 1, 1], [], []>, transpose_lhs_hint = false} : vector<2000x128xf32>, vector<128x128xf32>, vector<2000x128xf32> -> vector<2000x128xf32>
    %get3A_17 = arith.constant 0 : index
    %get3A_18 = arith.constant 0 : index
    %get3A_19 = vector.load %arg4[%get3A_17, %get3A_18] : memref<1x128xf32, #tpu.memory_space<vmem>>, vector<1x128xf32>
    %add3A_20 = vector.broadcast %get3A_19 : vector<1x128xf32> to vector<2000x128xf32>
    %add3A_21 = arith.addf %dot_general3A_16, %add3A_20 : vector<2000x128xf32>
    %reduce_sum3A = arith.constant dense<0.000000e+00> : vector<2000xf32>
    %reduce_sum3A_22 = vector.multi_reduction <add>, %add3A_21, %reduce_sum3A [1] : vector<2000x128xf32> to vector<2000xf32>
    %broadcast_in_dim3A = vector.shape_cast %reduce_sum3A_22 : vector<2000xf32> to vector<2000x1xf32>
    %div3A = arith.constant 1.280000e+02 : f32
    %div3A_23 = vector.broadcast %div3A : f32 to vector<2000x1xf32>
    %div3A_24 = arith.divf %broadcast_in_dim3A, %div3A_23 : vector<2000x1xf32>
    %sub3A = vector.broadcast %div3A_24 : vector<2000x1xf32> to vector<2000x128xf32>
    %sub3A_25 = arith.subf %add3A_21, %sub3A : vector<2000x128xf32>
    %integer_pow3A = arith.mulf %sub3A_25, %sub3A_25 : vector<2000x128xf32>
    %reduce_sum3A_26 = arith.constant dense<0.000000e+00> : vector<2000xf32>
    %reduce_sum3A_27 = vector.multi_reduction <add>, %integer_pow3A, %reduce_sum3A_26 [1] : vector<2000x128xf32> to vector<2000xf32>
    %broadcast_in_dim3A_28 = vector.shape_cast %reduce_sum3A_27 : vector<2000xf32> to vector<2000x1xf32>
    %div3A_29 = arith.constant 1.280000e+02 : f32
    %div3A_30 = vector.broadcast %div3A_29 : f32 to vector<2000x1xf32>
    %div3A_31 = arith.divf %broadcast_in_dim3A_28, %div3A_30 : vector<2000x1xf32>
    %sub3A_32 = vector.broadcast %div3A_24 : vector<2000x1xf32> to vector<2000x128xf32>
    %sub3A_33 = arith.subf %add3A_21, %sub3A_32 : vector<2000x128xf32>
    %add3A_34 = arith.constant 9.99999974E-6 : f32
    %add3A_35 = vector.broadcast %add3A_34 : f32 to vector<2000x1xf32>
    %add3A_36 = arith.addf %div3A_31, %add3A_35 : vector<2000x1xf32>
    %sqrt3A = math.sqrt %add3A_36 : vector<2000x1xf32>
    %div3A_37 = vector.broadcast %sqrt3A : vector<2000x1xf32> to vector<2000x128xf32>
    %div3A_38 = arith.divf %sub3A_33, %div3A_37 : vector<2000x128xf32>
    %get3A_39 = arith.constant 0 : index
    %get3A_40 = arith.constant 0 : index
    %get3A_41 = vector.load %arg5[%get3A_39, %get3A_40] : memref<1x128xf32, #tpu.memory_space<vmem>>, vector<1x128xf32>
    %mul3A = vector.broadcast %get3A_41 : vector<1x128xf32> to vector<2000x128xf32>
    %mul3A_42 = arith.mulf %div3A_38, %mul3A : vector<2000x128xf32>
    %get3A_43 = arith.constant 0 : index
    %get3A_44 = arith.constant 0 : index
    %get3A_45 = vector.load %arg6[%get3A_43, %get3A_44] : memref<1x128xf32, #tpu.memory_space<vmem>>, vector<1x128xf32>
    %add3A_46 = vector.broadcast %get3A_45 : vector<1x128xf32> to vector<2000x128xf32>
    %add3A_47 = arith.addf %mul3A_42, %add3A_46 : vector<2000x128xf32>
    %max3A = arith.constant 0.000000e+00 : f32
    %max3A_48 = vector.broadcast %max3A : f32 to vector<2000x128xf32>
    %max3A_49 = arith.maximumf %add3A_47, %max3A_48 : vector<2000x128xf32>
    %swap3A = arith.constant 0 : index
    %swap3A_50 = arith.constant 0 : index
    %swap3A_51 = vector.load %arg7[%swap3A, %swap3A_50] : memref<2000x128xf32, #tpu.memory_space<vmem>>, vector<2000x128xf32>
    tpu.vector_store %arg7[%swap3A, %swap3A_50], %max3A_49 {strides = array<i32>} : memref<2000x128xf32, #tpu.memory_space<vmem>>, vector<2000x128xf32>,
    return
  }
  func.func @transform_0(%arg0: i32) -> (i32, i32, i32) {
    %c0_i32 = arith.constant 0 : i32
    %c0_i32_0 = arith.constant 0 : i32
    %c0_i32_1 = arith.constant 0 : i32
    return %c0_i32, %arg0, %c0_i32_0 : i32, i32, i32
  }
  func.func @transform_1(%arg0: i32) -> (i32, i32) {
    %c0_i32 = arith.constant 0 : i32
    %c0_i32_0 = arith.constant 0 : i32
    return %arg0, %c0_i32 : i32, i32
  }
  func.func @transform_2(%arg0: i32) -> (i32, i32) {
    %c0_i32 = arith.constant 0 : i32
    %c0_i32_0 = arith.constant 0 : i32
    %c0_i32_1 = arith.constant 0 : i32
    return %c0_i32, %c0_i32_0 : i32, i32
  }
  func.func @transform_3(%arg0: i32) -> (i32, i32) {
    %c0_i32 = arith.constant 0 : i32
    %c0_i32_0 = arith.constant 0 : i32
    %c0_i32_1 = arith.constant 0 : i32
    return %c0_i32, %c0_i32_0 : i32, i32
  }
  func.func @transform_4(%arg0: i32) -> (i32, i32) {
    %c0_i32 = arith.constant 0 : i32
    %c0_i32_0 = arith.constant 0 : i32
    %c0_i32_1 = arith.constant 0 : i32
    return %c0_i32, %c0_i32_0 : i32, i32
  }
  func.func @transform_5(%arg0: i32) -> (i32, i32) {
    %c0_i32 = arith.constant 0 : i32
    %c0_i32_0 = arith.constant 0 : i32
    %c0_i32_1 = arith.constant 0 : i32
    return %c0_i32, %c0_i32_0 : i32, i32
  }
  func.func @transform_6(%arg0: i32) -> (i32, i32) {
    %c0_i32 = arith.constant 0 : i32
    %c0_i32_0 = arith.constant 0 : i32
    return %arg0, %c0_i32 : i32, i32
  }
}

module attributes {stable_mosaic.version = 14 : i64} {
  func.func @_tc_layer_pool_body(%arg0: i32, %arg1: memref<2x2000x128xf32, #tpu.memory_space<vmem>>, %arg2: memref<2000x128xf32, #tpu.memory_space<vmem>>, %arg3: memref<128x128xf32, #tpu.memory_space<vmem>>, %arg4: memref<1x128xf32, #tpu.memory_space<vmem>>, %arg5: memref<1x128xf32, #tpu.memory_space<vmem>>, %arg6: memref<1x128xf32, #tpu.memory_space<vmem>>, %arg7: memref<1x1x2000xi32, #tpu.memory_space<vmem>>, %arg8: memref<128x1xf32, #tpu.memory_space<vmem>>, %arg9: memref<1x1xf32, #tpu.memory_space<vmem>>, %arg10: memref<64x1xf32, #tpu.memory_space<vmem>>, %arg11: memref<64x128xf32, #tpu.memory_space<vmem>>, %arg12: memref<64x1xf32, #tpu.memory_space<vmem>>) attributes {dimension_semantics = [#tpu.dimension_semantics<arbitrary>], iteration_bounds = array<i64: 5>, scalar_prefetch = 0 : i64, scratch_operands = 2 : i64, tpu.core_type = #tpu.core_type<tc>, window_params = [{transform_indices = @transform_0, window_bounds = array<i64: 2, 2000, 128>}, {transform_indices = @transform_1, window_bounds = array<i64: 2000, 128>}, {pipeline_mode = #tpu.pipeline_mode<synchronous>, transform_indices = @transform_2, window_bounds = array<i64: 128, 128>}, {pipeline_mode = #tpu.pipeline_mode<synchronous>, transform_indices = @transform_3, window_bounds = array<i64: 1, 128>}, {pipeline_mode = #tpu.pipeline_mode<synchronous>, transform_indices = @transform_4, window_bounds = array<i64: 1, 128>}, {pipeline_mode = #tpu.pipeline_mode<synchronous>, transform_indices = @transform_5, window_bounds = array<i64: 1, 128>}, {transform_indices = @transform_6, window_bounds = array<i64: 1, 1, 2000>}, {pipeline_mode = #tpu.pipeline_mode<synchronous>, transform_indices = @transform_7, window_bounds = array<i64: 128, 1>}, {pipeline_mode = #tpu.pipeline_mode<synchronous>, transform_indices = @transform_8, window_bounds = array<i64: 1, 1>}, {pipeline_mode = #tpu.pipeline_mode<synchronous>, transform_indices = @transform_9, window_bounds = array<i64: 64, 1>}]} {
    %get3A = arith.constant 0 : index
    %get3A_0 = arith.constant 0 : index
    %get3A_1 = arith.constant 0 : index
    %get3A_2 = vector.load %arg1[%get3A, %get3A_0, %get3A_1] : memref<2x2000x128xf32, #tpu.memory_space<vmem>>, vector<1x2000x128xf32>
    %get3A_3 = vector.shape_cast %get3A_2 : vector<1x2000x128xf32> to vector<2000x128xf32>
    %get3A_4 = arith.constant 1 : index
    %get3A_5 = arith.constant 0 : index
    %get3A_6 = arith.constant 0 : index
    %get3A_7 = vector.load %arg1[%get3A_4, %get3A_5, %get3A_6] : memref<2x2000x128xf32, #tpu.memory_space<vmem>>, vector<1x2000x128xf32>
    %get3A_8 = vector.shape_cast %get3A_7 : vector<1x2000x128xf32> to vector<2000x128xf32>
    %add3A = arith.addf %get3A_3, %get3A_8 : vector<2000x128xf32>
    %get3A_9 = arith.constant 0 : index
    %get3A_10 = arith.constant 0 : index
    %get3A_11 = vector.load %arg2[%get3A_9, %get3A_10] : memref<2000x128xf32, #tpu.memory_space<vmem>>, vector<2000x128xf32>
    %add3A_12 = arith.addf %add3A, %get3A_11 : vector<2000x128xf32>
    %get3A_13 = arith.constant 0 : index
    %get3A_14 = arith.constant 0 : index
    %get3A_15 = vector.load %arg3[%get3A_13, %get3A_14] : memref<128x128xf32, #tpu.memory_space<vmem>>, vector<128x128xf32>
    %dot_general3A = arith.constant dense<0.000000e+00> : vector<2000x128xf32>
    %dot_general3A_16 = tpu.matmul %add3A_12, %get3A_15, %dot_general3A {dimension_numbers = #tpu.dot_dimension_numbers<[1], [0], [0], [1], [0, 0, 1, 1], [], []>, transpose_lhs_hint = false} : vector<2000x128xf32>, vector<128x128xf32>, vector<2000x128xf32> -> vector<2000x128xf32>
    %get3A_17 = arith.constant 0 : index
    %get3A_18 = arith.constant 0 : index
    %get3A_19 = vector.load %arg4[%get3A_17, %get3A_18] : memref<1x128xf32, #tpu.memory_space<vmem>>, vector<1x128xf32>
    %add3A_20 = vector.broadcast %get3A_19 : vector<1x128xf32> to vector<2000x128xf32>
    %add3A_21 = arith.addf %dot_general3A_16, %add3A_20 : vector<2000x128xf32>
    %reduce_sum3A = arith.constant dense<0.000000e+00> : vector<2000xf32>
    %reduce_sum3A_22 = vector.multi_reduction <add>, %add3A_21, %reduce_sum3A [1] : vector<2000x128xf32> to vector<2000xf32>
    %broadcast_in_dim3A = vector.shape_cast %reduce_sum3A_22 : vector<2000xf32> to vector<2000x1xf32>
    %div3A = arith.constant 1.280000e+02 : f32
    %div3A_23 = vector.broadcast %div3A : f32 to vector<2000x1xf32>
    %div3A_24 = arith.divf %broadcast_in_dim3A, %div3A_23 : vector<2000x1xf32>
    %sub3A = vector.broadcast %div3A_24 : vector<2000x1xf32> to vector<2000x128xf32>
    %sub3A_25 = arith.subf %add3A_21, %sub3A : vector<2000x128xf32>
    %integer_pow3A = arith.mulf %sub3A_25, %sub3A_25 : vector<2000x128xf32>
    %reduce_sum3A_26 = arith.constant dense<0.000000e+00> : vector<2000xf32>
    %reduce_sum3A_27 = vector.multi_reduction <add>, %integer_pow3A, %reduce_sum3A_26 [1] : vector<2000x128xf32> to vector<2000xf32>
    %broadcast_in_dim3A_28 = vector.shape_cast %reduce_sum3A_27 : vector<2000xf32> to vector<2000x1xf32>
    %div3A_29 = arith.constant 1.280000e+02 : f32
    %div3A_30 = vector.broadcast %div3A_29 : f32 to vector<2000x1xf32>
    %div3A_31 = arith.divf %broadcast_in_dim3A_28, %div3A_30 : vector<2000x1xf32>
    %sub3A_32 = vector.broadcast %div3A_24 : vector<2000x1xf32> to vector<2000x128xf32>
    %sub3A_33 = arith.subf %add3A_21, %sub3A_32 : vector<2000x128xf32>
    %add3A_34 = arith.constant 9.99999974E-6 : f32
    %add3A_35 = vector.broadcast %add3A_34 : f32 to vector<2000x1xf32>
    %add3A_36 = arith.addf %div3A_31, %add3A_35 : vector<2000x1xf32>
    %sqrt3A = math.sqrt %add3A_36 : vector<2000x1xf32>
    %div3A_37 = vector.broadcast %sqrt3A : vector<2000x1xf32> to vector<2000x128xf32>
    %div3A_38 = arith.divf %sub3A_33, %div3A_37 : vector<2000x128xf32>
    %get3A_39 = arith.constant 0 : index
    %get3A_40 = arith.constant 0 : index
    %get3A_41 = vector.load %arg5[%get3A_39, %get3A_40] : memref<1x128xf32, #tpu.memory_space<vmem>>, vector<1x128xf32>
    %mul3A = vector.broadcast %get3A_41 : vector<1x128xf32> to vector<2000x128xf32>
    %mul3A_42 = arith.mulf %div3A_38, %mul3A : vector<2000x128xf32>
    %get3A_43 = arith.constant 0 : index
    %get3A_44 = arith.constant 0 : index
    %get3A_45 = vector.load %arg6[%get3A_43, %get3A_44] : memref<1x128xf32, #tpu.memory_space<vmem>>, vector<1x128xf32>
    %add3A_46 = vector.broadcast %get3A_45 : vector<1x128xf32> to vector<2000x128xf32>
    %add3A_47 = arith.addf %mul3A_42, %add3A_46 : vector<2000x128xf32>
    %max3A = arith.constant 0.000000e+00 : f32
    %max3A_48 = vector.broadcast %max3A : f32 to vector<2000x128xf32>
    %max3A_49 = arith.maximumf %add3A_47, %max3A_48 : vector<2000x128xf32>
    %iota3A = tpu.iota {dimensions = array<i32: 0>} : vector<64x2000xi32>
    %get3A_50 = arith.constant 0 : index
    %get3A_51 = arith.constant 0 : index
    %get3A_52 = arith.constant 0 : index
    %get3A_53 = vector.load %arg7[%get3A_50, %get3A_51, %get3A_52] : memref<1x1x2000xi32, #tpu.memory_space<vmem>>, vector<1x1x2000xi32>
    %get3A_54 = vector.shape_cast %get3A_53 : vector<1x1x2000xi32> to vector<1x2000xi32>
    %eq3A = vector.broadcast %get3A_54 : vector<1x2000xi32> to vector<64x2000xi32>
    %eq3A_55 = arith.cmpi eq, %eq3A, %iota3A : vector<64x2000xi32>
    %convert_element_type3A = arith.extui %eq3A_55 : vector<64x2000xi1> to vector<64x2000xi32>
    %convert_element_type3A_56 = arith.sitofp %convert_element_type3A : vector<64x2000xi32> to vector<64x2000xf32>
    %dot_general3A_57 = arith.constant dense<0.000000e+00> : vector<64x128xf32>
    %dot_general3A_58 = tpu.matmul %convert_element_type3A_56, %max3A_49, %dot_general3A_57 {dimension_numbers = #tpu.dot_dimension_numbers<[1], [0], [0], [1], [0, 0, 1, 1], [], []>, transpose_lhs_hint = false} : vector<64x2000xf32>, vector<2000x128xf32>, vector<64x128xf32> -> vector<64x128xf32>
    %reduce_sum3A_59 = arith.constant dense<0.000000e+00> : vector<64xf32>
    %reduce_sum3A_60 = vector.multi_reduction <add>, %convert_element_type3A_56, %reduce_sum3A_59 [1] : vector<64x2000xf32> to vector<64xf32>
    %broadcast_in_dim3A_61 = vector.shape_cast %reduce_sum3A_60 : vector<64xf32> to vector<64x1xf32>
    %eq3A_62 = arith.constant 0 : i32
    %eq3A_63 = arith.cmpi eq, %arg0, %eq3A_62 : i32
    %convert_element_type3A_64 = arith.extui %eq3A_63 : i1 to i32
    %cond3A = arith.constant 0 : i32
    %cond3A_65 = arith.cmpi ne, %convert_element_type3A_64, %cond3A : i32
    scf.if %cond3A_65 {
      %swap3A = arith.constant 0 : index
      %swap3A_75 = arith.constant 0 : index
      %swap3A_76 = vector.load %arg11[%swap3A, %swap3A_75] : memref<64x128xf32, #tpu.memory_space<vmem>>, vector<64x128xf32>
      tpu.vector_store %arg11[%swap3A, %swap3A_75], %dot_general3A_58 {strides = array<i32>} : memref<64x128xf32, #tpu.memory_space<vmem>>, vector<64x128xf32>,
      %swap3A_77 = arith.constant 0 : index
      %swap3A_78 = arith.constant 0 : index
      %swap3A_79 = vector.load %arg12[%swap3A_77, %swap3A_78] : memref<64x1xf32, #tpu.memory_space<vmem>>, vector<64x1xf32>
      tpu.vector_store %arg12[%swap3A_77, %swap3A_78], %broadcast_in_dim3A_61 {strides = array<i32>} : memref<64x1xf32, #tpu.memory_space<vmem>>, vector<64x1xf32>,
    } else {
    }
    %gt3A = arith.constant 0 : i32
    %gt3A_66 = arith.cmpi sgt, %arg0, %gt3A : i32
    %convert_element_type3A_67 = arith.extui %gt3A_66 : i1 to i32
    %cond3A_68 = arith.constant 0 : i32
    %cond3A_69 = arith.cmpi ne, %convert_element_type3A_67, %cond3A_68 : i32
    scf.if %cond3A_69 {
      %get3A_75 = arith.constant 0 : index
      %get3A_76 = arith.constant 0 : index
      %get3A_77 = vector.load %arg11[%get3A_75, %get3A_76] : memref<64x128xf32, #tpu.memory_space<vmem>>, vector<64x128xf32>
      %add3A_78 = arith.addf %get3A_77, %dot_general3A_58 : vector<64x128xf32>
      %swap3A = arith.constant 0 : index
      %swap3A_79 = arith.constant 0 : index
      %swap3A_80 = vector.load %arg11[%swap3A, %swap3A_79] : memref<64x128xf32, #tpu.memory_space<vmem>>, vector<64x128xf32>
      tpu.vector_store %arg11[%swap3A, %swap3A_79], %add3A_78 {strides = array<i32>} : memref<64x128xf32, #tpu.memory_space<vmem>>, vector<64x128xf32>,
      %get3A_81 = arith.constant 0 : index
      %get3A_82 = arith.constant 0 : index
      %get3A_83 = vector.load %arg12[%get3A_81, %get3A_82] : memref<64x1xf32, #tpu.memory_space<vmem>>, vector<64x1xf32>
      %add3A_84 = arith.addf %get3A_83, %broadcast_in_dim3A_61 : vector<64x1xf32>
      %swap3A_85 = arith.constant 0 : index
      %swap3A_86 = arith.constant 0 : index
      %swap3A_87 = vector.load %arg12[%swap3A_85, %swap3A_86] : memref<64x1xf32, #tpu.memory_space<vmem>>, vector<64x1xf32>
      tpu.vector_store %arg12[%swap3A_85, %swap3A_86], %add3A_84 {strides = array<i32>} : memref<64x1xf32, #tpu.memory_space<vmem>>, vector<64x1xf32>,
    } else {
    }
    %eq3A_70 = arith.constant 4 : i32
    %eq3A_71 = arith.cmpi eq, %arg0, %eq3A_70 : i32
    %convert_element_type3A_72 = arith.extui %eq3A_71 : i1 to i32
    %cond3A_73 = arith.constant 0 : i32
    %cond3A_74 = arith.cmpi ne, %convert_element_type3A_72, %cond3A_73 : i32
    scf.if %cond3A_74 {
      %get3A_75 = arith.constant 0 : index
      %get3A_76 = arith.constant 0 : index
      %get3A_77 = vector.load %arg11[%get3A_75, %get3A_76] : memref<64x128xf32, #tpu.memory_space<vmem>>, vector<64x128xf32>
      %get3A_78 = arith.constant 0 : index
      %get3A_79 = arith.constant 0 : index
      %get3A_80 = vector.load %arg12[%get3A_78, %get3A_79] : memref<64x1xf32, #tpu.memory_space<vmem>>, vector<64x1xf32>
      %max3A_81 = arith.constant 1.000000e+00 : f32
      %max3A_82 = vector.broadcast %max3A_81 : f32 to vector<64x1xf32>
      %max3A_83 = arith.maximumf %get3A_80, %max3A_82 : vector<64x1xf32>
      %div3A_84 = vector.broadcast %max3A_83 : vector<64x1xf32> to vector<64x128xf32>
      %div3A_85 = arith.divf %get3A_77, %div3A_84 : vector<64x128xf32>
      %get3A_86 = arith.constant 0 : index
      %get3A_87 = arith.constant 0 : index
      %get3A_88 = vector.load %arg8[%get3A_86, %get3A_87] : memref<128x1xf32, #tpu.memory_space<vmem>>, vector<128x1xf32>
      %dot_general3A_89 = arith.constant dense<0.000000e+00> : vector<64x1xf32>
      %dot_general3A_90 = tpu.matmul %div3A_85, %get3A_88, %dot_general3A_89 {dimension_numbers = #tpu.dot_dimension_numbers<[1], [0], [0], [1], [0, 0, 1, 1], [], []>, transpose_lhs_hint = false} : vector<64x128xf32>, vector<128x1xf32>, vector<64x1xf32> -> vector<64x1xf32>
      %get3A_91 = arith.constant 0 : index
      %get3A_92 = arith.constant 0 : index
      %get3A_93 = vector.load %arg9[%get3A_91, %get3A_92] : memref<1x1xf32, #tpu.memory_space<vmem>>, vector<1x1xf32>
      %add3A_94 = vector.broadcast %get3A_93 : vector<1x1xf32> to vector<64x1xf32>
      %add3A_95 = arith.addf %dot_general3A_90, %add3A_94 : vector<64x1xf32>
      %swap3A = arith.constant 0 : index
      %swap3A_96 = arith.constant 0 : index
      %swap3A_97 = vector.load %arg10[%swap3A, %swap3A_96] : memref<64x1xf32, #tpu.memory_space<vmem>>, vector<64x1xf32>
      tpu.vector_store %arg10[%swap3A, %swap3A_96], %add3A_95 {strides = array<i32>} : memref<64x1xf32, #tpu.memory_space<vmem>>, vector<64x1xf32>,
    } else {
    }
    return
  }
  func.func @transform_0(%arg0: i32) -> (i32, i32, i32) {
    %c0_i32 = arith.constant 0 : i32
    %c0_i32_0 = arith.constant 0 : i32
    %c0_i32_1 = arith.constant 0 : i32
    return %c0_i32, %arg0, %c0_i32_0 : i32, i32, i32
  }
  func.func @transform_1(%arg0: i32) -> (i32, i32) {
    %c0_i32 = arith.constant 0 : i32
    %c0_i32_0 = arith.constant 0 : i32
    return %arg0, %c0_i32 : i32, i32
  }
  func.func @transform_2(%arg0: i32) -> (i32, i32) {
    %c0_i32 = arith.constant 0 : i32
    %c0_i32_0 = arith.constant 0 : i32
    %c0_i32_1 = arith.constant 0 : i32
    return %c0_i32, %c0_i32_0 : i32, i32
  }
  func.func @transform_3(%arg0: i32) -> (i32, i32) {
    %c0_i32 = arith.constant 0 : i32
    %c0_i32_0 = arith.constant 0 : i32
    %c0_i32_1 = arith.constant 0 : i32
    return %c0_i32, %c0_i32_0 : i32, i32
  }
  func.func @transform_4(%arg0: i32) -> (i32, i32) {
    %c0_i32 = arith.constant 0 : i32
    %c0_i32_0 = arith.constant 0 : i32
    %c0_i32_1 = arith.constant 0 : i32
    return %c0_i32, %c0_i32_0 : i32, i32
  }
  func.func @transform_5(%arg0: i32) -> (i32, i32) {
    %c0_i32 = arith.constant 0 : i32
    %c0_i32_0 = arith.constant 0 : i32
    %c0_i32_1 = arith.constant 0 : i32
    return %c0_i32, %c0_i32_0 : i32, i32
  }
  func.func @transform_6(%arg0: i32) -> (i32, i32, i32) {
    %c0_i32 = arith.constant 0 : i32
    %c0_i32_0 = arith.constant 0 : i32
    %c0_i32_1 = arith.constant 0 : i32
    return %arg0, %c0_i32, %c0_i32_0 : i32, i32, i32
  }
  func.func @transform_7(%arg0: i32) -> (i32, i32) {
    %c0_i32 = arith.constant 0 : i32
    %c0_i32_0 = arith.constant 0 : i32
    %c0_i32_1 = arith.constant 0 : i32
    return %c0_i32, %c0_i32_0 : i32, i32
  }
  func.func @transform_8(%arg0: i32) -> (i32, i32) {
    %c0_i32 = arith.constant 0 : i32
    %c0_i32_0 = arith.constant 0 : i32
    %c0_i32_1 = arith.constant 0 : i32
    return %c0_i32, %c0_i32_0 : i32, i32
  }
  func.func @transform_9(%arg0: i32) -> (i32, i32) {
    %c0_i32 = arith.constant 0 : i32
    %c0_i32_0 = arith.constant 0 : i32
    %c0_i32_1 = arith.constant 0 : i32
    return %c0_i32, %c0_i32_0 : i32, i32
  }
}

</mosaic_0001>

<sc_bundles>
// kernel: kernel.10.cloned.1.call-start
scs
__scs_entry_jumppad:
0x0: {  	(pc) =	sbr.rel $0x88, $3  }
0x1: {  	(tag) =	ssettag $0x0;
	lr =	simm.s32 $0x1  }
0x2: {  	[smem:$0x3F92] =	sst lr;
	_ =	strace $0xD0000000  }
0x3: {  	_ = 	snop  }
0x4: {  	_ = 	snop  }
0x5: {  	_ = 	snop  }
0x6: {  	_ = 	snop  }
0x7: {  	_ = 	snop  }
__scs_overlays_trampoline_lowered:
0x8: {  	[smem:$0x3FA1] =	sst s0  }
0x9: {  	[smem:$0x3FA2] =	sst s1  }
0xa: {  	[smem:$0x3FA3] =	sst s2  }
0xb: {  	[smem:$0x3FA4] =	sst s3  }
0xc: {  	[smem:$0x3FA5] =	sst s4  }
0xd: {  	[smem:$0x3FA6] =	sst s5  }
0xe: {  	[smem:$0x3FA7] =	sst s6  }
0xf: {  	[smem:$0x3FA8] =	sst s7  }
0x10: {  	[smem:$0x3FA9] =	sst s8  }
0x11: {  	[smem:$0x3FAA] =	sst s9;
	s0 =	simm.s32 @!p0 $0x0  }
0x12: {  	s1 =	sld [smem:$0x3F90];
	s0 =	simm.s32 @p0 $0x1  }
0x13: {  	[smem:$0x3FAB] =	sst s0;
	s0 =	simm.s32 @!p1 $0x0  }
0x14: {  	s2 =	sld [smem:$0x3F8F];
	s0 =	simm.s32 @p1 $0x1  }
0x15: {  	[smem:$0x3FAC] =	sst s0;
	s0 =	simm.s32 @!p2 $0x0  }
0x16: {  	s3 =	sld [smem:$0x3FDB];
	s0 =	simm.s32 @p2 $0x1  }
0x17: {  	s4 =	simm.s32 $0x1BF5;
	[smem:$0x3FAE] =	sst s0  }
0x18: {  	s0 =	sld [smem:$0x3F91];
	_ =	swait.ge [sflag:s4], $0x0  }
0x19: {  	s7 =	sld [smem:$0x3F92]  }
0x1a: {  	s8 =	sadd.s32 $0xFFFFE003, lr  }
0x1b: {  	s9 =	sadd.s32 $0xFFFFFEF7, lr;
	s5 =	simm.s32 $0xFFFFFFFF;
	p2 =	slt.u32 s8, $0xFFFFF086  }
0x1c: {  	p1 =	slt.u32 s9, $0xF7A;
	s5 =	simm.s32 @!p2 $0x0  }
0x1d: {  	s5 =	simm.s32 @p1 $0x1;
	p0 =	seq.s32 s7, s2  }
0x1e: {  	s7 =	smul.u32 @!p0 $0xF7A, s2;
	p2 =	seq.s32 @!p0 s5, $0x0  }
0x1f: {  	s9 =	smul.u32 $0xF7A, s1;
	s8 =	simm.s32 @!p0 $0x1BF5;
	p2 =	por !p2, p0  }
0x20: {  	[sflag:s8] =	ssyncset.s32 @!p0 $0xFFFFF086;
	s6 =	sadd.s32 @!p0 s3, s7;
	s7 =	simm.s32 @!p0 $0x108  }
0x21: {  	s3 =	sadd.s32 s3, s9;
	s6 =	sadd.s32 @!p0 $0x88, s6;
	s7 =	simm.s32 @p2 $0x1082  }
0x22: {  	[simem:s7], [sflag:s8] =	dma.local @!p0 [hbm:s6], $0xF7A  }
0x23: {  	s9 =	sor.u32 $0xD0000000, s2;
	s6 =	simm.s32 $0x108;
	_ =	swait.ge @!p0 [sflag:s8], $0x0  }
0x24: {  	s3 =	sadd.s32 $0x88, s3;
	s6 =	simm.s32 @!p1 $0x1082;
	[sflag:s4] =	ssyncset.s32 $0xFFFFF086  }
0x25: {  	[simem:s6], [sflag:s4] =	dma.local [hbm:s3], $0xF7A  }
0x26: {  	[smem:$0x3F92] =	sst s1;
	(tag) =	ssettag s2;
	_ =	strace s9  }
0x27: {  	s1 =	sld [smem:$0x3FA2]  }
0x28: {  	s2 =	sld [smem:$0x3FA3]  }
0x29: {  	s4 =	sld [smem:$0x3FA5]  }
0x2a: {  	p0 =	seq.s32 s5, $0x0;
	s5 =	sld [smem:$0x3FA6]  }
0x2b: {  	s6 =	sld [smem:$0x3FA7]  }
0x2c: {  	s7 =	sld [smem:$0x3FA8]  }
0x2d: {  	s3 =	simm.s32 $0x108;
	s8 =	sld [smem:$0x3FA9]  }
0x2e: {  	s3 =	simm.s32 @!p0 $0x1082;
	s9 =	sld [smem:$0x3FAA]  }
0x2f: {  	lr =	sadd.s32 s0, s3;
	s0 =	sld [smem:$0x3FA1]  }
0x30: {  	s3 =	sld [smem:$0x3FA4]  }
0x31: {  	[smem:$0x3FAD] =	sst s10  }
0x32: {  	s10 =	sld [smem:$0x3FAB];
	_ =	sdelay $0x3  }
0x33: {  	p0 =	seq.s32 s10, $0x1;
	s10 =	sld [smem:$0x3FAD];
	_ =	sdelay $0x3  }
0x34: {  	[smem:$0x3FAD] =	sst s10  }
0x35: {  	s10 =	sld [smem:$0x3FAC];
	_ =	sdelay $0x3  }
0x36: {  	p1 =	seq.s32 s10, $0x1;
	s10 =	sld [smem:$0x3FAD];
	_ =	sdelay $0x3  }
0x37: {  	[smem:$0x3FAD] =	sst s10  }
0x38: {  	s10 =	sld [smem:$0x3FAE]  }
0x39: {  	_ = 	snop;
	(pc) =	sbr.ind lr, $3  }
0x3a: {  	_ = 	snop  }
0x3b: {  	_ = 	snop  }
0x3c: {  	p2 =	seq.s32 s10, $0x1;
	s10 =	sld [smem:$0x3FAD]  }
0x3d: {  	_ =	shalt  }
0x3e: {  	_ =	shalt  }
0x3f: {  	_ =	shalt  }
0x40: {  	_ =	shalt  }
0x41: {  	_ =	shalt  }
0x42: {  	_ =	shalt  }
0x43: {  	_ =	shalt  }
0x44: {  	_ =	shalt  }
0x45: {  	_ =	shalt  }
0x46: {  	_ =	shalt  }
0x47: {  	_ =	shalt  }
0x48: {  	_ =	shalt  }
0x49: {  	_ =	shalt  }
0x4a: {  	_ =	shalt  }
0x4b: {  	_ =	shalt  }
0x4c: {  	_ =	shalt  }
0x4d: {  	_ =	shalt  }
0x4e: {  	_ =	shalt  }
0x4f: {  	_ =	shalt  }
0x50: {  	_ =	shalt  }
0x51: {  	_ =	shalt  }
0x52: {  	_ =	shalt  }
0x53: {  	_ =	shalt  }
0x54: {  	_ =	shalt  }
0x55: {  	_ =	shalt  }
0x56: {  	_ =	shalt  }
0x57: {  	_ =	shalt  }
0x58: {  	_ =	shalt  }
0x59: {  	_ =	shalt  }
0x5a: {  	_ =	shalt  }
0x5b: {  	_ =	shalt  }
0x5c: {  	_ =	shalt  }
0x5d: {  	_ =	shalt  }
0x5e: {  	_ =	shalt  }
0x5f: {  	_ =	shalt  }
0x60: {  	_ =	shalt  }
0x61: {  	_ =	shalt  }
0x62: {  	_ =	shalt  }
0x63: {  	_ =	shalt  }
0x64: {  	_ =	shalt  }
0x65: {  	_ =	shalt  }
0x66: {  	_ =	shalt  }
0x67: {  	_ =	shalt  }
0x68: {  	_ =	shalt  }
0x69: {  	_ =	shalt  }
0x6a: {  	_ =	shalt  }
0x6b: {  	_ =	shalt  }
0x6c: {  	_ =	shalt  }
0x6d: {  	_ =	shalt  }
0x6e: {  	_ =	shalt  }
0x6f: {  	_ =	shalt  }
0x70: {  	_ =	shalt  }
0x71: {  	_ =	shalt  }
0x72: {  	_ =	shalt  }
0x73: {  	_ =	shalt  }
0x74: {  	_ =	shalt  }
0x75: {  	_ =	shalt  }
0x76: {  	_ =	shalt  }
0x77: {  	_ =	shalt  }
0x78: {  	_ =	shalt  }
0x79: {  	_ =	shalt  }
0x7a: {  	_ =	shalt  }
0x7b: {  	_ =	shalt  }
0x7c: {  	_ =	shalt  }
0x7d: {  	_ =	shalt  }
0x7e: {  	_ =	shalt  }
0x7f: {  	_ =	shalt  }
0x80: {  	_ =	shalt  }
0x81: {  	_ =	shalt  }
0x82: {  	_ =	shalt  }
0x83: {  	_ =	shalt  }
0x84: {  	_ =	shalt  }
0x85: {  	_ =	shalt  }
0x86: {  	_ =	shalt  }
0x87: {  	_ =	shalt  }
.Lfunc_end0:
.L_simem_size_0:
called_computation.1_lowered:
.L_overlay_start_0:
0x88: {  	s2 =	sld [smem:$0x3FD9]  }
0x89: {  	s3 =	sld [smem:$0x3FFE];
	_ =	sdelay $0x1  }
0x8a: {  	s1 =	srdreg.scid  }
0x8b: {  	s0 =	sand.u32 $0x1, s1  }
0x8c: {  	s16 =	sshll.u32 s0, $0xA;
	s2 =	sadd.s32 s3, s2  }
0x8d: {  	s2 =	sadd.s32 s2, s16  }
0x8e: {  	[smem:$0x3FB9] =	sst s2  }
0x8f: {  	_ = 	snop  }
0x90: {  	(tm) =	ssettm $0x1  }
0x91: {  	s17 =	sld [smem:$0x3FFB];
	_ =	sdelay $0x3  }
0x92: {  	_ =	strace s17  }
0x93: {  	s2 =	sld [smem:$0x3FFC];
	_ =	sdelay $0x3  }
0x94: {  	_ =	strace s2  }
0x95: {  	s2 =	sld [smem:$0x3FFD];
	_ =	sdelay $0x3  }
0x96: {  	_ =	strace s2  }
0x97: {  	_ =	strace $0x8FFFFFFF  }
0x98: {  	s18 =	sld [smem:$0x3FDB];
	_ =	sdelay $0x1  }
0x99: {  	s19 =	simm.s32 $_scs_section_size  }
0x9a: {  	s4 =	simm.s32 $_size__tile_overlayer_lowered;
	s5 =	simm.s32 $_tile_overlayer_lowered  }
0x9b: {  	s22 =	simm.s32 $0x1BFF;
	s21 =	sshll.u32 s5, $0x1;
	s2 =	sadd.s32 s19, s18  }
0x9c: {  	s6 =	simm.s32 $0x0;
	s20 =	sshll.u32 s4, $0x1;
	s4 =	sadd.s32 s21, s2  }
0x9d: {  	[timem:s6], [sflag:s22] =	dma.local [hbm:s4], s20  }
0x9e: {  	_ =	swait.ge [sflag:s22], s20  }
0x9f: {  	s3 =	ssub.s32 $0x0, s20;
	[sflag:s22] =	ssyncset.done $0x0  }
0xa0: {  	[sflag:s22] =	ssyncadd.s32 s3;
	_ =	sdelay $0x1  }
0xa1: {  	s23 =	simm.s32 $0x1B8B  }
0xa2: {  	_ =	swait.ge [sflag:s23], $0x1  }
0xa3: {  	[sflag:s23] =	ssyncset.done $0x0  }
0xa4: {  	s25 =	simm.s32 $0x1B8E;
	s24 =	sld [smem:$0x3FFE];
	[sflag:s23] =	ssyncadd.s32 $0xFFFFFFFF  }
0xa5: {  	s26 =	simm.s32 $execute0_lowered;
	[smem:$0x3FD2] =	sst s25  }
0xa6: {  	s4 =	sshll.u32 s26, $0x1;
	_ =	strace $0x80000049;
	[dreg:$0x1] =	wrdreg $0xFFFFFFFF  }
0xa7: {  	s28 =	simm.s32 $_size_execute0_lowered;
	s2 =	sadd.s32 s2, s4;
	[dreg:$0x0] =	wrdreg $0x0  }
0xa8: {  	s4 =	sshll.u32 s28, $0x1;
	[dreg:$0x2] =	wrdreg s2  }
0xa9: {  	[dreg:$0x3] =	wrdreg s4  }
0xaa: {  	[dreg:$0x4] =	wrdreg $0xC0  }
0xab: {  	_ =	task [dreg:s6], $0x5FFFF  }
0xac: {  	[dreg:$0x1] =	wrdreg $0xFFFFFFFF  }
0xad: {  	[dreg:$0x0] =	wrdreg $0x60  }
0xae: {  	[dreg:$0x2] =	wrdreg s24  }
0xaf: {  	[dreg:$0x3] =	wrdreg $0xBA000  }
0xb0: {  	[dreg:$0x4] =	wrdreg $0x9  }
0xb1: {  	_ =	task.clear_ibuf [dreg:s6], $0x5FFFF;
	_ =	strace $0x90000049  }
0xb2: {  	s29 =	simm.s32 $0x9;
	_ =	strace $0x8000004B  }
0xb3: {  	_ =	swait.ge [sflag:s29], $0x1  }
0xb4: {  	[sflag:s29] =	ssyncadd.s32 $0xFFFFFFFF  }
0xb5: {  	_ =	strace $0x9000004B  }
0xb6: {  	_ =	sfence  }
0xb7: {  	s30 =	sld [smem:$0x0];
	_ =	sdelay $0x2  }
0xb8: {  	s31 =	sshll.u32 s1, $0xD;
	s1 =	sshrl.u32 s1, $0x2  }
0xb9: {  	s3 =	sand.u32 $0x4000, s31;
	s1 =	sadd.s32 s1, s30  }
0xba: {  	s0 =	sor.u32 s3, s0;
	s1 =	sshll.u32 s1, $0x11  }
0xbb: {  	s0 =	sor.u32 s1, s0  }
0xbc: {  	s0 =	sadd.s32 $0x8F2B, s0  }
0xbd: {  	[sflag:s0] =	ssyncadd.remote.s32 $0x1  }
0xbe: {  	_ =	sfence.sel $0xFFFF  }
0xbf: {  	[dreg:$0x0] =	wrdreg $0xFFFFFFFF;
	(pc) =	sbr.abs _section_cstart, $3  }
0xc0: {  	[dreg:$0x1] =	wrdreg $0xFFFFFFFF  }
0xc1: {  	_ =	task.clear_ibuf [dreg:s6], $0x2FFFF;
	_ =	strace $0x9FFFFFFF  }
0xc2: {  	(tm) =	ssettm $0x7FFFFFFF  }
0xc3: {  	_ =	shalt  }
tec
execute0_lowered:
.L_overlay_start_1:
0x0: {  	(tag) =	ssettag $0x1  }
0x1: {  	s0 =	rddreg [dreg:$0x0]  }
0x2: {  	s1 =	rddreg [dreg:$0x1];
	s2 =	srdreg.scid;
	s3 =	simm.s32 $0x0  }
0x3: {  	s11 =	stileid.u32;
	s29 =	simm.s32 $0xB400;
	s30 =	simm.s32 $0xB800  }
0x4: {  	s31 =	simm.s32 $0x7;
	s2 =	sand.u32 $0x1, s2;
	s6 =	smul.u32 $0x13C00, s11  }
0x5: {  	[smem:$0x7FF] =	sst s3;
	s4 =	sadd.s32 $0x18400, s0;
	s9 =	smul.u32 $0x4F000, s11  }
0x6: {  	s7 =	sadd.s32 $0x3400, s0;
	s8 =	sadd.s32 $0xDC00, s0;
	s19 =	smul.u32 $0xA8, s11  }
0x7: {  	s17 =	sshll.u32 s11, $0x1;
	s5 =	smul.u32 $0x13C000, s2;
	s18 =	ssub.s32 $0x2, s2  }
0x8: {  	_ =	strace $0x8000004A;
	s10 =	sshrl.u32 s18, $0x1;
	s9 =	sshrl.u32 s9, $0x2  }
0x9: {  	s5 =	sadd.s32 s6, s5;
	s6 =	sor.u32 s2, s17;
	s24 =	sadd.s32 s9, s1  }
0xa: {  	s2 =	smul.u32 $0x54, s2;
	s20 =	sadd.s32 $0x3C00, s24;
	[dreg:$0x9] =	wrdreg s24  }
0xb: {  	s9 =	simm.s32 $0x1;
	s21 =	sadd.s32 $0x7800, s24;
	[dreg:$0xa] =	wrdreg s20  }
0xc: {  	s5 =	sshrl.u32 s5, $0x3;
	s22 =	sadd.s32 $0xB400, s24;
	[dreg:$0xb] =	wrdreg s21  }
0xd: {  	s6 =	smul.u32 $0x540, s6;
	s23 =	sadd.s32 $0xF000, s24;
	[dreg:$0xc] =	wrdreg s22  }
0xe: {  	s25 =	sadd.s32 $0x12C00, s24;
	s0 =	sadd.s32 s5, s0;
	[dreg:$0xd] =	wrdreg s23  }
0xf: {  	s5 =	ssub.s32 s18, s10;
	[dreg:$0xe] =	wrdreg s25;
	s2 =	sadd.s32 s2, s19  }
0x10: {  	s10 =	simm.s32 $0xB880;
	s26 =	sadd.s32 s7, s6;
	s28 =	sor.u32 $0x10, s6  }
0x11: {  	s11 =	sadd.s32 s8, s6;
	s2 =	sshll.u32 s2, $0x4;
	s6 =	sor.u32 $0x20, s6  }
0x12: {  	s0 =	sadd.s32 $0x3F600, s0;
	s17 =	smax.u32 s5, $0x1;
	[dreg:$0xf] =	wrdreg s26  }
0x13: {  	[dreg:$0x10] =	wrdreg s11;
	s12 =	sadd.s32 s7, s28;
	s13 =	sadd.s32 s8, s28  }
0x14: {  	s14 =	sadd.s32 $0x80, s2;
	s15 =	sadd.s32 s7, s6;
	[dreg:$0x15] =	wrdreg s0  }
0x15: {  	s6 =	sadd.s32 s8, s6;
	[dreg:$0x16] =	wrdreg s17;
	s19 =	sadd.s32 $0x40, s2  }
0x16: {  	s21 =	sadd.s32 $0x60, s2;
	s25 =	sadd.s32 s2, s7;
	[dreg:$0x11] =	wrdreg s12  }
0x17: {  	s2 =	sadd.s32 s2, s8;
	s11 =	simm.s32 $0xB700;
	[dreg:$0x12] =	wrdreg s13  }
0x18: {  	s17 =	simm.s32 $0xB500;
	s0 =	simm.s32 $0x78;
	[dreg:$0x13] =	wrdreg s15  }
0x19: {  	[dreg:$0x14] =	wrdreg s6;
	s16 =	sadd.s32 s14, s7;
	s18 =	sadd.s32 s14, s8  }
0x1a: {  	s20 =	sadd.s32 s19, s7;
	s22 =	sadd.s32 s21, s7;
	s23 =	sadd.s32 s21, s8  }
0x1b: {  	s26 =	sadd.s32 $0x30, s25;
	s8 =	sadd.s32 s19, s8;
	[dreg:$0x3] =	wrdreg s16  }
0x1c: {  	s28 =	sadd.s32 $0x30, s2;
	s13 =	simm.s32 $0x4;
	[dreg:$0x4] =	wrdreg s18  }
0x1d: {  	s6 =	simm.s32 $0xB580;
	s7 =	simm.s32 $0x8;
	[dreg:$0x5] =	wrdreg s22  }
0x1e: {  	s19 =	simm.s32 $0x3C00;
	s12 =	simm.s32 $0x9;
	[dreg:$0x6] =	wrdreg s23  }
0x1f: {  	s14 =	simm.s32 $0x2;
	s15 =	simm.s32 $0xA;
	[dreg:$0x7] =	wrdreg s26  }
0x20: {  	s21 =	simm.s32 $0xC;
	[dreg:$0x8] =	wrdreg s28;
	s26 =	simm.s32 $0xB480  }
0x21: {  	v0 =	vimm.f32 $0.0e+00;
	s16 =	simm.s32 $0xB780;
	s18 =	simm.s32 $0xB;
	s22 =	simm.s32 $0x0  }
.LBB2_1:
0x22: {  	[dreg:$0x17] =	wrdreg s22;
	s22 =	simm.s32 $0x0;
	s23 =	simm.s32 $0x200  }
.LBB2_2:
0x23: {  	p0 =	sne.s32 s23, $0xEE00;
	[tilespmem:s22+$0x70] =	vst v0  }
0x24: {  	[tilespmem:s22+$0x0] =	vst v0  }
0x25: {  	[tilespmem:s22+$0x10] =	vst v0  }
.Ltmp0:
0x26: {  	[tilespmem:s22+$0x20] =	vst v0;
	(pc) =	sbr.rel @p0 .LBB2_2-.Ltmp0, $4  }
0x27: {  	[tilespmem:s22+$0x30] =	vst v0  }
0x28: {  	[tilespmem:s22+$0x40] =	vst v0  }
0x29: {  	[tilespmem:s22+$0x50] =	vst v0  }
0x2a: {  	[tilespmem:s22+$0x60] =	vst v0;
	s22 =	sshra.s32 s23, $0x2;
	s23 =	sadd.s32 $0x200, s23  }
0x2b: {  	[tilespmem:s22+$0x70] =	vst v0  }
0x2c: {  	[tilespmem:s22+$0x0] =	vst v0  }
0x2d: {  	[tilespmem:s22+$0x10] =	vst v0  }
0x2e: {  	[tilespmem:s22+$0x20] =	vst v0  }
0x2f: {  	[tilespmem:s22+$0x30] =	vst v0  }
0x30: {  	[tilespmem:s22+$0x40] =	vst v0  }
0x31: {  	[tilespmem:s22+$0x50] =	vst v0  }
0x32: {  	[tilespmem:s22+$0x60] =	vst v0;
	s22 =	simm.s32 $0x0  }
0x33: {  	[spmem:s24] =	stream.linear.scatter [tilespmem:s22], [sflag:$0x4], $0x3C00, $0x38;
	[tilespmem:$0x1F600] =	vst v63  }
0x34: {  	s2 =	rddreg [dreg:$0xa]  }
0x35: {  	[spmem:s2] =	stream.linear.scatter [tilespmem:s22], [sflag:$0x4], $0x3C00, $0x38;
	[tilespmem:$0x1F600] =	vst v63  }
0x36: {  	s5 =	rddreg [dreg:$0xb]  }
0x37: {  	[spmem:s5] =	stream.linear.scatter [tilespmem:s22], [sflag:$0x4], $0x3C00, $0x38;
	[tilespmem:$0x1F600] =	vst v63  }
0x38: {  	s23 =	rddreg [dreg:$0xc]  }
0x39: {  	[spmem:s23] =	stream.linear.scatter [tilespmem:s22], [sflag:$0x4], $0x3C00, $0x38;
	[tilespmem:$0x1F600] =	vst v63  }
0x3a: {  	s24 =	rddreg [dreg:$0xd]  }
0x3b: {  	[spmem:s24] =	stream.linear.scatter [tilespmem:s22], [sflag:$0x4], $0x3C00, $0x38;
	[tilespmem:$0x1F600] =	vst v63  }
0x3c: {  	s25 =	rddreg [dreg:$0xe]  }
0x3d: {  	[spmem:s25] =	stream.linear.scatter [tilespmem:s22], [sflag:$0x4], $0x1000, $0x38;
	[tilespmem:$0x1F600] =	vst v63  }
0x3e: {  	s28 =	rddreg [dreg:$0xf]  }
0x3f: {  	[tilespmem:s29], [sflag:$0x7] =	stream.linear.gather [hbm4b:s28+s22], $0x80, $0x38;
	[tilespmem:$0x1F600] =	vst v63  }
0x40: {  	s5 =	rddreg [dreg:$0x10]  }
0x41: {  	[tilespmem:s11], [sflag:$0x7] =	stream.linear.gather [hbm4b:s5+s22], $0x80, $0x38;
	[tilespmem:$0x1F600] =	vst v63  }
0x42: {  	s23 =	rddreg [dreg:$0x11]  }
0x43: {  	[tilespmem:s26], [sflag:$0x8] =	stream.linear.gather [hbm4b:s23+s22], $0x80, $0x38;
	[tilespmem:$0x1F600] =	vst v63  }
0x44: {  	s24 =	rddreg [dreg:$0x12]  }
0x45: {  	[tilespmem:s16], [sflag:$0x8] =	stream.linear.gather [hbm4b:s24+s22], $0x80, $0x38;
	[tilespmem:$0x1F600] =	vst v63  }
0x46: {  	s25 =	rddreg [dreg:$0x13]  }
0x47: {  	[tilespmem:s17], [sflag:$0x9] =	stream.linear.gather [hbm4b:s25+s22], $0x80, $0x38;
	[tilespmem:$0x1F600] =	vst v63  }
0x48: {  	s28 =	rddreg [dreg:$0x14]  }
0x49: {  	[tilespmem:s30], [sflag:$0x9] =	stream.linear.gather [hbm4b:s28+s22], $0x80, $0x38;
	[tilespmem:$0x1F600] =	vst v63  }
0x4a: {  	_ =	swait.ge [sflag:s13], $0x3C00  }
0x4b: {  	[sflag:s13] =	ssyncset.done $0x0  }
0x4c: {  	[sflag:s13] =	ssyncadd.s32 $0xFFFFC400  }
0x4d: {  	_ =	swait.ge [sflag:s13], $0x3C00  }
0x4e: {  	[sflag:s13] =	ssyncset.done $0x0  }
0x4f: {  	[sflag:s13] =	ssyncadd.s32 $0xFFFFC400  }
0x50: {  	_ =	swait.ge [sflag:s13], $0x3C00  }
0x51: {  	[sflag:s13] =	ssyncset.done $0x0  }
0x52: {  	[sflag:s13] =	ssyncadd.s32 $0xFFFFC400  }
0x53: {  	_ =	swait.ge [sflag:s13], $0x3C00  }
0x54: {  	[sflag:s13] =	ssyncset.done $0x0  }
0x55: {  	[sflag:s13] =	ssyncadd.s32 $0xFFFFC400  }
0x56: {  	_ =	swait.ge [sflag:s13], $0x3C00  }
0x57: {  	[sflag:s13] =	ssyncset.done $0x0  }
0x58: {  	[sflag:s13] =	ssyncadd.s32 $0xFFFFC400  }
0x59: {  	_ =	swait.ge [sflag:s13], $0x1000  }
0x5a: {  	[sflag:s13] =	ssyncset.done $0x0  }
0x5b: {  	p0 =	por $0x1, $0x1;
	[sflag:s13] =	ssyncadd.s32 $0xFFFFF000  }
0x5c: {  	s22 =	simm.s32 @!p0 $0x4;
	[bflag:$0x0] =	sbarrier.arrive $0xFFFF  }
0x5d: {  	_ =	swait.ge @!p0 [sflag:s22], $0x3C00  }
0x5e: {  	s23 =	rddreg [dreg:$0x7];
	[sflag:s22] =	ssyncset.done @!p0 $0x0  }
0x5f: {  	s2 =	rddreg [dreg:$0x8];
	[sflag:s22] =	ssyncadd.s32 @!p0 $0xFFFFC400;
	s5 =	sadd.s32 $0x0, s23  }
0x60: {  	[tilespmem:s6], [sflag:$0xA] =	stream.linear.gather [hbm4b:s5+s3], $0x80, $0x38;
	[tilespmem:$0x1F600] =	vst v63  }
0x61: {  	s13 =	sadd.s32 $0x0, s2  }
0x62: {  	[tilespmem:s10], [sflag:$0xA] =	stream.linear.gather [hbm4b:s13+s3], $0x80, $0x38;
	[tilespmem:$0x1F600] =	vst v63  }
0x63: {  	_ =	swait.ge [sflag:s31], $0x80  }
0x64: {  	[sflag:s31] =	ssyncset.done $0x0  }
0x65: {  	[sflag:s31] =	ssyncadd.s32 $0xFFFFFF80  }
0x66: {  	_ =	swait.ge [sflag:s31], $0x80  }
0x67: {  	[sflag:s31] =	ssyncset.done $0x0  }
0x68: {  	s22 =	simm.s32 @!p0 $0x3;
	[sflag:s31] =	ssyncadd.s32 $0xFFFFFF80  }
0x69: {  	[tilespmem:s3], [sflag:$0x1] =	stream.indirect.gather [hbm4b:s4+s0], $0x80, s29, s0, $0xb8;
	[tilespmem:$0x1F600] =	vst v63  }
0x6a: {  	_ =	swait.ge @!p0 [sflag:s22], $0x3C00  }
0x6b: {  	s24 =	simm.s32 @!p0 $0x5;
	s25 =	simm.s32 @!p0 $0x78;
	[sflag:s22] =	ssyncset.done @!p0 $0x0  }
0x6c: {  	s23 =	simm.s32 @!p0 $0x7800;
	[sflag:s22] =	ssyncadd.s32 @!p0 $0xFFFFC400;
	s22 =	simm.s32 @!p0 $0xB980  }
0x6d: {  	[spmem:s1] =	stream.indirect.scatter.add.f32 @!p0 [tilespmem:s23], [sflag:$0x6], $0x80, s22, s25, $0xb8;
	[tilespmem:$0x1F600] =	vst v63  }
0x6e: {  	_ =	swait.ge @!p0 [sflag:s24], $0x3C00  }
0x6f: {  	[sflag:s24] =	ssyncset.done @!p0 $0x0  }
0x70: {  	s28 =	simm.s32 $0xB600;
	s23 =	sadd.s32 $0x0, s20;
	[sflag:s24] =	ssyncadd.s32 @!p0 $0xFFFFC400  }
0x71: {  	[tilespmem:s28], [sflag:$0xB] =	stream.linear.gather [hbm4b:s23+s3], $0x80, $0x38;
	[tilespmem:$0x1F600] =	vst v63  }
0x72: {  	s10 =	simm.s32 $0xB900;
	s25 =	sadd.s32 $0x0, s8  }
0x73: {  	[tilespmem:s10], [sflag:$0xB] =	stream.linear.gather [hbm4b:s25+s3], $0x80, $0x38;
	[tilespmem:$0x1F600] =	vst v63  }
0x74: {  	_ =	swait.ge [sflag:s7], $0x80  }
0x75: {  	[sflag:s7] =	ssyncset.done $0x0  }
0x76: {  	[sflag:s7] =	ssyncadd.s32 $0xFFFFFF80  }
0x77: {  	_ =	swait.ge [sflag:s7], $0x80  }
0x78: {  	[sflag:s7] =	ssyncset.done $0x0  }
0x79: {  	[sflag:s7] =	ssyncadd.s32 $0xFFFFFF80  }
0x7a: {  	[tilespmem:s19], [sflag:$0x2] =	stream.indirect.gather [hbm4b:s4+s0], $0x80, s26, s0, $0xb8;
	[tilespmem:$0x1F600] =	vst v63  }
0x7b: {  	_ =	swait.ge [sflag:s9], $0x3C00  }
0x7c: {  	[sflag:s9] =	ssyncset.done $0x0  }
0x7d: {  	s24 =	simm.s32 @!p0 $0x6;
	[sflag:s9] =	ssyncadd.s32 $0xFFFFC400  }
0x7e: {  	[spmem:s1] =	stream.indirect.scatter.add.f32 [tilespmem:s3], [sflag:$0x4], $0x80, s11, s0, $0xb8;
	[tilespmem:$0x1F600] =	vst v63  }
0x7f: {  	_ =	swait.ge @!p0 [sflag:s24], $0x3C00  }
0x80: {  	[sflag:s24] =	ssyncset.done @!p0 $0x0  }
0x81: {  	s2 =	simm.s32 $0xB680;
	s22 =	sadd.s32 $0x10, s23;
	[sflag:s24] =	ssyncadd.s32 @!p0 $0xFFFFC400  }
0x82: {  	[tilespmem:s2], [sflag:$0xC] =	stream.linear.gather [hbm4b:s22+s3], $0x80, $0x38;
	[tilespmem:$0x1F600] =	vst v63  }
0x83: {  	s24 =	sadd.s32 $0x10, s25;
	s25 =	simm.s32 $0xB980  }
0x84: {  	[tilespmem:s25], [sflag:$0xC] =	stream.linear.gather [hbm4b:s24+s3], $0x80, $0x38;
	[tilespmem:$0x1F600] =	vst v63  }
0x85: {  	_ =	swait.ge [sflag:s12], $0x80  }
0x86: {  	[sflag:s12] =	ssyncset.done $0x0  }
0x87: {  	[sflag:s12] =	ssyncadd.s32 $0xFFFFFF80  }
0x88: {  	_ =	swait.ge [sflag:s12], $0x80  }
0x89: {  	[sflag:s12] =	ssyncset.done $0x0  }
0x8a: {  	s26 =	simm.s32 $0x7800;
	[sflag:s12] =	ssyncadd.s32 $0xFFFFFF80  }
0x8b: {  	[tilespmem:s26], [sflag:$0x3] =	stream.indirect.gather [hbm4b:s4+s0], $0x80, s17, s0, $0xb8;
	[tilespmem:$0x1F600] =	vst v63  }
0x8c: {  	_ =	swait.ge [sflag:s14], $0x3C00  }
0x8d: {  	[sflag:s14] =	ssyncset.done $0x0  }
0x8e: {  	s5 =	simm.s32 $0x4;
	p0 =	por $0x0, $0x0;
	[sflag:s14] =	ssyncadd.s32 $0xFFFFC400  }
0x8f: {  	[spmem:s1] =	stream.indirect.scatter.add.f32 [tilespmem:s19], [sflag:$0x5], $0x80, s16, s0, $0xb8;
	[tilespmem:$0x1F600] =	vst v63  }
0x90: {  	s24 =	simm.s32 @!p0 $0x0;
	_ =	swait.ge [sflag:s5], $0x3C00  }
0x91: {  	s25 =	simm.s32 @!p0 $0xB400;
	s22 =	rddreg [dreg:$0x5];
	[sflag:s5] =	ssyncset.done $0x0  }
0x92: {  	s23 =	rddreg [dreg:$0x6];
	[sflag:s5] =	ssyncadd.s32 $0xFFFFC400;
	s22 =	sadd.s32 @!p0 $0x0, s22  }
0x93: {  	[tilespmem:s25], [sflag:$0x7] =	stream.linear.gather @!p0 [hbm4b:s22+s24], $0x80, $0x38;
	[tilespmem:$0x1F600] =	vst v63  }
0x94: {  	s23 =	sadd.s32 @!p0 $0x0, s23;
	s22 =	simm.s32 @!p0 $0xB700  }
0x95: {  	[tilespmem:s22], [sflag:$0x7] =	stream.linear.gather @!p0 [hbm4b:s23+s24], $0x80, $0x38;
	[tilespmem:$0x1F600] =	vst v63  }
0x96: {  	_ =	swait.ge [sflag:s15], $0x80  }
0x97: {  	[sflag:s15] =	ssyncset.done $0x0  }
0x98: {  	[sflag:s15] =	ssyncadd.s32 $0xFFFFFF80  }
0x99: {  	_ =	swait.ge [sflag:s15], $0x80  }
0x9a: {  	[sflag:s15] =	ssyncset.done $0x0  }
0x9b: {  	s13 =	simm.s32 $0xB580;
	s17 =	simm.s32 $0x3;
	[sflag:s15] =	ssyncadd.s32 $0xFFFFFF80  }
0x9c: {  	[tilespmem:s3], [sflag:$0x1] =	stream.indirect.gather [hbm4b:s4+s0], $0x80, s13, s0, $0xb8;
	[tilespmem:$0x1F600] =	vst v63  }
0x9d: {  	_ =	swait.ge [sflag:s17], $0x3C00  }
0x9e: {  	[sflag:s17] =	ssyncset.done $0x0  }
0x9f: {  	s5 =	simm.s32 $0x5;
	[sflag:s17] =	ssyncadd.s32 $0xFFFFC400  }
0xa0: {  	[spmem:s1] =	stream.indirect.scatter.add.f32 [tilespmem:s26], [sflag:$0x6], $0x80, s30, s0, $0xb8;
	[tilespmem:$0x1F600] =	vst v63  }
0xa1: {  	_ =	swait.ge [sflag:s5], $0x3C00  }
0xa2: {  	s25 =	simm.s32 @!p0 $0xB480;
	s22 =	sadd.s32 @!p0 $0x0, s20;
	[sflag:s5] =	ssyncset.done $0x0  }
0xa3: {  	s23 =	sadd.s32 @!p0 $0x0, s8;
	s22 =	sadd.s32 @!p0 $0x30, s22;
	[sflag:s5] =	ssyncadd.s32 $0xFFFFC400  }
0xa4: {  	[tilespmem:s25], [sflag:$0x8] =	stream.linear.gather @!p0 [hbm4b:s22+s24], $0x80, $0x38;
	[tilespmem:$0x1F600] =	vst v63  }
0xa5: {  	s22 =	sadd.s32 @!p0 $0x30, s23;
	s23 =	simm.s32 @!p0 $0xB780  }
0xa6: {  	[tilespmem:s23], [sflag:$0x8] =	stream.linear.gather @!p0 [hbm4b:s22+s24], $0x80, $0x38;
	[tilespmem:$0x1F600] =	vst v63  }
0xa7: {  	_ =	swait.ge [sflag:s18], $0x80  }
0xa8: {  	[sflag:s18] =	ssyncset.done $0x0  }
0xa9: {  	[sflag:s18] =	ssyncadd.s32 $0xFFFFFF80  }
0xaa: {  	_ =	swait.ge [sflag:s18], $0x80  }
0xab: {  	[sflag:s18] =	ssyncset.done $0x0  }
0xac: {  	[sflag:s18] =	ssyncadd.s32 $0xFFFFFF80  }
0xad: {  	[tilespmem:s19], [sflag:$0x2] =	stream.indirect.gather [hbm4b:s4+s0], $0x80, s28, s0, $0xb8;
	[tilespmem:$0x1F600] =	vst v63  }
0xae: {  	_ =	swait.ge [sflag:s9], $0x3C00  }
0xaf: {  	[sflag:s9] =	ssyncset.done $0x0  }
0xb0: {  	s6 =	simm.s32 $0xB880;
	s13 =	simm.s32 $0x6;
	[sflag:s9] =	ssyncadd.s32 $0xFFFFC400  }
0xb1: {  	[spmem:s1] =	stream.indirect.scatter.add.f32 [tilespmem:s3], [sflag:$0x4], $0x80, s6, s0, $0xb8;
	[tilespmem:$0x1F600] =	vst v63  }
0xb2: {  	_ =	swait.ge [sflag:s13], $0x3C00  }
0xb3: {  	s25 =	simm.s32 @!p0 $0xB500;
	s22 =	rddreg [dreg:$0x3];
	[sflag:s13] =	ssyncset.done $0x0  }
0xb4: {  	s23 =	rddreg [dreg:$0x4];
	[sflag:s13] =	ssyncadd.s32 $0xFFFFC400;
	s22 =	sadd.s32 @!p0 $0x0, s22  }
0xb5: {  	[tilespmem:s25], [sflag:$0x9] =	stream.linear.gather @!p0 [hbm4b:s22+s24], $0x80, $0x38;
	[tilespmem:$0x1F600] =	vst v63  }
0xb6: {  	s23 =	sadd.s32 @!p0 $0x0, s23;
	s22 =	simm.s32 @!p0 $0xB800  }
0xb7: {  	[tilespmem:s22], [sflag:$0x9] =	stream.linear.gather @!p0 [hbm4b:s23+s24], $0x80, $0x38;
	[tilespmem:$0x1F600] =	vst v63  }
0xb8: {  	_ =	swait.ge [sflag:s21], $0x80  }
0xb9: {  	[sflag:s21] =	ssyncset.done $0x0  }
0xba: {  	[sflag:s21] =	ssyncadd.s32 $0xFFFFFF80  }
0xbb: {  	_ =	swait.ge [sflag:s21], $0x80  }
0xbc: {  	[sflag:s21] =	ssyncset.done $0x0  }
0xbd: {  	p1 =	por $0x0, $0x0;
	[sflag:s21] =	ssyncadd.s32 $0xFFFFFF80  }
0xbe: {  	[tilespmem:s26], [sflag:$0x3] =	stream.indirect.gather [hbm4b:s4+s0], $0x80, s2, s0, $0xb8;
	[tilespmem:$0x1F600] =	vst v63  }
0xbf: {  	s22 =	simm.s32 $0x60;
	s23 =	simm.s32 $0xC0;
	_ =	swait.ge [sflag:s14], $0x3C00  }
.LBB2_4:
0xc0: {  	[sflag:s14] =	ssyncset.done $0x0  }
0xc1: {  	s25 =	simm.s32 @!p1 $0x4;
	s10 =	simm.s32 $0xB900;
	[sflag:s14] =	ssyncadd.s32 $0xFFFFC400  }
0xc2: {  	[spmem:s1] =	stream.indirect.scatter.add.f32 [tilespmem:s19], [sflag:$0x5], $0x80, s10, s0, $0xb8;
	[tilespmem:$0x1F600] =	vst v63  }
0xc3: {  	_ =	swait.ge @!p1 [sflag:s25], $0x3C00  }
0xc4: {  	s19 =	simm.s32 $0xB580;
	[sflag:s25] =	ssyncset.done @!p1 $0x0;
	s26 =	rddreg [dreg:$0x7]  }
0xc5: {  	s11 =	rddreg [dreg:$0x8];
	[sflag:s25] =	ssyncadd.s32 @!p1 $0xFFFFC400;
	s26 =	sadd.s32 s22, s26  }
0xc6: {  	[tilespmem:s19], [sflag:$0xA] =	stream.linear.gather [hbm4b:s26+s3], $0x80, $0x38;
	[tilespmem:$0x1F600] =	vst v63  }
0xc7: {  	s6 =	simm.s32 $0xB880;
	s25 =	sadd.s32 s22, s11  }
0xc8: {  	[tilespmem:s6], [sflag:$0xA] =	stream.linear.gather [hbm4b:s25+s3], $0x80, $0x38;
	[tilespmem:$0x1F600] =	vst v63  }
0xc9: {  	_ =	swait.ge [sflag:s31], $0x80  }
0xca: {  	[sflag:s31] =	ssyncset.done $0x0  }
0xcb: {  	[sflag:s31] =	ssyncadd.s32 $0xFFFFFF80  }
0xcc: {  	_ =	swait.ge [sflag:s31], $0x80  }
0xcd: {  	[sflag:s31] =	ssyncset.done $0x0  }
0xce: {  	s25 =	simm.s32 @!p1 $0x3;
	[sflag:s31] =	ssyncadd.s32 $0xFFFFFF80  }
0xcf: {  	[tilespmem:s3], [sflag:$0x1] =	stream.indirect.gather [hbm4b:s4+s0], $0x80, s29, s0, $0xb8;
	[tilespmem:$0x1F600] =	vst v63  }
0xd0: {  	_ =	swait.ge @!p1 [sflag:s25], $0x3C00  }
0xd1: {  	s30 =	simm.s32 @!p1 $0xB980;
	s11 =	simm.s32 @!p1 $0x5;
	[sflag:s25] =	ssyncset.done @!p1 $0x0  }
0xd2: {  	s26 =	simm.s32 @!p1 $0x7800;
	s29 =	simm.s32 @!p1 $0x78;
	[sflag:s25] =	ssyncadd.s32 @!p1 $0xFFFFC400  }
0xd3: {  	[spmem:s1] =	stream.indirect.scatter.add.f32 @!p1 [tilespmem:s26], [sflag:$0x6], $0x80, s30, s29, $0xb8;
	[tilespmem:$0x1F600] =	vst v63  }
0xd4: {  	_ =	swait.ge @!p1 [sflag:s11], $0x3C00  }
0xd5: {  	[sflag:s11] =	ssyncset.done @!p1 $0x0  }
0xd6: {  	s28 =	simm.s32 $0xB600;
	s25 =	sadd.s32 s22, s20;
	[sflag:s11] =	ssyncadd.s32 @!p1 $0xFFFFC400  }
0xd7: {  	[tilespmem:s28], [sflag:$0xB] =	stream.linear.gather [hbm4b:s25+s3], $0x80, $0x38;
	[tilespmem:$0x1F600] =	vst v63  }
0xd8: {  	s11 =	sadd.s32 s22, s8  }
0xd9: {  	[tilespmem:s10], [sflag:$0xB] =	stream.linear.gather [hbm4b:s11+s3], $0x80, $0x38;
	[tilespmem:$0x1F600] =	vst v63  }
0xda: {  	_ =	swait.ge [sflag:s7], $0x80  }
0xdb: {  	[sflag:s7] =	ssyncset.done $0x0  }
0xdc: {  	[sflag:s7] =	ssyncadd.s32 $0xFFFFFF80  }
0xdd: {  	_ =	swait.ge [sflag:s7], $0x80  }
0xde: {  	[sflag:s7] =	ssyncset.done $0x0  }
0xdf: {  	s16 =	simm.s32 $0x3C00;
	s26 =	simm.s32 $0xB480;
	[sflag:s7] =	ssyncadd.s32 $0xFFFFFF80  }
0xe0: {  	[tilespmem:s16], [sflag:$0x2] =	stream.indirect.gather [hbm4b:s4+s0], $0x80, s26, s0, $0xb8;
	[tilespmem:$0x1F600] =	vst v63  }
0xe1: {  	_ =	swait.ge [sflag:s9], $0x3C00  }
0xe2: {  	[sflag:s9] =	ssyncset.done $0x0  }
0xe3: {  	s10 =	simm.s32 $0xB700;
	s26 =	simm.s32 @!p1 $0x6;
	[sflag:s9] =	ssyncadd.s32 $0xFFFFC400  }
0xe4: {  	[spmem:s1] =	stream.indirect.scatter.add.f32 [tilespmem:s3], [sflag:$0x4], $0x80, s10, s0, $0xb8;
	[tilespmem:$0x1F600] =	vst v63  }
0xe5: {  	_ =	swait.ge @!p1 [sflag:s26], $0x3C00  }
0xe6: {  	[sflag:s26] =	ssyncset.done @!p1 $0x0  }
0xe7: {  	s25 =	sadd.s32 $0x10, s25;
	[sflag:s26] =	ssyncadd.s32 @!p1 $0xFFFFC400  }
0xe8: {  	[tilespmem:s2], [sflag:$0xC] =	stream.linear.gather [hbm4b:s25+s3], $0x80, $0x38;
	[tilespmem:$0x1F600] =	vst v63  }
0xe9: {  	s11 =	sadd.s32 $0x10, s11;
	s25 =	simm.s32 $0xB980  }
0xea: {  	[tilespmem:s25], [sflag:$0xC] =	stream.linear.gather [hbm4b:s11+s3], $0x80, $0x38;
	[tilespmem:$0x1F600] =	vst v63  }
0xeb: {  	_ =	swait.ge [sflag:s12], $0x80  }
0xec: {  	[sflag:s12] =	ssyncset.done $0x0  }
0xed: {  	[sflag:s12] =	ssyncadd.s32 $0xFFFFFF80  }
0xee: {  	_ =	swait.ge [sflag:s12], $0x80  }
0xef: {  	[sflag:s12] =	ssyncset.done $0x0  }
0xf0: {  	s10 =	simm.s32 $0x7800;
	s26 =	simm.s32 $0xB500;
	[sflag:s12] =	ssyncadd.s32 $0xFFFFFF80  }
0xf1: {  	[tilespmem:s10], [sflag:$0x3] =	stream.indirect.gather [hbm4b:s4+s0], $0x80, s26, s0, $0xb8;
	[tilespmem:$0x1F600] =	vst v63  }
0xf2: {  	_ =	swait.ge [sflag:s14], $0x3C00  }
0xf3: {  	[sflag:s14] =	ssyncset.done $0x0  }
0xf4: {  	s11 =	simm.s32 $0xB780;
	s25 =	simm.s32 $0x4;
	[sflag:s14] =	ssyncadd.s32 $0xFFFFC400  }
0xf5: {  	[spmem:s1] =	stream.indirect.scatter.add.f32 [tilespmem:s16], [sflag:$0x5], $0x80, s11, s0, $0xb8;
	[tilespmem:$0x1F600] =	vst v63  }
0xf6: {  	_ =	swait.ge [sflag:s25], $0x3C00  }
0xf7: {  	p1 =	seq.s32 s22, $0x4E0;
	s11 =	rddreg [dreg:$0x5]  }
0xf8: {  	s30 =	simm.s32 @!p1 $0xB400;
	[sflag:s25] =	ssyncset.done $0x0;
	s26 =	rddreg [dreg:$0x6]  }
0xf9: {  	[sflag:s25] =	ssyncadd.s32 $0xFFFFC400;
	s25 =	simm.s32 @!p1 $0x0;
	s11 =	sadd.s32 @!p1 s22, s11  }
0xfa: {  	[tilespmem:s30], [sflag:$0x7] =	stream.linear.gather @!p1 [hbm4b:s11+s25], $0x80, $0x38;
	[tilespmem:$0x1F600] =	vst v63  }
0xfb: {  	s2 =	simm.s32 @!p1 $0xB700;
	s11 =	sadd.s32 @!p1 s22, s26  }
0xfc: {  	[tilespmem:s2], [sflag:$0x7] =	stream.linear.gather @!p1 [hbm4b:s11+s25], $0x80, $0x38;
	[tilespmem:$0x1F600] =	vst v63  }
0xfd: {  	_ =	swait.ge [sflag:s15], $0x80  }
0xfe: {  	[sflag:s15] =	ssyncset.done $0x0  }
0xff: {  	[sflag:s15] =	ssyncadd.s32 $0xFFFFFF80  }
0x100: {  	_ =	swait.ge [sflag:s15], $0x80  }
0x101: {  	[sflag:s15] =	ssyncset.done $0x0  }
0x102: {  	[sflag:s15] =	ssyncadd.s32 $0xFFFFFF80  }
0x103: {  	[tilespmem:s3], [sflag:$0x1] =	stream.indirect.gather [hbm4b:s4+s0], $0x80, s19, s0, $0xb8;
	[tilespmem:$0x1F600] =	vst v63  }
0x104: {  	_ =	swait.ge [sflag:s17], $0x3C00  }
0x105: {  	[sflag:s17] =	ssyncset.done $0x0  }
0x106: {  	s30 =	simm.s32 $0xB800;
	[sflag:s17] =	ssyncadd.s32 $0xFFFFC400  }
0x107: {  	[spmem:s1] =	stream.indirect.scatter.add.f32 [tilespmem:s10], [sflag:$0x6], $0x80, s30, s0, $0xb8;
	[tilespmem:$0x1F600] =	vst v63  }
0x108: {  	s29 =	sadd.s32 @!p1 s22, s20;
	_ =	swait.ge [sflag:s5], $0x3C00  }
0x109: {  	s26 =	sadd.s32 @!p1 $0x30, s29;
	[sflag:s5] =	ssyncset.done $0x0  }
0x10a: {  	s29 =	sadd.s32 @!p1 s22, s8;
	s11 =	simm.s32 @!p1 $0xB480;
	[sflag:s5] =	ssyncadd.s32 $0xFFFFC400  }
0x10b: {  	[tilespmem:s11], [sflag:$0x8] =	stream.linear.gather @!p1 [hbm4b:s26+s25], $0x80, $0x38;
	[tilespmem:$0x1F600] =	vst v63  }
0x10c: {  	s2 =	sadd.s32 @!p1 $0x30, s29;
	s29 =	simm.s32 @!p1 $0xB780  }
0x10d: {  	[tilespmem:s29], [sflag:$0x8] =	stream.linear.gather @!p1 [hbm4b:s2+s25], $0x80, $0x38;
	[tilespmem:$0x1F600] =	vst v63  }
0x10e: {  	_ =	swait.ge [sflag:s18], $0x80  }
0x10f: {  	[sflag:s18] =	ssyncset.done $0x0  }
0x110: {  	[sflag:s18] =	ssyncadd.s32 $0xFFFFFF80  }
0x111: {  	_ =	swait.ge [sflag:s18], $0x80  }
0x112: {  	[sflag:s18] =	ssyncset.done $0x0  }
0x113: {  	s19 =	simm.s32 $0x3C00;
	[sflag:s18] =	ssyncadd.s32 $0xFFFFFF80  }
0x114: {  	[tilespmem:s19], [sflag:$0x2] =	stream.indirect.gather [hbm4b:s4+s0], $0x80, s28, s0, $0xb8;
	[tilespmem:$0x1F600] =	vst v63  }
0x115: {  	_ =	swait.ge [sflag:s9], $0x3C00  }
0x116: {  	[sflag:s9] =	ssyncset.done $0x0  }
0x117: {  	[sflag:s9] =	ssyncadd.s32 $0xFFFFC400  }
0x118: {  	[spmem:s1] =	stream.indirect.scatter.add.f32 [tilespmem:s3], [sflag:$0x4], $0x80, s6, s0, $0xb8;
	[tilespmem:$0x1F600] =	vst v63  }
0x119: {  	_ =	swait.ge [sflag:s13], $0x3C00  }
0x11a: {  	s26 =	simm.s32 @!p1 $0xB500;
	s2 =	rddreg [dreg:$0x3];
	[sflag:s13] =	ssyncset.done $0x0  }
0x11b: {  	s11 =	rddreg [dreg:$0x4];
	[sflag:s13] =	ssyncadd.s32 $0xFFFFC400;
	s2 =	sadd.s32 @!p1 s22, s2  }
0x11c: {  	[tilespmem:s26], [sflag:$0x9] =	stream.linear.gather @!p1 [hbm4b:s2+s25], $0x80, $0x38;
	[tilespmem:$0x1F600] =	vst v63  }
0x11d: {  	s29 =	simm.s32 @!p1 $0xB800;
	s2 =	sadd.s32 @!p1 s22, s11  }
0x11e: {  	[tilespmem:s29], [sflag:$0x9] =	stream.linear.gather @!p1 [hbm4b:s2+s25], $0x80, $0x38;
	[tilespmem:$0x1F600] =	vst v63  }
0x11f: {  	_ =	swait.ge [sflag:s21], $0x80  }
0x120: {  	s24 =	smov.u32 s23;
	s23 =	sadd.s32 $0x60, s23;
	[sflag:s21] =	ssyncset.done $0x0  }
0x121: {  	p0 =	sne.s32 s23, $0x540;
	[sflag:s21] =	ssyncadd.s32 $0xFFFFFF80  }
.Ltmp1:
0x122: {  	_ =	swait.ge [sflag:s21], $0x80;
	(pc) =	sbr.rel @p0 .LBB2_4-.Ltmp1, $4  }
0x123: {  	[sflag:s21] =	ssyncset.done $0x0  }
0x124: {  	s22 =	smov.u32 s24;
	s2 =	simm.s32 $0xB680;
	[sflag:s21] =	ssyncadd.s32 $0xFFFFFF80  }
0x125: {  	[tilespmem:s10], [sflag:$0x3] =	stream.indirect.gather [hbm4b:s4+s0], $0x80, s2, s0, $0xb8;
	[tilespmem:$0x1F600] =	vst v63  }
0x126: {  	s29 =	simm.s32 $0xB400;
	p1 =	seq.s32 s22, $0x0;
	_ =	swait.ge [sflag:s14], $0x3C00  }
0x127: {  	[sflag:s14] =	ssyncset.done $0x0  }
0x128: {  	s2 =	simm.s32 @!p1 $0x4;
	s26 =	simm.s32 $0xB900;
	[sflag:s14] =	ssyncadd.s32 $0xFFFFC400  }
0x129: {  	[spmem:s1] =	stream.indirect.scatter.add.f32 [tilespmem:s19], [sflag:$0x5], $0x80, s26, s0, $0xb8;
	[tilespmem:$0x1F600] =	vst v63  }
0x12a: {  	_ =	swait.ge @!p1 [sflag:s2], $0x3C00  }
0x12b: {  	s19 =	simm.s32 $0xB580;
	s11 =	rddreg [dreg:$0x7];
	[sflag:s2] =	ssyncset.done @!p1 $0x0  }
0x12c: {  	s23 =	rddreg [dreg:$0x8];
	[sflag:s2] =	ssyncadd.s32 @!p1 $0xFFFFC400;
	s11 =	sadd.s32 s22, s11  }
0x12d: {  	[tilespmem:s19], [sflag:$0xA] =	stream.linear.gather [hbm4b:s11+s3], $0x80, $0x38;
	[tilespmem:$0x1F600] =	vst v63  }
0x12e: {  	s25 =	simm.s32 $0xB880;
	s23 =	sadd.s32 s22, s23  }
0x12f: {  	[tilespmem:s25], [sflag:$0xA] =	stream.linear.gather [hbm4b:s23+s3], $0x80, $0x38;
	[tilespmem:$0x1F600] =	vst v63  }
0x130: {  	_ =	swait.ge [sflag:s31], $0x80  }
0x131: {  	[sflag:s31] =	ssyncset.done $0x0  }
0x132: {  	[sflag:s31] =	ssyncadd.s32 $0xFFFFFF80  }
0x133: {  	_ =	swait.ge [sflag:s31], $0x80  }
0x134: {  	[sflag:s31] =	ssyncset.done $0x0  }
0x135: {  	s2 =	simm.s32 @!p1 $0x3;
	[sflag:s31] =	ssyncadd.s32 $0xFFFFFF80  }
0x136: {  	[tilespmem:s3], [sflag:$0x1] =	stream.indirect.gather [hbm4b:s4+s0], $0x80, s29, s0, $0xb8;
	[tilespmem:$0x1F600] =	vst v63  }
0x137: {  	_ =	swait.ge @!p1 [sflag:s2], $0x3C00  }
0x138: {  	s24 =	simm.s32 @!p1 $0x78;
	s11 =	simm.s32 @!p1 $0x7800;
	[sflag:s2] =	ssyncset.done @!p1 $0x0  }
0x139: {  	s23 =	simm.s32 @!p1 $0x5;
	[sflag:s2] =	ssyncadd.s32 @!p1 $0xFFFFC400;
	s2 =	simm.s32 @!p1 $0xB980  }
0x13a: {  	[spmem:s1] =	stream.indirect.scatter.add.f32 @!p1 [tilespmem:s11], [sflag:$0x6], $0x80, s2, s24, $0xb8;
	[tilespmem:$0x1F600] =	vst v63  }
0x13b: {  	_ =	swait.ge @!p1 [sflag:s23], $0x3C00  }
0x13c: {  	[sflag:s23] =	ssyncset.done @!p1 $0x0  }
0x13d: {  	s28 =	simm.s32 $0xB600;
	s2 =	sadd.s32 s22, s20;
	[sflag:s23] =	ssyncadd.s32 @!p1 $0xFFFFC400  }
0x13e: {  	[tilespmem:s28], [sflag:$0xB] =	stream.linear.gather [hbm4b:s2+s3], $0x80, $0x38;
	[tilespmem:$0x1F600] =	vst v63  }
0x13f: {  	s11 =	sadd.s32 s22, s8  }
0x140: {  	[tilespmem:s26], [sflag:$0xB] =	stream.linear.gather [hbm4b:s11+s3], $0x80, $0x38;
	[tilespmem:$0x1F600] =	vst v63  }
0x141: {  	_ =	swait.ge [sflag:s7], $0x80  }
0x142: {  	[sflag:s7] =	ssyncset.done $0x0  }
0x143: {  	[sflag:s7] =	ssyncadd.s32 $0xFFFFFF80  }
0x144: {  	_ =	swait.ge [sflag:s7], $0x80  }
0x145: {  	[sflag:s7] =	ssyncset.done $0x0  }
0x146: {  	s6 =	simm.s32 $0x3C00;
	s10 =	simm.s32 $0xB480;
	[sflag:s7] =	ssyncadd.s32 $0xFFFFFF80  }
0x147: {  	[tilespmem:s6], [sflag:$0x2] =	stream.indirect.gather [hbm4b:s4+s0], $0x80, s10, s0, $0xb8;
	[tilespmem:$0x1F600] =	vst v63  }
0x148: {  	_ =	swait.ge [sflag:s9], $0x3C00  }
0x149: {  	[sflag:s9] =	ssyncset.done $0x0  }
0x14a: {  	s24 =	simm.s32 $0xB700;
	s23 =	simm.s32 @!p1 $0x6;
	[sflag:s9] =	ssyncadd.s32 $0xFFFFC400  }
0x14b: {  	[spmem:s1] =	stream.indirect.scatter.add.f32 [tilespmem:s3], [sflag:$0x4], $0x80, s24, s0, $0xb8;
	[tilespmem:$0x1F600] =	vst v63  }
0x14c: {  	_ =	swait.ge @!p1 [sflag:s23], $0x3C00  }
0x14d: {  	[sflag:s23] =	ssyncset.done @!p1 $0x0  }
0x14e: {  	s16 =	simm.s32 $0xB680;
	s2 =	sadd.s32 $0x10, s2;
	[sflag:s23] =	ssyncadd.s32 @!p1 $0xFFFFC400  }
0x14f: {  	[tilespmem:s16], [sflag:$0xC] =	stream.linear.gather [hbm4b:s2+s3], $0x80, $0x38;
	[tilespmem:$0x1F600] =	vst v63  }
0x150: {  	s10 =	simm.s32 $0xB980;
	s16 =	sadd.s32 $0x10, s11  }
0x151: {  	[tilespmem:s10], [sflag:$0xC] =	stream.linear.gather [hbm4b:s16+s3], $0x80, $0x38;
	[tilespmem:$0x1F600] =	vst v63  }
0x152: {  	_ =	swait.ge [sflag:s12], $0x80  }
0x153: {  	[sflag:s12] =	ssyncset.done $0x0  }
0x154: {  	[sflag:s12] =	ssyncadd.s32 $0xFFFFFF80  }
0x155: {  	_ =	swait.ge [sflag:s12], $0x80  }
0x156: {  	[sflag:s12] =	ssyncset.done $0x0  }
0x157: {  	s23 =	simm.s32 $0xB500;
	s16 =	simm.s32 $0x7800;
	[sflag:s12] =	ssyncadd.s32 $0xFFFFFF80  }
0x158: {  	[tilespmem:s16], [sflag:$0x3] =	stream.indirect.gather [hbm4b:s4+s0], $0x80, s23, s0, $0xb8;
	[tilespmem:$0x1F600] =	vst v63  }
0x159: {  	_ =	swait.ge [sflag:s14], $0x3C00  }
0x15a: {  	[sflag:s14] =	ssyncset.done $0x0  }
0x15b: {  	s24 =	simm.s32 $0xB780;
	[sflag:s14] =	ssyncadd.s32 $0xFFFFC400  }
0x15c: {  	[spmem:s1] =	stream.indirect.scatter.add.f32 [tilespmem:s6], [sflag:$0x5], $0x80, s24, s0, $0xb8;
	[tilespmem:$0x1F600] =	vst v63  }
0x15d: {  	p0 =	seq.s32 s22, $0x4E0;
	s6 =	simm.s32 $0x4  }
0x15e: {  	s23 =	simm.s32 @!p0 $0x0;
	_ =	swait.ge [sflag:s6], $0x3C00  }
0x15f: {  	s24 =	simm.s32 @!p0 $0xB400;
	s2 =	rddreg [dreg:$0x5];
	[sflag:s6] =	ssyncset.done $0x0  }
0x160: {  	s11 =	rddreg [dreg:$0x6];
	[sflag:s6] =	ssyncadd.s32 $0xFFFFC400;
	s2 =	sadd.s32 @!p0 s22, s2  }
0x161: {  	[tilespmem:s24], [sflag:$0x7] =	stream.linear.gather @!p0 [hbm4b:s2+s23], $0x80, $0x38;
	[tilespmem:$0x1F600] =	vst v63  }
0x162: {  	s11 =	sadd.s32 @!p0 s22, s11;
	s2 =	simm.s32 @!p0 $0xB700  }
0x163: {  	[tilespmem:s2], [sflag:$0x7] =	stream.linear.gather @!p0 [hbm4b:s11+s23], $0x80, $0x38;
	[tilespmem:$0x1F600] =	vst v63  }
0x164: {  	_ =	swait.ge [sflag:s15], $0x80  }
0x165: {  	[sflag:s15] =	ssyncset.done $0x0  }
0x166: {  	[sflag:s15] =	ssyncadd.s32 $0xFFFFFF80  }
0x167: {  	_ =	swait.ge [sflag:s15], $0x80  }
0x168: {  	[sflag:s15] =	ssyncset.done $0x0  }
0x169: {  	[sflag:s15] =	ssyncadd.s32 $0xFFFFFF80  }
0x16a: {  	[tilespmem:s3], [sflag:$0x1] =	stream.indirect.gather [hbm4b:s4+s0], $0x80, s19, s0, $0xb8;
	[tilespmem:$0x1F600] =	vst v63  }
0x16b: {  	_ =	swait.ge [sflag:s17], $0x3C00  }
0x16c: {  	[sflag:s17] =	ssyncset.done $0x0  }
0x16d: {  	[sflag:s17] =	ssyncadd.s32 $0xFFFFC400  }
0x16e: {  	[spmem:s1] =	stream.indirect.scatter.add.f32 [tilespmem:s16], [sflag:$0x6], $0x80, s30, s0, $0xb8;
	[tilespmem:$0x1F600] =	vst v63  }
0x16f: {  	_ =	swait.ge [sflag:s5], $0x3C00  }
0x170: {  	s24 =	simm.s32 @!p0 $0xB480;
	s2 =	sadd.s32 @!p0 s22, s20;
	[sflag:s5] =	ssyncset.done $0x0  }
0x171: {  	s11 =	sadd.s32 @!p0 s22, s8;
	s2 =	sadd.s32 @!p0 $0x30, s2;
	[sflag:s5] =	ssyncadd.s32 $0xFFFFC400  }
0x172: {  	[tilespmem:s24], [sflag:$0x8] =	stream.linear.gather @!p0 [hbm4b:s2+s23], $0x80, $0x38;
	[tilespmem:$0x1F600] =	vst v63  }
0x173: {  	s2 =	sadd.s32 @!p0 $0x30, s11;
	s11 =	simm.s32 @!p0 $0xB780  }
0x174: {  	[tilespmem:s11], [sflag:$0x8] =	stream.linear.gather @!p0 [hbm4b:s2+s23], $0x80, $0x38;
	[tilespmem:$0x1F600] =	vst v63  }
0x175: {  	_ =	swait.ge [sflag:s18], $0x80  }
0x176: {  	[sflag:s18] =	ssyncset.done $0x0  }
0x177: {  	[sflag:s18] =	ssyncadd.s32 $0xFFFFFF80  }
0x178: {  	_ =	swait.ge [sflag:s18], $0x80  }
0x179: {  	[sflag:s18] =	ssyncset.done $0x0  }
0x17a: {  	s19 =	simm.s32 $0x3C00;
	[sflag:s18] =	ssyncadd.s32 $0xFFFFFF80  }
0x17b: {  	[tilespmem:s19], [sflag:$0x2] =	stream.indirect.gather [hbm4b:s4+s0], $0x80, s28, s0, $0xb8;
	[tilespmem:$0x1F600] =	vst v63  }
0x17c: {  	_ =	swait.ge [sflag:s9], $0x3C00  }
0x17d: {  	[sflag:s9] =	ssyncset.done $0x0  }
0x17e: {  	[sflag:s9] =	ssyncadd.s32 $0xFFFFC400  }
0x17f: {  	[spmem:s1] =	stream.indirect.scatter.add.f32 [tilespmem:s3], [sflag:$0x4], $0x80, s25, s0, $0xb8;
	[tilespmem:$0x1F600] =	vst v63  }
0x180: {  	_ =	swait.ge [sflag:s13], $0x3C00  }
0x181: {  	s24 =	simm.s32 @!p0 $0xB500;
	s2 =	rddreg [dreg:$0x3];
	[sflag:s13] =	ssyncset.done $0x0  }
0x182: {  	s11 =	rddreg [dreg:$0x4];
	[sflag:s13] =	ssyncadd.s32 $0xFFFFC400;
	s2 =	sadd.s32 @!p0 s22, s2  }
0x183: {  	[tilespmem:s24], [sflag:$0x9] =	stream.linear.gather @!p0 [hbm4b:s2+s23], $0x80, $0x38;
	[tilespmem:$0x1F600] =	vst v63  }
0x184: {  	s2 =	sadd.s32 @!p0 s22, s11;
	s11 =	simm.s32 @!p0 $0xB800  }
0x185: {  	[tilespmem:s11], [sflag:$0x9] =	stream.linear.gather @!p0 [hbm4b:s2+s23], $0x80, $0x38;
	[tilespmem:$0x1F600] =	vst v63  }
0x186: {  	_ =	swait.ge [sflag:s21], $0x80  }
0x187: {  	[sflag:s21] =	ssyncset.done $0x0  }
0x188: {  	[sflag:s21] =	ssyncadd.s32 $0xFFFFFF80  }
0x189: {  	_ =	swait.ge [sflag:s21], $0x80  }
0x18a: {  	[sflag:s21] =	ssyncset.done $0x0  }
0x18b: {  	s11 =	simm.s32 $0xB680;
	[sflag:s21] =	ssyncadd.s32 $0xFFFFFF80  }
0x18c: {  	[tilespmem:s16], [sflag:$0x3] =	stream.indirect.gather [hbm4b:s4+s0], $0x80, s11, s0, $0xb8;
	[tilespmem:$0x1F600] =	vst v63  }
0x18d: {  	_ =	swait.ge [sflag:s14], $0x3C00  }
0x18e: {  	[sflag:s14] =	ssyncset.done $0x0  }
0x18f: {  	[sflag:s14] =	ssyncadd.s32 $0xFFFFC400  }
0x190: {  	[spmem:s1] =	stream.indirect.scatter.add.f32 [tilespmem:s19], [sflag:$0x5], $0x80, s26, s0, $0xb8;
	[tilespmem:$0x1F600] =	vst v63  }
0x191: {  	_ =	swait.ge [sflag:s17], $0x3C00  }
0x192: {  	[sflag:s17] =	ssyncset.done $0x0  }
0x193: {  	[sflag:s17] =	ssyncadd.s32 $0xFFFFC400  }
0x194: {  	[spmem:s1] =	stream.indirect.scatter.add.f32 [tilespmem:s16], [sflag:$0x6], $0x80, s10, s0, $0xb8;
	[tilespmem:$0x1F600] =	vst v63  }
0x195: {  	_ =	swait.ge [sflag:s6], $0x3C00  }
0x196: {  	[sflag:s6] =	ssyncset.done $0x0  }
0x197: {  	[sflag:s6] =	ssyncadd.s32 $0xFFFFC400  }
0x198: {  	_ =	swait.ge [sflag:s5], $0x3C00  }
0x199: {  	[sflag:s5] =	ssyncset.done $0x0  }
0x19a: {  	[sflag:s5] =	ssyncadd.s32 $0xFFFFC400  }
0x19b: {  	_ =	swait.ge [sflag:s13], $0x3C00  }
0x19c: {  	[sflag:s13] =	ssyncset.done $0x0  }
0x19d: {  	[sflag:s13] =	ssyncadd.s32 $0xFFFFC400  }
0x19e: {  	s17 =	stileid.u32;
	[bflag:$0x0] =	sbarrier.arrive $0xFFFF  }
0x19f: {  	s25 =	simm.s32 $0xD;
	s2 =	sshll.u32 s17, $0x6;
	s24 =	rddreg [dreg:$0x9]  }
0x1a0: {  	s2 =	sor.u32 $0x1C0D, s2;
	s23 =	rddreg [dreg:$0x15];
	s22 =	sshrl.u32 s24, $0x3  }
0x1a1: {  	[hbm:s23], [sflag:s2] =	dma.local [spmem:s22], $0x2780  }
0x1a2: {  	_ =	swait.ge [sflag:s25], $0x2780  }
0x1a3: {  	s26 =	rddreg [dreg:$0x17]  }
0x1a4: {  	s28 =	rddreg [dreg:$0x16];
	s22 =	sadd.s32 $0x1, s26  }
0x1a5: {  	p0 =	sne.s32 s22, s28  }
.Ltmp2:
0x1a6: {  	_ = 	snop;
	(pc) =	sbr.rel @p0 .LBB2_1-.Ltmp2, $4  }
0x1a7: {  	_ = 	snop  }
0x1a8: {  	s11 =	simm.s32 $0xB700;
	s16 =	simm.s32 $0xB780;
	s17 =	simm.s32 $0xB500  }
0x1a9: {  	s10 =	simm.s32 $0xB880;
	s6 =	simm.s32 $0xB580;
	[sflag:s25] =	ssyncset.done $0x0  }
0x1aa: {  	s13 =	simm.s32 $0x4;
	[sflag:s25] =	ssyncadd.s32 $0xFFFFD880;
	s26 =	simm.s32 $0xB480  }
0x1ab: {  	_ =	sfence.sel $0x180000  }
0x1ac: {  	[bflag:$0x0] =	sbarrier.arrive $0xFFFF  }
0x1ad: {  	_ =	strace $0x9000004A  }
0x1ae: {  	s0 =	stileid.u32;
	[bflag:$0x2] =	sbarrier.arrive $0xFFFF  }
0x1af: {  	p0 =	sne.s32 s0, $0x0;
	s0 =	rddreg [dreg:$0x2]  }
0x1b0: {  	s0 =	sadd.s32 @!p0 $0x100000, s0  }
0x1b1: {  	[sflag:s0] =	ssyncadd.tile.s32 @!p0 $0x1;
	_ =	shalt  }
.Lfunc_end2:
_tile_overlayer_lowered:
.L_overlay_start_2:
0x1b2: {  	(tag) =	ssettag $0x2  }
0x1b3: {  	s0 =	rddreg [dreg:$0x0];
	s2 =	stileid.u32  }
0x1b4: {  	s1 =	rddreg [dreg:$0x1];
	p0 =	sne.s32 s2, $0x0  }
0x1b5: {  	s3 =	rddreg [dreg:$0x2];
	[bflag:$0x3] =	sbarrier.arrive $0xFFFF;
	s2 =	simm.s32 @!p0 $0x1C0D  }
0x1b6: {  	[timem:s3], [sflag:s2] =	dma.local @!p0 [hbm:s0], s1  }
0x1b7: {  	s0 =	simm.s32 @!p0 $0xD  }
0x1b8: {  	_ =	swait.ge @!p0 [sflag:s0], s1  }
0x1b9: {  	s1 =	ssub.s32 @!p0 $0x0, s1;
	[sflag:s0] =	ssyncset.done @!p0 $0x0  }
0x1ba: {  	[sflag:s0] =	ssyncadd.s32 @!p0 s1  }
0x1bb: {  	[bflag:$0x3] =	sbarrier.arrive $0xFFFF  }
0x1bc: {  	_ =	shalt  }

// kernel: kernel.7.cloned.1.call-start
scs
__scs_entry_jumppad:
0x0: {  	(pc) =	sbr.rel $0x88, $3  }
0x1: {  	(tag) =	ssettag $0x0;
	lr =	simm.s32 $0x1  }
0x2: {  	[smem:$0x3F92] =	sst lr;
	_ =	strace $0xD0000000  }
0x3: {  	_ = 	snop  }
0x4: {  	_ = 	snop  }
0x5: {  	_ = 	snop  }
0x6: {  	_ = 	snop  }
0x7: {  	_ = 	snop  }
__scs_overlays_trampoline_lowered:
0x8: {  	[smem:$0x3FA1] =	sst s0  }
0x9: {  	[smem:$0x3FA2] =	sst s1  }
0xa: {  	[smem:$0x3FA3] =	sst s2  }
0xb: {  	[smem:$0x3FA4] =	sst s3  }
0xc: {  	[smem:$0x3FA5] =	sst s4  }
0xd: {  	[smem:$0x3FA6] =	sst s5  }
0xe: {  	[smem:$0x3FA7] =	sst s6  }
0xf: {  	[smem:$0x3FA8] =	sst s7  }
0x10: {  	[smem:$0x3FA9] =	sst s8  }
0x11: {  	[smem:$0x3FAA] =	sst s9;
	s0 =	simm.s32 @!p0 $0x0  }
0x12: {  	s1 =	sld [smem:$0x3F90];
	s0 =	simm.s32 @p0 $0x1  }
0x13: {  	[smem:$0x3FAB] =	sst s0;
	s0 =	simm.s32 @!p1 $0x0  }
0x14: {  	s2 =	sld [smem:$0x3F8F];
	s0 =	simm.s32 @p1 $0x1  }
0x15: {  	[smem:$0x3FAC] =	sst s0;
	s0 =	simm.s32 @!p2 $0x0  }
0x16: {  	s3 =	sld [smem:$0x3FDB];
	s0 =	simm.s32 @p2 $0x1  }
0x17: {  	s4 =	simm.s32 $0x1BF5;
	[smem:$0x3FAE] =	sst s0  }
0x18: {  	s0 =	sld [smem:$0x3F91];
	_ =	swait.ge [sflag:s4], $0x0  }
0x19: {  	s7 =	sld [smem:$0x3F92]  }
0x1a: {  	s8 =	sadd.s32 $0xFFFFE003, lr  }
0x1b: {  	s9 =	sadd.s32 $0xFFFFFEF7, lr;
	s5 =	simm.s32 $0xFFFFFFFF;
	p2 =	slt.u32 s8, $0xFFFFF086  }
0x1c: {  	p1 =	slt.u32 s9, $0xF7A;
	s5 =	simm.s32 @!p2 $0x0  }
0x1d: {  	s5 =	simm.s32 @p1 $0x1;
	p0 =	seq.s32 s7, s2  }
0x1e: {  	s7 =	smul.u32 @!p0 $0xF7A, s2;
	p2 =	seq.s32 @!p0 s5, $0x0  }
0x1f: {  	s9 =	smul.u32 $0xF7A, s1;
	s8 =	simm.s32 @!p0 $0x1BF5;
	p2 =	por !p2, p0  }
0x20: {  	[sflag:s8] =	ssyncset.s32 @!p0 $0xFFFFF086;
	s6 =	sadd.s32 @!p0 s3, s7;
	s7 =	simm.s32 @!p0 $0x108  }
0x21: {  	s3 =	sadd.s32 s3, s9;
	s6 =	sadd.s32 @!p0 $0x88, s6;
	s7 =	simm.s32 @p2 $0x1082  }
0x22: {  	[simem:s7], [sflag:s8] =	dma.local @!p0 [hbm:s6], $0xF7A  }
0x23: {  	s9 =	sor.u32 $0xD0000000, s2;
	s6 =	simm.s32 $0x108;
	_ =	swait.ge @!p0 [sflag:s8], $0x0  }
0x24: {  	s3 =	sadd.s32 $0x88, s3;
	s6 =	simm.s32 @!p1 $0x1082;
	[sflag:s4] =	ssyncset.s32 $0xFFFFF086  }
0x25: {  	[simem:s6], [sflag:s4] =	dma.local [hbm:s3], $0xF7A  }
0x26: {  	[smem:$0x3F92] =	sst s1;
	(tag) =	ssettag s2;
	_ =	strace s9  }
0x27: {  	s1 =	sld [smem:$0x3FA2]  }
0x28: {  	s2 =	sld [smem:$0x3FA3]  }
0x29: {  	s4 =	sld [smem:$0x3FA5]  }
0x2a: {  	p0 =	seq.s32 s5, $0x0;
	s5 =	sld [smem:$0x3FA6]  }
0x2b: {  	s6 =	sld [smem:$0x3FA7]  }
0x2c: {  	s7 =	sld [smem:$0x3FA8]  }
0x2d: {  	s3 =	simm.s32 $0x108;
	s8 =	sld [smem:$0x3FA9]  }
0x2e: {  	s3 =	simm.s32 @!p0 $0x1082;
	s9 =	sld [smem:$0x3FAA]  }
0x2f: {  	lr =	sadd.s32 s0, s3;
	s0 =	sld [smem:$0x3FA1]  }
0x30: {  	s3 =	sld [smem:$0x3FA4]  }
0x31: {  	[smem:$0x3FAD] =	sst s10  }
0x32: {  	s10 =	sld [smem:$0x3FAB];
	_ =	sdelay $0x3  }
0x33: {  	p0 =	seq.s32 s10, $0x1;
	s10 =	sld [smem:$0x3FAD];
	_ =	sdelay $0x3  }
0x34: {  	[smem:$0x3FAD] =	sst s10  }
0x35: {  	s10 =	sld [smem:$0x3FAC];
	_ =	sdelay $0x3  }
0x36: {  	p1 =	seq.s32 s10, $0x1;
	s10 =	sld [smem:$0x3FAD];
	_ =	sdelay $0x3  }
0x37: {  	[smem:$0x3FAD] =	sst s10  }
0x38: {  	s10 =	sld [smem:$0x3FAE]  }
0x39: {  	_ = 	snop;
	(pc) =	sbr.ind lr, $3  }
0x3a: {  	_ = 	snop  }
0x3b: {  	_ = 	snop  }
0x3c: {  	p2 =	seq.s32 s10, $0x1;
	s10 =	sld [smem:$0x3FAD]  }
0x3d: {  	_ =	shalt  }
0x3e: {  	_ =	shalt  }
0x3f: {  	_ =	shalt  }
0x40: {  	_ =	shalt  }
0x41: {  	_ =	shalt  }
0x42: {  	_ =	shalt  }
0x43: {  	_ =	shalt  }
0x44: {  	_ =	shalt  }
0x45: {  	_ =	shalt  }
0x46: {  	_ =	shalt  }
0x47: {  	_ =	shalt  }
0x48: {  	_ =	shalt  }
0x49: {  	_ =	shalt  }
0x4a: {  	_ =	shalt  }
0x4b: {  	_ =	shalt  }
0x4c: {  	_ =	shalt  }
0x4d: {  	_ =	shalt  }
0x4e: {  	_ =	shalt  }
0x4f: {  	_ =	shalt  }
0x50: {  	_ =	shalt  }
0x51: {  	_ =	shalt  }
0x52: {  	_ =	shalt  }
0x53: {  	_ =	shalt  }
0x54: {  	_ =	shalt  }
0x55: {  	_ =	shalt  }
0x56: {  	_ =	shalt  }
0x57: {  	_ =	shalt  }
0x58: {  	_ =	shalt  }
0x59: {  	_ =	shalt  }
0x5a: {  	_ =	shalt  }
0x5b: {  	_ =	shalt  }
0x5c: {  	_ =	shalt  }
0x5d: {  	_ =	shalt  }
0x5e: {  	_ =	shalt  }
0x5f: {  	_ =	shalt  }
0x60: {  	_ =	shalt  }
0x61: {  	_ =	shalt  }
0x62: {  	_ =	shalt  }
0x63: {  	_ =	shalt  }
0x64: {  	_ =	shalt  }
0x65: {  	_ =	shalt  }
0x66: {  	_ =	shalt  }
0x67: {  	_ =	shalt  }
0x68: {  	_ =	shalt  }
0x69: {  	_ =	shalt  }
0x6a: {  	_ =	shalt  }
0x6b: {  	_ =	shalt  }
0x6c: {  	_ =	shalt  }
0x6d: {  	_ =	shalt  }
0x6e: {  	_ =	shalt  }
0x6f: {  	_ =	shalt  }
0x70: {  	_ =	shalt  }
0x71: {  	_ =	shalt  }
0x72: {  	_ =	shalt  }
0x73: {  	_ =	shalt  }
0x74: {  	_ =	shalt  }
0x75: {  	_ =	shalt  }
0x76: {  	_ =	shalt  }
0x77: {  	_ =	shalt  }
0x78: {  	_ =	shalt  }
0x79: {  	_ =	shalt  }
0x7a: {  	_ =	shalt  }
0x7b: {  	_ =	shalt  }
0x7c: {  	_ =	shalt  }
0x7d: {  	_ =	shalt  }
0x7e: {  	_ =	shalt  }
0x7f: {  	_ =	shalt  }
0x80: {  	_ =	shalt  }
0x81: {  	_ =	shalt  }
0x82: {  	_ =	shalt  }
0x83: {  	_ =	shalt  }
0x84: {  	_ =	shalt  }
0x85: {  	_ =	shalt  }
0x86: {  	_ =	shalt  }
0x87: {  	_ =	shalt  }
.Lfunc_end0:
.L_simem_size_0:
called_computation_lowered:
.L_overlay_start_0:
0x88: {  	s2 =	sld [smem:$0x3FD9]  }
0x89: {  	s3 =	sld [smem:$0x3FFE];
	_ =	sdelay $0x1  }
0x8a: {  	s1 =	srdreg.scid  }
0x8b: {  	s0 =	sand.u32 $0x1, s1  }
0x8c: {  	s16 =	sshll.u32 s0, $0xA;
	s2 =	sadd.s32 s3, s2  }
0x8d: {  	s2 =	sadd.s32 s2, s16  }
0x8e: {  	[smem:$0x3FB9] =	sst s2  }
0x8f: {  	_ = 	snop  }
0x90: {  	(tm) =	ssettm $0x1  }
0x91: {  	s17 =	sld [smem:$0x3FFB];
	_ =	sdelay $0x3  }
0x92: {  	_ =	strace s17  }
0x93: {  	s2 =	sld [smem:$0x3FFC];
	_ =	sdelay $0x3  }
0x94: {  	_ =	strace s2  }
0x95: {  	s2 =	sld [smem:$0x3FFD];
	_ =	sdelay $0x3  }
0x96: {  	_ =	strace s2  }
0x97: {  	_ =	strace $0x8FFFFFFF  }
0x98: {  	s18 =	sld [smem:$0x3FDB];
	_ =	sdelay $0x1  }
0x99: {  	s19 =	simm.s32 $_scs_section_size  }
0x9a: {  	s4 =	simm.s32 $_size__tile_overlayer_lowered;
	s5 =	simm.s32 $_tile_overlayer_lowered  }
0x9b: {  	s22 =	simm.s32 $0x1BFF;
	s21 =	sshll.u32 s5, $0x1;
	s2 =	sadd.s32 s19, s18  }
0x9c: {  	s6 =	simm.s32 $0x0;
	s20 =	sshll.u32 s4, $0x1;
	s4 =	sadd.s32 s21, s2  }
0x9d: {  	[timem:s6], [sflag:s22] =	dma.local [hbm:s4], s20  }
0x9e: {  	_ =	swait.ge [sflag:s22], s20  }
0x9f: {  	s3 =	ssub.s32 $0x0, s20;
	[sflag:s22] =	ssyncset.done $0x0  }
0xa0: {  	[sflag:s22] =	ssyncadd.s32 s3;
	_ =	sdelay $0x1  }
0xa1: {  	s23 =	simm.s32 $0x1B8B  }
0xa2: {  	_ =	swait.ge [sflag:s23], $0x1  }
0xa3: {  	[sflag:s23] =	ssyncset.done $0x0  }
0xa4: {  	s25 =	simm.s32 $0x1B8E;
	s24 =	sld [smem:$0x3FFE];
	[sflag:s23] =	ssyncadd.s32 $0xFFFFFFFF  }
0xa5: {  	s26 =	simm.s32 $execute0_lowered;
	[smem:$0x3FD2] =	sst s25  }
0xa6: {  	s4 =	sshll.u32 s26, $0x1;
	_ =	strace $0x80000046;
	[dreg:$0x1] =	wrdreg $0xFFFFFFFF  }
0xa7: {  	s28 =	simm.s32 $_size_execute0_lowered;
	s2 =	sadd.s32 s2, s4;
	[dreg:$0x0] =	wrdreg $0x0  }
0xa8: {  	s4 =	sshll.u32 s28, $0x1;
	[dreg:$0x2] =	wrdreg s2  }
0xa9: {  	[dreg:$0x3] =	wrdreg s4  }
0xaa: {  	[dreg:$0x4] =	wrdreg $0xC0  }
0xab: {  	_ =	task [dreg:s6], $0x5FFFF  }
0xac: {  	[dreg:$0x1] =	wrdreg $0xFFFFFFFF  }
0xad: {  	[dreg:$0x0] =	wrdreg $0x60  }
0xae: {  	[dreg:$0x2] =	wrdreg s24  }
0xaf: {  	[dreg:$0x3] =	wrdreg $0xBA000  }
0xb0: {  	[dreg:$0x4] =	wrdreg $0x9  }
0xb1: {  	_ =	task.clear_ibuf [dreg:s6], $0x5FFFF;
	_ =	strace $0x90000046  }
0xb2: {  	s29 =	simm.s32 $0x9;
	_ =	strace $0x80000048  }
0xb3: {  	_ =	swait.ge [sflag:s29], $0x1  }
0xb4: {  	[sflag:s29] =	ssyncadd.s32 $0xFFFFFFFF  }
0xb5: {  	_ =	strace $0x90000048  }
0xb6: {  	_ =	sfence  }
0xb7: {  	s30 =	sld [smem:$0x0];
	_ =	sdelay $0x2  }
0xb8: {  	s31 =	sshll.u32 s1, $0xD;
	s1 =	sshrl.u32 s1, $0x2  }
0xb9: {  	s3 =	sand.u32 $0x4000, s31;
	s1 =	sadd.s32 s1, s30  }
0xba: {  	s0 =	sor.u32 s3, s0;
	s1 =	sshll.u32 s1, $0x11  }
0xbb: {  	s0 =	sor.u32 s1, s0  }
0xbc: {  	s0 =	sadd.s32 $0x8F2B, s0  }
0xbd: {  	[sflag:s0] =	ssyncadd.remote.s32 $0x1  }
0xbe: {  	_ =	sfence.sel $0xFFFF  }
0xbf: {  	[dreg:$0x0] =	wrdreg $0xFFFFFFFF;
	(pc) =	sbr.abs _section_cstart, $3  }
0xc0: {  	[dreg:$0x1] =	wrdreg $0xFFFFFFFF  }
0xc1: {  	_ =	task.clear_ibuf [dreg:s6], $0x2FFFF;
	_ =	strace $0x9FFFFFFF  }
0xc2: {  	(tm) =	ssettm $0x7FFFFFFF  }
0xc3: {  	_ =	shalt  }
tec
execute0_lowered:
.L_overlay_start_1:
0x0: {  	(tag) =	ssettag $0x1  }
0x1: {  	s0 =	rddreg [dreg:$0x0]  }
0x2: {  	s1 =	rddreg [dreg:$0x1];
	s2 =	srdreg.scid;
	s3 =	simm.s32 $0x0  }
0x3: {  	s11 =	stileid.u32;
	s29 =	simm.s32 $0xB400;
	s30 =	simm.s32 $0xB800  }
0x4: {  	s31 =	simm.s32 $0x7;
	s2 =	sand.u32 $0x1, s2;
	s6 =	smul.u32 $0x13C00, s11  }
0x5: {  	[smem:$0x7FF] =	sst s3;
	s4 =	sadd.s32 $0x18400, s0;
	s9 =	smul.u32 $0x4F000, s11  }
0x6: {  	s7 =	sadd.s32 $0x3400, s0;
	s8 =	sadd.s32 $0xDC00, s0;
	s19 =	smul.u32 $0xA8, s11  }
0x7: {  	s17 =	sshll.u32 s11, $0x1;
	s5 =	smul.u32 $0x13C000, s2;
	s18 =	ssub.s32 $0x2, s2  }
0x8: {  	_ =	strace $0x80000047;
	s10 =	sshrl.u32 s18, $0x1;
	s9 =	sshrl.u32 s9, $0x2  }
0x9: {  	s5 =	sadd.s32 s6, s5;
	s6 =	sor.u32 s2, s17;
	s24 =	sadd.s32 s9, s1  }
0xa: {  	s2 =	smul.u32 $0x54, s2;
	s20 =	sadd.s32 $0x3C00, s24;
	[dreg:$0x9] =	wrdreg s24  }
0xb: {  	s9 =	simm.s32 $0x1;
	s21 =	sadd.s32 $0x7800, s24;
	[dreg:$0xa] =	wrdreg s20  }
0xc: {  	s5 =	sshrl.u32 s5, $0x3;
	s22 =	sadd.s32 $0xB400, s24;
	[dreg:$0xb] =	wrdreg s21  }
0xd: {  	s6 =	smul.u32 $0x540, s6;
	s23 =	sadd.s32 $0xF000, s24;
	[dreg:$0xc] =	wrdreg s22  }
0xe: {  	s25 =	sadd.s32 $0x12C00, s24;
	s0 =	sadd.s32 s5, s0;
	[dreg:$0xd] =	wrdreg s23  }
0xf: {  	s5 =	ssub.s32 s18, s10;
	[dreg:$0xe] =	wrdreg s25;
	s2 =	sadd.s32 s2, s19  }
0x10: {  	s10 =	simm.s32 $0xB880;
	s26 =	sadd.s32 s7, s6;
	s28 =	sor.u32 $0x10, s6  }
0x11: {  	s11 =	sadd.s32 s8, s6;
	s2 =	sshll.u32 s2, $0x4;
	s6 =	sor.u32 $0x20, s6  }
0x12: {  	s0 =	sadd.s32 $0x3F600, s0;
	s17 =	smax.u32 s5, $0x1;
	[dreg:$0xf] =	wrdreg s26  }
0x13: {  	[dreg:$0x10] =	wrdreg s11;
	s12 =	sadd.s32 s7, s28;
	s13 =	sadd.s32 s8, s28  }
0x14: {  	s14 =	sadd.s32 $0x80, s2;
	s15 =	sadd.s32 s7, s6;
	[dreg:$0x15] =	wrdreg s0  }
0x15: {  	s6 =	sadd.s32 s8, s6;
	[dreg:$0x16] =	wrdreg s17;
	s19 =	sadd.s32 $0x40, s2  }
0x16: {  	s21 =	sadd.s32 $0x60, s2;
	s25 =	sadd.s32 s2, s7;
	[dreg:$0x11] =	wrdreg s12  }
0x17: {  	s2 =	sadd.s32 s2, s8;
	s11 =	simm.s32 $0xB700;
	[dreg:$0x12] =	wrdreg s13  }
0x18: {  	s17 =	simm.s32 $0xB500;
	s0 =	simm.s32 $0x78;
	[dreg:$0x13] =	wrdreg s15  }
0x19: {  	[dreg:$0x14] =	wrdreg s6;
	s16 =	sadd.s32 s14, s7;
	s18 =	sadd.s32 s14, s8  }
0x1a: {  	s20 =	sadd.s32 s19, s7;
	s22 =	sadd.s32 s21, s7;
	s23 =	sadd.s32 s21, s8  }
0x1b: {  	s26 =	sadd.s32 $0x30, s25;
	s8 =	sadd.s32 s19, s8;
	[dreg:$0x3] =	wrdreg s16  }
0x1c: {  	s28 =	sadd.s32 $0x30, s2;
	s13 =	simm.s32 $0x4;
	[dreg:$0x4] =	wrdreg s18  }
0x1d: {  	s6 =	simm.s32 $0xB580;
	s7 =	simm.s32 $0x8;
	[dreg:$0x5] =	wrdreg s22  }
0x1e: {  	s19 =	simm.s32 $0x3C00;
	s12 =	simm.s32 $0x9;
	[dreg:$0x6] =	wrdreg s23  }
0x1f: {  	s14 =	simm.s32 $0x2;
	s15 =	simm.s32 $0xA;
	[dreg:$0x7] =	wrdreg s26  }
0x20: {  	s21 =	simm.s32 $0xC;
	[dreg:$0x8] =	wrdreg s28;
	s26 =	simm.s32 $0xB480  }
0x21: {  	v0 =	vimm.f32 $0.0e+00;
	s16 =	simm.s32 $0xB780;
	s18 =	simm.s32 $0xB;
	s22 =	simm.s32 $0x0  }
.LBB2_1:
0x22: {  	[dreg:$0x17] =	wrdreg s22;
	s22 =	simm.s32 $0x0;
	s23 =	simm.s32 $0x200  }
.LBB2_2:
0x23: {  	p0 =	sne.s32 s23, $0xEE00;
	[tilespmem:s22+$0x70] =	vst v0  }
0x24: {  	[tilespmem:s22+$0x0] =	vst v0  }
0x25: {  	[tilespmem:s22+$0x10] =	vst v0  }
.Ltmp0:
0x26: {  	[tilespmem:s22+$0x20] =	vst v0;
	(pc) =	sbr.rel @p0 .LBB2_2-.Ltmp0, $4  }
0x27: {  	[tilespmem:s22+$0x30] =	vst v0  }
0x28: {  	[tilespmem:s22+$0x40] =	vst v0  }
0x29: {  	[tilespmem:s22+$0x50] =	vst v0  }
0x2a: {  	[tilespmem:s22+$0x60] =	vst v0;
	s22 =	sshra.s32 s23, $0x2;
	s23 =	sadd.s32 $0x200, s23  }
0x2b: {  	[tilespmem:s22+$0x70] =	vst v0  }
0x2c: {  	[tilespmem:s22+$0x0] =	vst v0  }
0x2d: {  	[tilespmem:s22+$0x10] =	vst v0  }
0x2e: {  	[tilespmem:s22+$0x20] =	vst v0  }
0x2f: {  	[tilespmem:s22+$0x30] =	vst v0  }
0x30: {  	[tilespmem:s22+$0x40] =	vst v0  }
0x31: {  	[tilespmem:s22+$0x50] =	vst v0  }
0x32: {  	[tilespmem:s22+$0x60] =	vst v0;
	s22 =	simm.s32 $0x0  }
0x33: {  	[spmem:s24] =	stream.linear.scatter [tilespmem:s22], [sflag:$0x4], $0x3C00, $0x38;
	[tilespmem:$0x1F600] =	vst v63  }
0x34: {  	s2 =	rddreg [dreg:$0xa]  }
0x35: {  	[spmem:s2] =	stream.linear.scatter [tilespmem:s22], [sflag:$0x4], $0x3C00, $0x38;
	[tilespmem:$0x1F600] =	vst v63  }
0x36: {  	s5 =	rddreg [dreg:$0xb]  }
0x37: {  	[spmem:s5] =	stream.linear.scatter [tilespmem:s22], [sflag:$0x4], $0x3C00, $0x38;
	[tilespmem:$0x1F600] =	vst v63  }
0x38: {  	s23 =	rddreg [dreg:$0xc]  }
0x39: {  	[spmem:s23] =	stream.linear.scatter [tilespmem:s22], [sflag:$0x4], $0x3C00, $0x38;
	[tilespmem:$0x1F600] =	vst v63  }
0x3a: {  	s24 =	rddreg [dreg:$0xd]  }
0x3b: {  	[spmem:s24] =	stream.linear.scatter [tilespmem:s22], [sflag:$0x4], $0x3C00, $0x38;
	[tilespmem:$0x1F600] =	vst v63  }
0x3c: {  	s25 =	rddreg [dreg:$0xe]  }
0x3d: {  	[spmem:s25] =	stream.linear.scatter [tilespmem:s22], [sflag:$0x4], $0x1000, $0x38;
	[tilespmem:$0x1F600] =	vst v63  }
0x3e: {  	s28 =	rddreg [dreg:$0xf]  }
0x3f: {  	[tilespmem:s29], [sflag:$0x7] =	stream.linear.gather [hbm4b:s28+s22], $0x80, $0x38;
	[tilespmem:$0x1F600] =	vst v63  }
0x40: {  	s5 =	rddreg [dreg:$0x10]  }
0x41: {  	[tilespmem:s11], [sflag:$0x7] =	stream.linear.gather [hbm4b:s5+s22], $0x80, $0x38;
	[tilespmem:$0x1F600] =	vst v63  }
0x42: {  	s23 =	rddreg [dreg:$0x11]  }
0x43: {  	[tilespmem:s26], [sflag:$0x8] =	stream.linear.gather [hbm4b:s23+s22], $0x80, $0x38;
	[tilespmem:$0x1F600] =	vst v63  }
0x44: {  	s24 =	rddreg [dreg:$0x12]  }
0x45: {  	[tilespmem:s16], [sflag:$0x8] =	stream.linear.gather [hbm4b:s24+s22], $0x80, $0x38;
	[tilespmem:$0x1F600] =	vst v63  }
0x46: {  	s25 =	rddreg [dreg:$0x13]  }
0x47: {  	[tilespmem:s17], [sflag:$0x9] =	stream.linear.gather [hbm4b:s25+s22], $0x80, $0x38;
	[tilespmem:$0x1F600] =	vst v63  }
0x48: {  	s28 =	rddreg [dreg:$0x14]  }
0x49: {  	[tilespmem:s30], [sflag:$0x9] =	stream.linear.gather [hbm4b:s28+s22], $0x80, $0x38;
	[tilespmem:$0x1F600] =	vst v63  }
0x4a: {  	_ =	swait.ge [sflag:s13], $0x3C00  }
0x4b: {  	[sflag:s13] =	ssyncset.done $0x0  }
0x4c: {  	[sflag:s13] =	ssyncadd.s32 $0xFFFFC400  }
0x4d: {  	_ =	swait.ge [sflag:s13], $0x3C00  }
0x4e: {  	[sflag:s13] =	ssyncset.done $0x0  }
0x4f: {  	[sflag:s13] =	ssyncadd.s32 $0xFFFFC400  }
0x50: {  	_ =	swait.ge [sflag:s13], $0x3C00  }
0x51: {  	[sflag:s13] =	ssyncset.done $0x0  }
0x52: {  	[sflag:s13] =	ssyncadd.s32 $0xFFFFC400  }
0x53: {  	_ =	swait.ge [sflag:s13], $0x3C00  }
0x54: {  	[sflag:s13] =	ssyncset.done $0x0  }
0x55: {  	[sflag:s13] =	ssyncadd.s32 $0xFFFFC400  }
0x56: {  	_ =	swait.ge [sflag:s13], $0x3C00  }
0x57: {  	[sflag:s13] =	ssyncset.done $0x0  }
0x58: {  	[sflag:s13] =	ssyncadd.s32 $0xFFFFC400  }
0x59: {  	_ =	swait.ge [sflag:s13], $0x1000  }
0x5a: {  	[sflag:s13] =	ssyncset.done $0x0  }
0x5b: {  	p0 =	por $0x1, $0x1;
	[sflag:s13] =	ssyncadd.s32 $0xFFFFF000  }
0x5c: {  	s22 =	simm.s32 @!p0 $0x4;
	[bflag:$0x0] =	sbarrier.arrive $0xFFFF  }
0x5d: {  	_ =	swait.ge @!p0 [sflag:s22], $0x3C00  }
0x5e: {  	s23 =	rddreg [dreg:$0x7];
	[sflag:s22] =	ssyncset.done @!p0 $0x0  }
0x5f: {  	s2 =	rddreg [dreg:$0x8];
	[sflag:s22] =	ssyncadd.s32 @!p0 $0xFFFFC400;
	s5 =	sadd.s32 $0x0, s23  }
0x60: {  	[tilespmem:s6], [sflag:$0xA] =	stream.linear.gather [hbm4b:s5+s3], $0x80, $0x38;
	[tilespmem:$0x1F600] =	vst v63  }
0x61: {  	s13 =	sadd.s32 $0x0, s2  }
0x62: {  	[tilespmem:s10], [sflag:$0xA] =	stream.linear.gather [hbm4b:s13+s3], $0x80, $0x38;
	[tilespmem:$0x1F600] =	vst v63  }
0x63: {  	_ =	swait.ge [sflag:s31], $0x80  }
0x64: {  	[sflag:s31] =	ssyncset.done $0x0  }
0x65: {  	[sflag:s31] =	ssyncadd.s32 $0xFFFFFF80  }
0x66: {  	_ =	swait.ge [sflag:s31], $0x80  }
0x67: {  	[sflag:s31] =	ssyncset.done $0x0  }
0x68: {  	s22 =	simm.s32 @!p0 $0x3;
	[sflag:s31] =	ssyncadd.s32 $0xFFFFFF80  }
0x69: {  	[tilespmem:s3], [sflag:$0x1] =	stream.indirect.gather [hbm4b:s4+s0], $0x80, s29, s0, $0xb8;
	[tilespmem:$0x1F600] =	vst v63  }
0x6a: {  	_ =	swait.ge @!p0 [sflag:s22], $0x3C00  }
0x6b: {  	s24 =	simm.s32 @!p0 $0x5;
	s25 =	simm.s32 @!p0 $0x78;
	[sflag:s22] =	ssyncset.done @!p0 $0x0  }
0x6c: {  	s23 =	simm.s32 @!p0 $0x7800;
	[sflag:s22] =	ssyncadd.s32 @!p0 $0xFFFFC400;
	s22 =	simm.s32 @!p0 $0xB980  }
0x6d: {  	[spmem:s1] =	stream.indirect.scatter.add.f32 @!p0 [tilespmem:s23], [sflag:$0x6], $0x80, s22, s25, $0xb8;
	[tilespmem:$0x1F600] =	vst v63  }
0x6e: {  	_ =	swait.ge @!p0 [sflag:s24], $0x3C00  }
0x6f: {  	[sflag:s24] =	ssyncset.done @!p0 $0x0  }
0x70: {  	s28 =	simm.s32 $0xB600;
	s23 =	sadd.s32 $0x0, s20;
	[sflag:s24] =	ssyncadd.s32 @!p0 $0xFFFFC400  }
0x71: {  	[tilespmem:s28], [sflag:$0xB] =	stream.linear.gather [hbm4b:s23+s3], $0x80, $0x38;
	[tilespmem:$0x1F600] =	vst v63  }
0x72: {  	s10 =	simm.s32 $0xB900;
	s25 =	sadd.s32 $0x0, s8  }
0x73: {  	[tilespmem:s10], [sflag:$0xB] =	stream.linear.gather [hbm4b:s25+s3], $0x80, $0x38;
	[tilespmem:$0x1F600] =	vst v63  }
0x74: {  	_ =	swait.ge [sflag:s7], $0x80  }
0x75: {  	[sflag:s7] =	ssyncset.done $0x0  }
0x76: {  	[sflag:s7] =	ssyncadd.s32 $0xFFFFFF80  }
0x77: {  	_ =	swait.ge [sflag:s7], $0x80  }
0x78: {  	[sflag:s7] =	ssyncset.done $0x0  }
0x79: {  	[sflag:s7] =	ssyncadd.s32 $0xFFFFFF80  }
0x7a: {  	[tilespmem:s19], [sflag:$0x2] =	stream.indirect.gather [hbm4b:s4+s0], $0x80, s26, s0, $0xb8;
	[tilespmem:$0x1F600] =	vst v63  }
0x7b: {  	_ =	swait.ge [sflag:s9], $0x3C00  }
0x7c: {  	[sflag:s9] =	ssyncset.done $0x0  }
0x7d: {  	s24 =	simm.s32 @!p0 $0x6;
	[sflag:s9] =	ssyncadd.s32 $0xFFFFC400  }
0x7e: {  	[spmem:s1] =	stream.indirect.scatter.add.f32 [tilespmem:s3], [sflag:$0x4], $0x80, s11, s0, $0xb8;
	[tilespmem:$0x1F600] =	vst v63  }
0x7f: {  	_ =	swait.ge @!p0 [sflag:s24], $0x3C00  }
0x80: {  	[sflag:s24] =	ssyncset.done @!p0 $0x0  }
0x81: {  	s2 =	simm.s32 $0xB680;
	s22 =	sadd.s32 $0x10, s23;
	[sflag:s24] =	ssyncadd.s32 @!p0 $0xFFFFC400  }
0x82: {  	[tilespmem:s2], [sflag:$0xC] =	stream.linear.gather [hbm4b:s22+s3], $0x80, $0x38;
	[tilespmem:$0x1F600] =	vst v63  }
0x83: {  	s24 =	sadd.s32 $0x10, s25;
	s25 =	simm.s32 $0xB980  }
0x84: {  	[tilespmem:s25], [sflag:$0xC] =	stream.linear.gather [hbm4b:s24+s3], $0x80, $0x38;
	[tilespmem:$0x1F600] =	vst v63  }
0x85: {  	_ =	swait.ge [sflag:s12], $0x80  }
0x86: {  	[sflag:s12] =	ssyncset.done $0x0  }
0x87: {  	[sflag:s12] =	ssyncadd.s32 $0xFFFFFF80  }
0x88: {  	_ =	swait.ge [sflag:s12], $0x80  }
0x89: {  	[sflag:s12] =	ssyncset.done $0x0  }
0x8a: {  	s26 =	simm.s32 $0x7800;
	[sflag:s12] =	ssyncadd.s32 $0xFFFFFF80  }
0x8b: {  	[tilespmem:s26], [sflag:$0x3] =	stream.indirect.gather [hbm4b:s4+s0], $0x80, s17, s0, $0xb8;
	[tilespmem:$0x1F600] =	vst v63  }
0x8c: {  	_ =	swait.ge [sflag:s14], $0x3C00  }
0x8d: {  	[sflag:s14] =	ssyncset.done $0x0  }
0x8e: {  	s5 =	simm.s32 $0x4;
	p0 =	por $0x0, $0x0;
	[sflag:s14] =	ssyncadd.s32 $0xFFFFC400  }
0x8f: {  	[spmem:s1] =	stream.indirect.scatter.add.f32 [tilespmem:s19], [sflag:$0x5], $0x80, s16, s0, $0xb8;
	[tilespmem:$0x1F600] =	vst v63  }
0x90: {  	s24 =	simm.s32 @!p0 $0x0;
	_ =	swait.ge [sflag:s5], $0x3C00  }
0x91: {  	s25 =	simm.s32 @!p0 $0xB400;
	s22 =	rddreg [dreg:$0x5];
	[sflag:s5] =	ssyncset.done $0x0  }
0x92: {  	s23 =	rddreg [dreg:$0x6];
	[sflag:s5] =	ssyncadd.s32 $0xFFFFC400;
	s22 =	sadd.s32 @!p0 $0x0, s22  }
0x93: {  	[tilespmem:s25], [sflag:$0x7] =	stream.linear.gather @!p0 [hbm4b:s22+s24], $0x80, $0x38;
	[tilespmem:$0x1F600] =	vst v63  }
0x94: {  	s23 =	sadd.s32 @!p0 $0x0, s23;
	s22 =	simm.s32 @!p0 $0xB700  }
0x95: {  	[tilespmem:s22], [sflag:$0x7] =	stream.linear.gather @!p0 [hbm4b:s23+s24], $0x80, $0x38;
	[tilespmem:$0x1F600] =	vst v63  }
0x96: {  	_ =	swait.ge [sflag:s15], $0x80  }
0x97: {  	[sflag:s15] =	ssyncset.done $0x0  }
0x98: {  	[sflag:s15] =	ssyncadd.s32 $0xFFFFFF80  }
0x99: {  	_ =	swait.ge [sflag:s15], $0x80  }
0x9a: {  	[sflag:s15] =	ssyncset.done $0x0  }
0x9b: {  	s13 =	simm.s32 $0xB580;
	s17 =	simm.s32 $0x3;
	[sflag:s15] =	ssyncadd.s32 $0xFFFFFF80  }
0x9c: {  	[tilespmem:s3], [sflag:$0x1] =	stream.indirect.gather [hbm4b:s4+s0], $0x80, s13, s0, $0xb8;
	[tilespmem:$0x1F600] =	vst v63  }
0x9d: {  	_ =	swait.ge [sflag:s17], $0x3C00  }
0x9e: {  	[sflag:s17] =	ssyncset.done $0x0  }
0x9f: {  	s5 =	simm.s32 $0x5;
	[sflag:s17] =	ssyncadd.s32 $0xFFFFC400  }
0xa0: {  	[spmem:s1] =	stream.indirect.scatter.add.f32 [tilespmem:s26], [sflag:$0x6], $0x80, s30, s0, $0xb8;
	[tilespmem:$0x1F600] =	vst v63  }
0xa1: {  	_ =	swait.ge [sflag:s5], $0x3C00  }
0xa2: {  	s25 =	simm.s32 @!p0 $0xB480;
	s22 =	sadd.s32 @!p0 $0x0, s20;
	[sflag:s5] =	ssyncset.done $0x0  }
0xa3: {  	s23 =	sadd.s32 @!p0 $0x0, s8;
	s22 =	sadd.s32 @!p0 $0x30, s22;
	[sflag:s5] =	ssyncadd.s32 $0xFFFFC400  }
0xa4: {  	[tilespmem:s25], [sflag:$0x8] =	stream.linear.gather @!p0 [hbm4b:s22+s24], $0x80, $0x38;
	[tilespmem:$0x1F600] =	vst v63  }
0xa5: {  	s22 =	sadd.s32 @!p0 $0x30, s23;
	s23 =	simm.s32 @!p0 $0xB780  }
0xa6: {  	[tilespmem:s23], [sflag:$0x8] =	stream.linear.gather @!p0 [hbm4b:s22+s24], $0x80, $0x38;
	[tilespmem:$0x1F600] =	vst v63  }
0xa7: {  	_ =	swait.ge [sflag:s18], $0x80  }
0xa8: {  	[sflag:s18] =	ssyncset.done $0x0  }
0xa9: {  	[sflag:s18] =	ssyncadd.s32 $0xFFFFFF80  }
0xaa: {  	_ =	swait.ge [sflag:s18], $0x80  }
0xab: {  	[sflag:s18] =	ssyncset.done $0x0  }
0xac: {  	[sflag:s18] =	ssyncadd.s32 $0xFFFFFF80  }
0xad: {  	[tilespmem:s19], [sflag:$0x2] =	stream.indirect.gather [hbm4b:s4+s0], $0x80, s28, s0, $0xb8;
	[tilespmem:$0x1F600] =	vst v63  }
0xae: {  	_ =	swait.ge [sflag:s9], $0x3C00  }
0xaf: {  	[sflag:s9] =	ssyncset.done $0x0  }
0xb0: {  	s6 =	simm.s32 $0xB880;
	s13 =	simm.s32 $0x6;
	[sflag:s9] =	ssyncadd.s32 $0xFFFFC400  }
0xb1: {  	[spmem:s1] =	stream.indirect.scatter.add.f32 [tilespmem:s3], [sflag:$0x4], $0x80, s6, s0, $0xb8;
	[tilespmem:$0x1F600] =	vst v63  }
0xb2: {  	_ =	swait.ge [sflag:s13], $0x3C00  }
0xb3: {  	s25 =	simm.s32 @!p0 $0xB500;
	s22 =	rddreg [dreg:$0x3];
	[sflag:s13] =	ssyncset.done $0x0  }
0xb4: {  	s23 =	rddreg [dreg:$0x4];
	[sflag:s13] =	ssyncadd.s32 $0xFFFFC400;
	s22 =	sadd.s32 @!p0 $0x0, s22  }
0xb5: {  	[tilespmem:s25], [sflag:$0x9] =	stream.linear.gather @!p0 [hbm4b:s22+s24], $0x80, $0x38;
	[tilespmem:$0x1F600] =	vst v63  }
0xb6: {  	s23 =	sadd.s32 @!p0 $0x0, s23;
	s22 =	simm.s32 @!p0 $0xB800  }
0xb7: {  	[tilespmem:s22], [sflag:$0x9] =	stream.linear.gather @!p0 [hbm4b:s23+s24], $0x80, $0x38;
	[tilespmem:$0x1F600] =	vst v63  }
0xb8: {  	_ =	swait.ge [sflag:s21], $0x80  }
0xb9: {  	[sflag:s21] =	ssyncset.done $0x0  }
0xba: {  	[sflag:s21] =	ssyncadd.s32 $0xFFFFFF80  }
0xbb: {  	_ =	swait.ge [sflag:s21], $0x80  }
0xbc: {  	[sflag:s21] =	ssyncset.done $0x0  }
0xbd: {  	p1 =	por $0x0, $0x0;
	[sflag:s21] =	ssyncadd.s32 $0xFFFFFF80  }
0xbe: {  	[tilespmem:s26], [sflag:$0x3] =	stream.indirect.gather [hbm4b:s4+s0], $0x80, s2, s0, $0xb8;
	[tilespmem:$0x1F600] =	vst v63  }
0xbf: {  	s22 =	simm.s32 $0x60;
	s23 =	simm.s32 $0xC0;
	_ =	swait.ge [sflag:s14], $0x3C00  }
.LBB2_4:
0xc0: {  	[sflag:s14] =	ssyncset.done $0x0  }
0xc1: {  	s25 =	simm.s32 @!p1 $0x4;
	s10 =	simm.s32 $0xB900;
	[sflag:s14] =	ssyncadd.s32 $0xFFFFC400  }
0xc2: {  	[spmem:s1] =	stream.indirect.scatter.add.f32 [tilespmem:s19], [sflag:$0x5], $0x80, s10, s0, $0xb8;
	[tilespmem:$0x1F600] =	vst v63  }
0xc3: {  	_ =	swait.ge @!p1 [sflag:s25], $0x3C00  }
0xc4: {  	s19 =	simm.s32 $0xB580;
	[sflag:s25] =	ssyncset.done @!p1 $0x0;
	s26 =	rddreg [dreg:$0x7]  }
0xc5: {  	s11 =	rddreg [dreg:$0x8];
	[sflag:s25] =	ssyncadd.s32 @!p1 $0xFFFFC400;
	s26 =	sadd.s32 s22, s26  }
0xc6: {  	[tilespmem:s19], [sflag:$0xA] =	stream.linear.gather [hbm4b:s26+s3], $0x80, $0x38;
	[tilespmem:$0x1F600] =	vst v63  }
0xc7: {  	s6 =	simm.s32 $0xB880;
	s25 =	sadd.s32 s22, s11  }
0xc8: {  	[tilespmem:s6], [sflag:$0xA] =	stream.linear.gather [hbm4b:s25+s3], $0x80, $0x38;
	[tilespmem:$0x1F600] =	vst v63  }
0xc9: {  	_ =	swait.ge [sflag:s31], $0x80  }
0xca: {  	[sflag:s31] =	ssyncset.done $0x0  }
0xcb: {  	[sflag:s31] =	ssyncadd.s32 $0xFFFFFF80  }
0xcc: {  	_ =	swait.ge [sflag:s31], $0x80  }
0xcd: {  	[sflag:s31] =	ssyncset.done $0x0  }
0xce: {  	s25 =	simm.s32 @!p1 $0x3;
	[sflag:s31] =	ssyncadd.s32 $0xFFFFFF80  }
0xcf: {  	[tilespmem:s3], [sflag:$0x1] =	stream.indirect.gather [hbm4b:s4+s0], $0x80, s29, s0, $0xb8;
	[tilespmem:$0x1F600] =	vst v63  }
0xd0: {  	_ =	swait.ge @!p1 [sflag:s25], $0x3C00  }
0xd1: {  	s30 =	simm.s32 @!p1 $0xB980;
	s11 =	simm.s32 @!p1 $0x5;
	[sflag:s25] =	ssyncset.done @!p1 $0x0  }
0xd2: {  	s26 =	simm.s32 @!p1 $0x7800;
	s29 =	simm.s32 @!p1 $0x78;
	[sflag:s25] =	ssyncadd.s32 @!p1 $0xFFFFC400  }
0xd3: {  	[spmem:s1] =	stream.indirect.scatter.add.f32 @!p1 [tilespmem:s26], [sflag:$0x6], $0x80, s30, s29, $0xb8;
	[tilespmem:$0x1F600] =	vst v63  }
0xd4: {  	_ =	swait.ge @!p1 [sflag:s11], $0x3C00  }
0xd5: {  	[sflag:s11] =	ssyncset.done @!p1 $0x0  }
0xd6: {  	s28 =	simm.s32 $0xB600;
	s25 =	sadd.s32 s22, s20;
	[sflag:s11] =	ssyncadd.s32 @!p1 $0xFFFFC400  }
0xd7: {  	[tilespmem:s28], [sflag:$0xB] =	stream.linear.gather [hbm4b:s25+s3], $0x80, $0x38;
	[tilespmem:$0x1F600] =	vst v63  }
0xd8: {  	s11 =	sadd.s32 s22, s8  }
0xd9: {  	[tilespmem:s10], [sflag:$0xB] =	stream.linear.gather [hbm4b:s11+s3], $0x80, $0x38;
	[tilespmem:$0x1F600] =	vst v63  }
0xda: {  	_ =	swait.ge [sflag:s7], $0x80  }
0xdb: {  	[sflag:s7] =	ssyncset.done $0x0  }
0xdc: {  	[sflag:s7] =	ssyncadd.s32 $0xFFFFFF80  }
0xdd: {  	_ =	swait.ge [sflag:s7], $0x80  }
0xde: {  	[sflag:s7] =	ssyncset.done $0x0  }
0xdf: {  	s16 =	simm.s32 $0x3C00;
	s26 =	simm.s32 $0xB480;
	[sflag:s7] =	ssyncadd.s32 $0xFFFFFF80  }
0xe0: {  	[tilespmem:s16], [sflag:$0x2] =	stream.indirect.gather [hbm4b:s4+s0], $0x80, s26, s0, $0xb8;
	[tilespmem:$0x1F600] =	vst v63  }
0xe1: {  	_ =	swait.ge [sflag:s9], $0x3C00  }
0xe2: {  	[sflag:s9] =	ssyncset.done $0x0  }
0xe3: {  	s10 =	simm.s32 $0xB700;
	s26 =	simm.s32 @!p1 $0x6;
	[sflag:s9] =	ssyncadd.s32 $0xFFFFC400  }
0xe4: {  	[spmem:s1] =	stream.indirect.scatter.add.f32 [tilespmem:s3], [sflag:$0x4], $0x80, s10, s0, $0xb8;
	[tilespmem:$0x1F600] =	vst v63  }
0xe5: {  	_ =	swait.ge @!p1 [sflag:s26], $0x3C00  }
0xe6: {  	[sflag:s26] =	ssyncset.done @!p1 $0x0  }
0xe7: {  	s25 =	sadd.s32 $0x10, s25;
	[sflag:s26] =	ssyncadd.s32 @!p1 $0xFFFFC400  }
0xe8: {  	[tilespmem:s2], [sflag:$0xC] =	stream.linear.gather [hbm4b:s25+s3], $0x80, $0x38;
	[tilespmem:$0x1F600] =	vst v63  }
0xe9: {  	s11 =	sadd.s32 $0x10, s11;
	s25 =	simm.s32 $0xB980  }
0xea: {  	[tilespmem:s25], [sflag:$0xC] =	stream.linear.gather [hbm4b:s11+s3], $0x80, $0x38;
	[tilespmem:$0x1F600] =	vst v63  }
0xeb: {  	_ =	swait.ge [sflag:s12], $0x80  }
0xec: {  	[sflag:s12] =	ssyncset.done $0x0  }
0xed: {  	[sflag:s12] =	ssyncadd.s32 $0xFFFFFF80  }
0xee: {  	_ =	swait.ge [sflag:s12], $0x80  }
0xef: {  	[sflag:s12] =	ssyncset.done $0x0  }
0xf0: {  	s10 =	simm.s32 $0x7800;
	s26 =	simm.s32 $0xB500;
	[sflag:s12] =	ssyncadd.s32 $0xFFFFFF80  }
0xf1: {  	[tilespmem:s10], [sflag:$0x3] =	stream.indirect.gather [hbm4b:s4+s0], $0x80, s26, s0, $0xb8;
	[tilespmem:$0x1F600] =	vst v63  }
0xf2: {  	_ =	swait.ge [sflag:s14], $0x3C00  }
0xf3: {  	[sflag:s14] =	ssyncset.done $0x0  }
0xf4: {  	s11 =	simm.s32 $0xB780;
	s25 =	simm.s32 $0x4;
	[sflag:s14] =	ssyncadd.s32 $0xFFFFC400  }
0xf5: {  	[spmem:s1] =	stream.indirect.scatter.add.f32 [tilespmem:s16], [sflag:$0x5], $0x80, s11, s0, $0xb8;
	[tilespmem:$0x1F600] =	vst v63  }
0xf6: {  	_ =	swait.ge [sflag:s25], $0x3C00  }
0xf7: {  	p1 =	seq.s32 s22, $0x4E0;
	s11 =	rddreg [dreg:$0x5]  }
0xf8: {  	s30 =	simm.s32 @!p1 $0xB400;
	[sflag:s25] =	ssyncset.done $0x0;
	s26 =	rddreg [dreg:$0x6]  }
0xf9: {  	[sflag:s25] =	ssyncadd.s32 $0xFFFFC400;
	s25 =	simm.s32 @!p1 $0x0;
	s11 =	sadd.s32 @!p1 s22, s11  }
0xfa: {  	[tilespmem:s30], [sflag:$0x7] =	stream.linear.gather @!p1 [hbm4b:s11+s25], $0x80, $0x38;
	[tilespmem:$0x1F600] =	vst v63  }
0xfb: {  	s2 =	simm.s32 @!p1 $0xB700;
	s11 =	sadd.s32 @!p1 s22, s26  }
0xfc: {  	[tilespmem:s2], [sflag:$0x7] =	stream.linear.gather @!p1 [hbm4b:s11+s25], $0x80, $0x38;
	[tilespmem:$0x1F600] =	vst v63  }
0xfd: {  	_ =	swait.ge [sflag:s15], $0x80  }
0xfe: {  	[sflag:s15] =	ssyncset.done $0x0  }
0xff: {  	[sflag:s15] =	ssyncadd.s32 $0xFFFFFF80  }
0x100: {  	_ =	swait.ge [sflag:s15], $0x80  }
0x101: {  	[sflag:s15] =	ssyncset.done $0x0  }
0x102: {  	[sflag:s15] =	ssyncadd.s32 $0xFFFFFF80  }
0x103: {  	[tilespmem:s3], [sflag:$0x1] =	stream.indirect.gather [hbm4b:s4+s0], $0x80, s19, s0, $0xb8;
	[tilespmem:$0x1F600] =	vst v63  }
0x104: {  	_ =	swait.ge [sflag:s17], $0x3C00  }
0x105: {  	[sflag:s17] =	ssyncset.done $0x0  }
0x106: {  	s30 =	simm.s32 $0xB800;
	[sflag:s17] =	ssyncadd.s32 $0xFFFFC400  }
0x107: {  	[spmem:s1] =	stream.indirect.scatter.add.f32 [tilespmem:s10], [sflag:$0x6], $0x80, s30, s0, $0xb8;
	[tilespmem:$0x1F600] =	vst v63  }
0x108: {  	s29 =	sadd.s32 @!p1 s22, s20;
	_ =	swait.ge [sflag:s5], $0x3C00  }
0x109: {  	s26 =	sadd.s32 @!p1 $0x30, s29;
	[sflag:s5] =	ssyncset.done $0x0  }
0x10a: {  	s29 =	sadd.s32 @!p1 s22, s8;
	s11 =	simm.s32 @!p1 $0xB480;
	[sflag:s5] =	ssyncadd.s32 $0xFFFFC400  }
0x10b: {  	[tilespmem:s11], [sflag:$0x8] =	stream.linear.gather @!p1 [hbm4b:s26+s25], $0x80, $0x38;
	[tilespmem:$0x1F600] =	vst v63  }
0x10c: {  	s2 =	sadd.s32 @!p1 $0x30, s29;
	s29 =	simm.s32 @!p1 $0xB780  }
0x10d: {  	[tilespmem:s29], [sflag:$0x8] =	stream.linear.gather @!p1 [hbm4b:s2+s25], $0x80, $0x38;
	[tilespmem:$0x1F600] =	vst v63  }
0x10e: {  	_ =	swait.ge [sflag:s18], $0x80  }
0x10f: {  	[sflag:s18] =	ssyncset.done $0x0  }
0x110: {  	[sflag:s18] =	ssyncadd.s32 $0xFFFFFF80  }
0x111: {  	_ =	swait.ge [sflag:s18], $0x80  }
0x112: {  	[sflag:s18] =	ssyncset.done $0x0  }
0x113: {  	s19 =	simm.s32 $0x3C00;
	[sflag:s18] =	ssyncadd.s32 $0xFFFFFF80  }
0x114: {  	[tilespmem:s19], [sflag:$0x2] =	stream.indirect.gather [hbm4b:s4+s0], $0x80, s28, s0, $0xb8;
	[tilespmem:$0x1F600] =	vst v63  }
0x115: {  	_ =	swait.ge [sflag:s9], $0x3C00  }
0x116: {  	[sflag:s9] =	ssyncset.done $0x0  }
0x117: {  	[sflag:s9] =	ssyncadd.s32 $0xFFFFC400  }
0x118: {  	[spmem:s1] =	stream.indirect.scatter.add.f32 [tilespmem:s3], [sflag:$0x4], $0x80, s6, s0, $0xb8;
	[tilespmem:$0x1F600] =	vst v63  }
0x119: {  	_ =	swait.ge [sflag:s13], $0x3C00  }
0x11a: {  	s26 =	simm.s32 @!p1 $0xB500;
	s2 =	rddreg [dreg:$0x3];
	[sflag:s13] =	ssyncset.done $0x0  }
0x11b: {  	s11 =	rddreg [dreg:$0x4];
	[sflag:s13] =	ssyncadd.s32 $0xFFFFC400;
	s2 =	sadd.s32 @!p1 s22, s2  }
0x11c: {  	[tilespmem:s26], [sflag:$0x9] =	stream.linear.gather @!p1 [hbm4b:s2+s25], $0x80, $0x38;
	[tilespmem:$0x1F600] =	vst v63  }
0x11d: {  	s29 =	simm.s32 @!p1 $0xB800;
	s2 =	sadd.s32 @!p1 s22, s11  }
0x11e: {  	[tilespmem:s29], [sflag:$0x9] =	stream.linear.gather @!p1 [hbm4b:s2+s25], $0x80, $0x38;
	[tilespmem:$0x1F600] =	vst v63  }
0x11f: {  	_ =	swait.ge [sflag:s21], $0x80  }
0x120: {  	s24 =	smov.u32 s23;
	s23 =	sadd.s32 $0x60, s23;
	[sflag:s21] =	ssyncset.done $0x0  }
0x121: {  	p0 =	sne.s32 s23, $0x540;
	[sflag:s21] =	ssyncadd.s32 $0xFFFFFF80  }
.Ltmp1:
0x122: {  	_ =	swait.ge [sflag:s21], $0x80;
	(pc) =	sbr.rel @p0 .LBB2_4-.Ltmp1, $4  }
0x123: {  	[sflag:s21] =	ssyncset.done $0x0  }
0x124: {  	s22 =	smov.u32 s24;
	s2 =	simm.s32 $0xB680;
	[sflag:s21] =	ssyncadd.s32 $0xFFFFFF80  }
0x125: {  	[tilespmem:s10], [sflag:$0x3] =	stream.indirect.gather [hbm4b:s4+s0], $0x80, s2, s0, $0xb8;
	[tilespmem:$0x1F600] =	vst v63  }
0x126: {  	s29 =	simm.s32 $0xB400;
	p1 =	seq.s32 s22, $0x0;
	_ =	swait.ge [sflag:s14], $0x3C00  }
0x127: {  	[sflag:s14] =	ssyncset.done $0x0  }
0x128: {  	s2 =	simm.s32 @!p1 $0x4;
	s26 =	simm.s32 $0xB900;
	[sflag:s14] =	ssyncadd.s32 $0xFFFFC400  }
0x129: {  	[spmem:s1] =	stream.indirect.scatter.add.f32 [tilespmem:s19], [sflag:$0x5], $0x80, s26, s0, $0xb8;
	[tilespmem:$0x1F600] =	vst v63  }
0x12a: {  	_ =	swait.ge @!p1 [sflag:s2], $0x3C00  }
0x12b: {  	s19 =	simm.s32 $0xB580;
	s11 =	rddreg [dreg:$0x7];
	[sflag:s2] =	ssyncset.done @!p1 $0x0  }
0x12c: {  	s23 =	rddreg [dreg:$0x8];
	[sflag:s2] =	ssyncadd.s32 @!p1 $0xFFFFC400;
	s11 =	sadd.s32 s22, s11  }
0x12d: {  	[tilespmem:s19], [sflag:$0xA] =	stream.linear.gather [hbm4b:s11+s3], $0x80, $0x38;
	[tilespmem:$0x1F600] =	vst v63  }
0x12e: {  	s25 =	simm.s32 $0xB880;
	s23 =	sadd.s32 s22, s23  }
0x12f: {  	[tilespmem:s25], [sflag:$0xA] =	stream.linear.gather [hbm4b:s23+s3], $0x80, $0x38;
	[tilespmem:$0x1F600] =	vst v63  }
0x130: {  	_ =	swait.ge [sflag:s31], $0x80  }
0x131: {  	[sflag:s31] =	ssyncset.done $0x0  }
0x132: {  	[sflag:s31] =	ssyncadd.s32 $0xFFFFFF80  }
0x133: {  	_ =	swait.ge [sflag:s31], $0x80  }
0x134: {  	[sflag:s31] =	ssyncset.done $0x0  }
0x135: {  	s2 =	simm.s32 @!p1 $0x3;
	[sflag:s31] =	ssyncadd.s32 $0xFFFFFF80  }
0x136: {  	[tilespmem:s3], [sflag:$0x1] =	stream.indirect.gather [hbm4b:s4+s0], $0x80, s29, s0, $0xb8;
	[tilespmem:$0x1F600] =	vst v63  }
0x137: {  	_ =	swait.ge @!p1 [sflag:s2], $0x3C00  }
0x138: {  	s24 =	simm.s32 @!p1 $0x78;
	s11 =	simm.s32 @!p1 $0x7800;
	[sflag:s2] =	ssyncset.done @!p1 $0x0  }
0x139: {  	s23 =	simm.s32 @!p1 $0x5;
	[sflag:s2] =	ssyncadd.s32 @!p1 $0xFFFFC400;
	s2 =	simm.s32 @!p1 $0xB980  }
0x13a: {  	[spmem:s1] =	stream.indirect.scatter.add.f32 @!p1 [tilespmem:s11], [sflag:$0x6], $0x80, s2, s24, $0xb8;
	[tilespmem:$0x1F600] =	vst v63  }
0x13b: {  	_ =	swait.ge @!p1 [sflag:s23], $0x3C00  }
0x13c: {  	[sflag:s23] =	ssyncset.done @!p1 $0x0  }
0x13d: {  	s28 =	simm.s32 $0xB600;
	s2 =	sadd.s32 s22, s20;
	[sflag:s23] =	ssyncadd.s32 @!p1 $0xFFFFC400  }
0x13e: {  	[tilespmem:s28], [sflag:$0xB] =	stream.linear.gather [hbm4b:s2+s3], $0x80, $0x38;
	[tilespmem:$0x1F600] =	vst v63  }
0x13f: {  	s11 =	sadd.s32 s22, s8  }
0x140: {  	[tilespmem:s26], [sflag:$0xB] =	stream.linear.gather [hbm4b:s11+s3], $0x80, $0x38;
	[tilespmem:$0x1F600] =	vst v63  }
0x141: {  	_ =	swait.ge [sflag:s7], $0x80  }
0x142: {  	[sflag:s7] =	ssyncset.done $0x0  }
0x143: {  	[sflag:s7] =	ssyncadd.s32 $0xFFFFFF80  }
0x144: {  	_ =	swait.ge [sflag:s7], $0x80  }
0x145: {  	[sflag:s7] =	ssyncset.done $0x0  }
0x146: {  	s6 =	simm.s32 $0x3C00;
	s10 =	simm.s32 $0xB480;
	[sflag:s7] =	ssyncadd.s32 $0xFFFFFF80  }
0x147: {  	[tilespmem:s6], [sflag:$0x2] =	stream.indirect.gather [hbm4b:s4+s0], $0x80, s10, s0, $0xb8;
	[tilespmem:$0x1F600] =	vst v63  }
0x148: {  	_ =	swait.ge [sflag:s9], $0x3C00  }
0x149: {  	[sflag:s9] =	ssyncset.done $0x0  }
0x14a: {  	s24 =	simm.s32 $0xB700;
	s23 =	simm.s32 @!p1 $0x6;
	[sflag:s9] =	ssyncadd.s32 $0xFFFFC400  }
0x14b: {  	[spmem:s1] =	stream.indirect.scatter.add.f32 [tilespmem:s3], [sflag:$0x4], $0x80, s24, s0, $0xb8;
	[tilespmem:$0x1F600] =	vst v63  }
0x14c: {  	_ =	swait.ge @!p1 [sflag:s23], $0x3C00  }
0x14d: {  	[sflag:s23] =	ssyncset.done @!p1 $0x0  }
0x14e: {  	s16 =	simm.s32 $0xB680;
	s2 =	sadd.s32 $0x10, s2;
	[sflag:s23] =	ssyncadd.s32 @!p1 $0xFFFFC400  }
0x14f: {  	[tilespmem:s16], [sflag:$0xC] =	stream.linear.gather [hbm4b:s2+s3], $0x80, $0x38;
	[tilespmem:$0x1F600] =	vst v63  }
0x150: {  	s10 =	simm.s32 $0xB980;
	s16 =	sadd.s32 $0x10, s11  }
0x151: {  	[tilespmem:s10], [sflag:$0xC] =	stream.linear.gather [hbm4b:s16+s3], $0x80, $0x38;
	[tilespmem:$0x1F600] =	vst v63  }
0x152: {  	_ =	swait.ge [sflag:s12], $0x80  }
0x153: {  	[sflag:s12] =	ssyncset.done $0x0  }
0x154: {  	[sflag:s12] =	ssyncadd.s32 $0xFFFFFF80  }
0x155: {  	_ =	swait.ge [sflag:s12], $0x80  }
0x156: {  	[sflag:s12] =	ssyncset.done $0x0  }
0x157: {  	s23 =	simm.s32 $0xB500;
	s16 =	simm.s32 $0x7800;
	[sflag:s12] =	ssyncadd.s32 $0xFFFFFF80  }
0x158: {  	[tilespmem:s16], [sflag:$0x3] =	stream.indirect.gather [hbm4b:s4+s0], $0x80, s23, s0, $0xb8;
	[tilespmem:$0x1F600] =	vst v63  }
0x159: {  	_ =	swait.ge [sflag:s14], $0x3C00  }
0x15a: {  	[sflag:s14] =	ssyncset.done $0x0  }
0x15b: {  	s24 =	simm.s32 $0xB780;
	[sflag:s14] =	ssyncadd.s32 $0xFFFFC400  }
0x15c: {  	[spmem:s1] =	stream.indirect.scatter.add.f32 [tilespmem:s6], [sflag:$0x5], $0x80, s24, s0, $0xb8;
	[tilespmem:$0x1F600] =	vst v63  }
0x15d: {  	p0 =	seq.s32 s22, $0x4E0;
	s6 =	simm.s32 $0x4  }
0x15e: {  	s23 =	simm.s32 @!p0 $0x0;
	_ =	swait.ge [sflag:s6], $0x3C00  }
0x15f: {  	s24 =	simm.s32 @!p0 $0xB400;
	s2 =	rddreg [dreg:$0x5];
	[sflag:s6] =	ssyncset.done $0x0  }
0x160: {  	s11 =	rddreg [dreg:$0x6];
	[sflag:s6] =	ssyncadd.s32 $0xFFFFC400;
	s2 =	sadd.s32 @!p0 s22, s2  }
0x161: {  	[tilespmem:s24], [sflag:$0x7] =	stream.linear.gather @!p0 [hbm4b:s2+s23], $0x80, $0x38;
	[tilespmem:$0x1F600] =	vst v63  }
0x162: {  	s11 =	sadd.s32 @!p0 s22, s11;
	s2 =	simm.s32 @!p0 $0xB700  }
0x163: {  	[tilespmem:s2], [sflag:$0x7] =	stream.linear.gather @!p0 [hbm4b:s11+s23], $0x80, $0x38;
	[tilespmem:$0x1F600] =	vst v63  }
0x164: {  	_ =	swait.ge [sflag:s15], $0x80  }
0x165: {  	[sflag:s15] =	ssyncset.done $0x0  }
0x166: {  	[sflag:s15] =	ssyncadd.s32 $0xFFFFFF80  }
0x167: {  	_ =	swait.ge [sflag:s15], $0x80  }
0x168: {  	[sflag:s15] =	ssyncset.done $0x0  }
0x169: {  	[sflag:s15] =	ssyncadd.s32 $0xFFFFFF80  }
0x16a: {  	[tilespmem:s3], [sflag:$0x1] =	stream.indirect.gather [hbm4b:s4+s0], $0x80, s19, s0, $0xb8;
	[tilespmem:$0x1F600] =	vst v63  }
0x16b: {  	_ =	swait.ge [sflag:s17], $0x3C00  }
0x16c: {  	[sflag:s17] =	ssyncset.done $0x0  }
0x16d: {  	[sflag:s17] =	ssyncadd.s32 $0xFFFFC400  }
0x16e: {  	[spmem:s1] =	stream.indirect.scatter.add.f32 [tilespmem:s16], [sflag:$0x6], $0x80, s30, s0, $0xb8;
	[tilespmem:$0x1F600] =	vst v63  }
0x16f: {  	_ =	swait.ge [sflag:s5], $0x3C00  }
0x170: {  	s24 =	simm.s32 @!p0 $0xB480;
	s2 =	sadd.s32 @!p0 s22, s20;
	[sflag:s5] =	ssyncset.done $0x0  }
0x171: {  	s11 =	sadd.s32 @!p0 s22, s8;
	s2 =	sadd.s32 @!p0 $0x30, s2;
	[sflag:s5] =	ssyncadd.s32 $0xFFFFC400  }
0x172: {  	[tilespmem:s24], [sflag:$0x8] =	stream.linear.gather @!p0 [hbm4b:s2+s23], $0x80, $0x38;
	[tilespmem:$0x1F600] =	vst v63  }
0x173: {  	s2 =	sadd.s32 @!p0 $0x30, s11;
	s11 =	simm.s32 @!p0 $0xB780  }
0x174: {  	[tilespmem:s11], [sflag:$0x8] =	stream.linear.gather @!p0 [hbm4b:s2+s23], $0x80, $0x38;
	[tilespmem:$0x1F600] =	vst v63  }
0x175: {  	_ =	swait.ge [sflag:s18], $0x80  }
0x176: {  	[sflag:s18] =	ssyncset.done $0x0  }
0x177: {  	[sflag:s18] =	ssyncadd.s32 $0xFFFFFF80  }
0x178: {  	_ =	swait.ge [sflag:s18], $0x80  }
0x179: {  	[sflag:s18] =	ssyncset.done $0x0  }
0x17a: {  	s19 =	simm.s32 $0x3C00;
	[sflag:s18] =	ssyncadd.s32 $0xFFFFFF80  }
0x17b: {  	[tilespmem:s19], [sflag:$0x2] =	stream.indirect.gather [hbm4b:s4+s0], $0x80, s28, s0, $0xb8;
	[tilespmem:$0x1F600] =	vst v63  }
0x17c: {  	_ =	swait.ge [sflag:s9], $0x3C00  }
0x17d: {  	[sflag:s9] =	ssyncset.done $0x0  }
0x17e: {  	[sflag:s9] =	ssyncadd.s32 $0xFFFFC400  }
0x17f: {  	[spmem:s1] =	stream.indirect.scatter.add.f32 [tilespmem:s3], [sflag:$0x4], $0x80, s25, s0, $0xb8;
	[tilespmem:$0x1F600] =	vst v63  }
0x180: {  	_ =	swait.ge [sflag:s13], $0x3C00  }
0x181: {  	s24 =	simm.s32 @!p0 $0xB500;
	s2 =	rddreg [dreg:$0x3];
	[sflag:s13] =	ssyncset.done $0x0  }
0x182: {  	s11 =	rddreg [dreg:$0x4];
	[sflag:s13] =	ssyncadd.s32 $0xFFFFC400;
	s2 =	sadd.s32 @!p0 s22, s2  }
0x183: {  	[tilespmem:s24], [sflag:$0x9] =	stream.linear.gather @!p0 [hbm4b:s2+s23], $0x80, $0x38;
	[tilespmem:$0x1F600] =	vst v63  }
0x184: {  	s2 =	sadd.s32 @!p0 s22, s11;
	s11 =	simm.s32 @!p0 $0xB800  }
0x185: {  	[tilespmem:s11], [sflag:$0x9] =	stream.linear.gather @!p0 [hbm4b:s2+s23], $0x80, $0x38;
	[tilespmem:$0x1F600] =	vst v63  }
0x186: {  	_ =	swait.ge [sflag:s21], $0x80  }
0x187: {  	[sflag:s21] =	ssyncset.done $0x0  }
0x188: {  	[sflag:s21] =	ssyncadd.s32 $0xFFFFFF80  }
0x189: {  	_ =	swait.ge [sflag:s21], $0x80  }
0x18a: {  	[sflag:s21] =	ssyncset.done $0x0  }
0x18b: {  	s11 =	simm.s32 $0xB680;
	[sflag:s21] =	ssyncadd.s32 $0xFFFFFF80  }
0x18c: {  	[tilespmem:s16], [sflag:$0x3] =	stream.indirect.gather [hbm4b:s4+s0], $0x80, s11, s0, $0xb8;
	[tilespmem:$0x1F600] =	vst v63  }
0x18d: {  	_ =	swait.ge [sflag:s14], $0x3C00  }
0x18e: {  	[sflag:s14] =	ssyncset.done $0x0  }
0x18f: {  	[sflag:s14] =	ssyncadd.s32 $0xFFFFC400  }
0x190: {  	[spmem:s1] =	stream.indirect.scatter.add.f32 [tilespmem:s19], [sflag:$0x5], $0x80, s26, s0, $0xb8;
	[tilespmem:$0x1F600] =	vst v63  }
0x191: {  	_ =	swait.ge [sflag:s17], $0x3C00  }
0x192: {  	[sflag:s17] =	ssyncset.done $0x0  }
0x193: {  	[sflag:s17] =	ssyncadd.s32 $0xFFFFC400  }
0x194: {  	[spmem:s1] =	stream.indirect.scatter.add.f32 [tilespmem:s16], [sflag:$0x6], $0x80, s10, s0, $0xb8;
	[tilespmem:$0x1F600] =	vst v63  }
0x195: {  	_ =	swait.ge [sflag:s6], $0x3C00  }
0x196: {  	[sflag:s6] =	ssyncset.done $0x0  }
0x197: {  	[sflag:s6] =	ssyncadd.s32 $0xFFFFC400  }
0x198: {  	_ =	swait.ge [sflag:s5], $0x3C00  }
0x199: {  	[sflag:s5] =	ssyncset.done $0x0  }
0x19a: {  	[sflag:s5] =	ssyncadd.s32 $0xFFFFC400  }
0x19b: {  	_ =	swait.ge [sflag:s13], $0x3C00  }
0x19c: {  	[sflag:s13] =	ssyncset.done $0x0  }
0x19d: {  	[sflag:s13] =	ssyncadd.s32 $0xFFFFC400  }
0x19e: {  	s17 =	stileid.u32;
	[bflag:$0x0] =	sbarrier.arrive $0xFFFF  }
0x19f: {  	s25 =	simm.s32 $0xD;
	s2 =	sshll.u32 s17, $0x6;
	s24 =	rddreg [dreg:$0x9]  }
0x1a0: {  	s2 =	sor.u32 $0x1C0D, s2;
	s23 =	rddreg [dreg:$0x15];
	s22 =	sshrl.u32 s24, $0x3  }
0x1a1: {  	[hbm:s23], [sflag:s2] =	dma.local [spmem:s22], $0x2780  }
0x1a2: {  	_ =	swait.ge [sflag:s25], $0x2780  }
0x1a3: {  	s26 =	rddreg [dreg:$0x17]  }
0x1a4: {  	s28 =	rddreg [dreg:$0x16];
	s22 =	sadd.s32 $0x1, s26  }
0x1a5: {  	p0 =	sne.s32 s22, s28  }
.Ltmp2:
0x1a6: {  	_ = 	snop;
	(pc) =	sbr.rel @p0 .LBB2_1-.Ltmp2, $4  }
0x1a7: {  	_ = 	snop  }
0x1a8: {  	s11 =	simm.s32 $0xB700;
	s16 =	simm.s32 $0xB780;
	s17 =	simm.s32 $0xB500  }
0x1a9: {  	s10 =	simm.s32 $0xB880;
	s6 =	simm.s32 $0xB580;
	[sflag:s25] =	ssyncset.done $0x0  }
0x1aa: {  	s13 =	simm.s32 $0x4;
	[sflag:s25] =	ssyncadd.s32 $0xFFFFD880;
	s26 =	simm.s32 $0xB480  }
0x1ab: {  	_ =	sfence.sel $0x180000  }
0x1ac: {  	[bflag:$0x0] =	sbarrier.arrive $0xFFFF  }
0x1ad: {  	_ =	strace $0x90000047  }
0x1ae: {  	s0 =	stileid.u32;
	[bflag:$0x2] =	sbarrier.arrive $0xFFFF  }
0x1af: {  	p0 =	sne.s32 s0, $0x0;
	s0 =	rddreg [dreg:$0x2]  }
0x1b0: {  	s0 =	sadd.s32 @!p0 $0x100000, s0  }
0x1b1: {  	[sflag:s0] =	ssyncadd.tile.s32 @!p0 $0x1;
	_ =	shalt  }
.Lfunc_end2:
_tile_overlayer_lowered:
.L_overlay_start_2:
0x1b2: {  	(tag) =	ssettag $0x2  }
0x1b3: {  	s0 =	rddreg [dreg:$0x0];
	s2 =	stileid.u32  }
0x1b4: {  	s1 =	rddreg [dreg:$0x1];
	p0 =	sne.s32 s2, $0x0  }
0x1b5: {  	s3 =	rddreg [dreg:$0x2];
	[bflag:$0x3] =	sbarrier.arrive $0xFFFF;
	s2 =	simm.s32 @!p0 $0x1C0D  }
0x1b6: {  	[timem:s3], [sflag:s2] =	dma.local @!p0 [hbm:s0], s1  }
0x1b7: {  	s0 =	simm.s32 @!p0 $0xD  }
0x1b8: {  	_ =	swait.ge @!p0 [sflag:s0], s1  }
0x1b9: {  	s1 =	ssub.s32 @!p0 $0x0, s1;
	[sflag:s0] =	ssyncset.done @!p0 $0x0  }
0x1ba: {  	[sflag:s0] =	ssyncadd.s32 @!p0 s1  }
0x1bb: {  	[bflag:$0x3] =	sbarrier.arrive $0xFFFF  }
0x1bc: {  	_ =	shalt  }

</sc_bundles>
